<compile_context>
chip_gen: v7x
topology: tpu7x:2x2x1
jax: 0.10.2.dev20260603
libtpu: 0.0.44.dev20260713+nightly
codegen_flags: <defaults>
</compile_context>

<pallas_src>
import jax
import jax.numpy as jnp
from jax import lax
from jax.experimental import pallas as pl
from jax.experimental.pallas import tpu as pltpu
from jax.experimental.pallas import tpu_sc as plsc

NC = 2
NS = 16
NW = NC * NS
LANES = 16

VOCAB = 1000000
EMBED = 64
ROWS = 4096
COLS = 200
CHUNK = 128
NBUF = 4
NT = 2
NGROUPS = COLS // NBUF
PITCH = CHUNK + 1
SCALE = float(EMBED) ** 0.5

NBLK = VOCAB // CHUNK
BPW = (NBLK + NW - 1) // NW
VTAIL = NBLK * CHUNK


def _relayout_body(tt_hbm, tail_hbm, t2_hbm, tin_v, tout_v, rsem, wsem):
    wid = lax.axis_index("s") * NC + lax.axis_index("c")
    iota = lax.broadcasted_iota(jnp.int32, (LANES,), 0)

    def blk(k):
        return jnp.minimum(wid + NW * k, NBLK - 1)

    def fire_read(k, t):
        pltpu.make_async_copy(
            tt_hbm.at[:, pl.ds(blk(k) * CHUNK, CHUNK)], tin_v.at[t], rsem
        ).start()

    def wait_read(t):
        pltpu.make_async_copy(
            tt_hbm.at[:, pl.ds(0, CHUNK)], tin_v.at[t], rsem
        ).wait()

    def wait_write(t):
        pltpu.make_async_copy(
            tout_v.at[t], t2_hbm.at[pl.ds(0, EMBED)], wsem
        ).wait()

    def transpose(t):
        @plsc.parallel_loop(0, LANES)
        def d_body(d):
            perm = (iota + d) & (LANES - 1)
            cvecs = [perm + cb * LANES for cb in range(EMBED // LANES)]

            @plsc.parallel_loop(0, CHUNK // LANES, unroll=2)
            def j_body(j):
                row = iota + j * LANES
                jrow = jax.lax.shift_right_logical(row, 1)
                hrow = jax.lax.shift_left(row & 1, 6)
                for c_v in cvecs:
                    v = plsc.load_gather(tin_v.at[t], [c_v, row])
                    plsc.store_scatter(
                        tout_v.at[t], [jrow, hrow + c_v], v
                    )

    fire_read(0, 0)

    def step(k, carry):
        t = lax.rem(k, 2)
        tn = 1 - t
        wait_read(t)
        pl.when(k + 1 < BPW)(lambda: fire_read(k + 1, tn))
        pl.when(k >= 2)(lambda: wait_write(t))
        transpose(t)
        pltpu.make_async_copy(
            tout_v.at[t], t2_hbm.at[pl.ds(blk(k) * EMBED, EMBED)], wsem
        ).start()
        return carry

    lax.fori_loop(0, BPW, step, 0)
    wait_write(0)
    wait_write(1)

    @pl.when(wid == 0)
    def _():
        pltpu.sync_copy(tail_hbm, t2_hbm.at[pl.ds(VTAIL // 2, 32)])


def _gather_body(x_hbm, table_hbm, out_hbm, idx_v, buf_v, bufT_v, gsem, osem):
    wid = lax.axis_index("s") * NC + lax.axis_index("c")
    iota = lax.broadcasted_iota(jnp.int32, (LANES,), 0)

    pltpu.sync_copy(x_hbm.at[wid], idx_v)

    def fire_gather(r, rr):
        pltpu.make_async_copy(
            table_hbm.at[idx_v.at[r]], buf_v.at[rr], gsem
        ).start()

    def wait_gather(rr):
        pltpu.make_async_copy(
            table_hbm.at[idx_v.at[0]], buf_v.at[rr], gsem
        ).wait()

    def wait_one_out():
        pltpu.make_async_copy(
            bufT_v.at[0, :, :, pl.ds(0, CHUNK)], out_hbm.at[0, :, wid], osem
        ).wait()

    cblocks = [((c0 + iota) // 8, (c0 + iota) % 8)
               for c0 in range(0, EMBED, LANES)]

    def transpose_scale(rr, tt):
        @plsc.parallel_loop(0, CHUNK, unroll=8)
        def a_body(a):
            a_splat = jnp.full((LANES,), a, jnp.int32)
            for cb, (ct_i, cs_i) in enumerate(cblocks):
                v = buf_v[rr, a, pl.ds(cb * LANES, LANES)]
                plsc.store_scatter(
                    bufT_v.at[tt], [ct_i, cs_i, a_splat], v * SCALE
                )

    def group(g, carry):
        for rr in range(NBUF):
            r = g * NBUF + rr
            tt = rr % NT
            wait_gather(rr)
            pl.when(r >= NT)(wait_one_out)
            transpose_scale(rr, tt)
            pltpu.make_async_copy(
                bufT_v.at[tt, :, :, pl.ds(0, CHUNK)],
                out_hbm.at[r, :, wid],
                osem,
            ).start()
            pl.when(r + NBUF < COLS)(lambda: fire_gather(r + NBUF, rr))
        return carry

    for rr in range(NBUF):
        fire_gather(rr, rr)
    lax.fori_loop(0, NGROUPS, group, 0)
    for _ in range(NT):
        wait_one_out()


def kernel(x, table):
    mesh = plsc.VectorSubcoreMesh(core_axis_name="c", subcore_axis_name="s")

    tt = table.T
    tail = table[VTAIL:, :].reshape(32, 2 * EMBED)
    t2 = pl.kernel(
        _relayout_body,
        out_type=jax.ShapeDtypeStruct((VOCAB // 2, 2 * EMBED), jnp.float32),
        mesh=mesh,
        scratch_types=[
            pltpu.VMEM((2, EMBED, CHUNK), jnp.float32),
            pltpu.VMEM((2, EMBED, CHUNK), jnp.float32),
            pltpu.SemaphoreType.DMA,
            pltpu.SemaphoreType.DMA,
        ],
        compiler_params=pltpu.CompilerParams(
            use_tc_tiling_on_sc=True, needs_layout_passes=False
        ),
    )(tt, tail)

    xst = x.reshape(NW, CHUNK, COLS).transpose(0, 2, 1).astype(jnp.int32)
    o5 = pl.kernel(
        _gather_body,
        out_type=jax.ShapeDtypeStruct((COLS, 8, NW, 8, CHUNK), jnp.float32),
        mesh=mesh,
        scratch_types=[
            pltpu.VMEM((COLS, CHUNK), jnp.int32),
            pltpu.VMEM((NBUF, CHUNK, EMBED), jnp.float32),
            pltpu.VMEM((NT, 8, 8, PITCH), jnp.float32),
            pltpu.SemaphoreType.DMA,
            pltpu.SemaphoreType.DMA,
        ],
        compiler_params=pltpu.CompilerParams(
            use_tc_tiling_on_sc=False, needs_layout_passes=False
        ),
    )(xst, t2.reshape(VOCAB, EMBED))
    return o5.transpose(2, 4, 0, 1, 3).reshape(ROWS, COLS, EMBED)

# --- scband reference (transcript-rebuilt; emitter-appended) ---
"""Pipeline reference for scband-embedding-670014899160 (READ-ONLY COPY).

The authoritative reference and input builder live on the scoring server;
editing this copy changes nothing except your own understanding.
"""

import jax, jax.numpy as jnp
import numpy as np

VOCAB_SIZE = 1000000
EMBED_SIZE = 64

def setup_inputs(seed: int = 0) -> dict:
    key = jax.random.key(seed)
    k_idx, k_tab = jax.random.split(key)
    x = jax.random.randint(k_idx, (4096, 200), 0, VOCAB_SIZE, dtype=jnp.int64 if jax.config.jax_enable_x64 else jnp.int32)
    table = jax.random.normal(k_tab, (VOCAB_SIZE, EMBED_SIZE), dtype=jnp.float32)
    # padding_idx=0: row 0 is zero
    table = table.at[0].set(0.0)
    return {"x": x, "table": table}

def reference(x, table):
    # nn.Embedding with padding_idx=0 -> row 0 forced to zero
    table = table.at[0].set(0.0)
    emb = jnp.take(table, x, axis=0)
    return emb * (EMBED_SIZE ** 0.5)

if __name__ == "__main__":
    import jax
    _d = setup_inputs()
    print(jax.jit(kernel)(*tuple(_d.values())))

</pallas_src>

<mosaic_0001>
#map = affine_map<(d0, d1) -> (0, 0)>
module attributes {stable_mosaic.version = 14 : i64} {
  func.func @_relayout_body(%arg0: i32, %arg1: i32, %arg2: memref<64x1000000xf32, #tpu.memory_space<hbm>>, %arg3: memref<32x128xf32, #tpu.memory_space<hbm>>, %arg4: memref<500000x128xf32, #tpu.memory_space<hbm>>, %arg5: memref<2x64x128xf32, #tpu.memory_space<vmem>>, %arg6: memref<2x64x128xf32, #tpu.memory_space<vmem>>, %arg7: memref<!tpu.dma_semaphore, #tpu.memory_space<semaphore_mem>>, %arg8: memref<!tpu.dma_semaphore, #tpu.memory_space<semaphore_mem>>) attributes {dimension_semantics = [#tpu.dimension_semantics<core_parallel>, #tpu.dimension_semantics<subcore_parallel>], iteration_bounds = array<i64: 2, 16>, scalar_prefetch = 0 : i64, scratch_operands = 4 : i64, tpu.core_type = #tpu.core_type<sc_vector_subcore>, window_params = [{transform_indices = #map}, {transform_indices = #map}, {transform_indices = #map}]} {
    %mul3A = arith.constant 2 : i32
    %mul3A_0 = arith.muli %arg1, %mul3A : i32
    %add3A = arith.addi %mul3A_0, %arg0 : i32
    %iota3A = tpu.iota {dimensions = array<i32: 0>} : vector<16xi32>
    %add3A_1 = arith.constant 0 : i32
    %add3A_2 = arith.addi %add3A, %add3A_1 : i32
    %min3A = arith.constant 7811 : i32
    %min3A_3 = arith.minsi %add3A_2, %min3A : i32
    %mul3A_4 = arith.constant 128 : i32
    %mul3A_5 = arith.muli %min3A_3, %mul3A_4 : i32
    %dma_start3A = arith.constant 0 : i32
    %dma_start3A_6 = arith.constant 0 : i32
    %dma_start3A_7 = arith.constant 0 : i32
    %dma_start3A_8 = tpu.memref_slice %arg5[%dma_start3A, %dma_start3A_6, %dma_start3A_7] : memref<2x64x128xf32, #tpu.memory_space<vmem>> -> memref<1x64x128xf32, #tpu.memory_space<vmem>>
    %dma_start3A_9 = tpu.memref_squeeze %dma_start3A_8 : memref<1x64x128xf32, #tpu.memory_space<vmem>> -> memref<64x128xf32, #tpu.memory_space<vmem>>
    %dma_start3A_10 = arith.constant 0 : i32
    %dma_start3A_11 = tpu.memref_slice %arg2[%dma_start3A_10, %mul3A_5] : memref<64x1000000xf32, #tpu.memory_space<hbm>> -> memref<64x128xf32, #tpu.memory_space<hbm>>
    %dma_start3A_12 = arith.constant 0 : i32
    %dma_start3A_13 = arith.constant 0 : i32
    %dma_start3A_14 = tpu.memref_slice %arg5[%dma_start3A, %dma_start3A_12, %dma_start3A_13] : memref<2x64x128xf32, #tpu.memory_space<vmem>> -> memref<1x64x128xf32, #tpu.memory_space<vmem>>
    %dma_start3A_15 = tpu.memref_squeeze %dma_start3A_14 : memref<1x64x128xf32, #tpu.memory_space<vmem>> -> memref<64x128xf32, #tpu.memory_space<vmem>>
    %dma_start3A_16 = arith.constant 0 : i32
    %dma_start3A_17 = tpu.memref_slice %arg2[%dma_start3A_16, %mul3A_5] : memref<64x1000000xf32, #tpu.memory_space<hbm>> -> memref<64x128xf32, #tpu.memory_space<hbm>>
    tpu.enqueue_dma source(%dma_start3A_17 : memref<64x128xf32, #tpu.memory_space<hbm>>) target(%dma_start3A_15 : memref<64x128xf32, #tpu.memory_space<vmem>>) target_semaphore(%arg7 : memref<!tpu.dma_semaphore, #tpu.memory_space<semaphore_mem>>)
    %scan3A = arith.constant 0 : i32
    %scan3A_18 = arith.constant 0 : i32
    %scan3A_19 = arith.constant 245 : i32
    %scan3A_20 = arith.addi %scan3A_18, %scan3A_19 : i32
    %scan3A_21 = arith.constant 1 : i32
    scf.for %scan3A_54 = %scan3A_18 to %scan3A_20 step %scan3A_21  : i32 {
      %rem3A = arith.constant 2 : i32
      %rem3A_55 = arith.remsi %scan3A_54, %rem3A : i32
      %sub3A = arith.constant 1 : i32
      %sub3A_56 = arith.subi %sub3A, %rem3A_55 : i32
      %dma_wait3A_57 = arith.constant 0 : i32
      %dma_wait3A_58 = arith.constant 0 : i32
      %dma_wait3A_59 = tpu.memref_slice %arg5[%rem3A_55, %dma_wait3A_57, %dma_wait3A_58] : memref<2x64x128xf32, #tpu.memory_space<vmem>> -> memref<1x64x128xf32, #tpu.memory_space<vmem>>
      %dma_wait3A_60 = tpu.memref_squeeze %dma_wait3A_59 : memref<1x64x128xf32, #tpu.memory_space<vmem>> -> memref<64x128xf32, #tpu.memory_space<vmem>>
      %dma_wait3A_61 = arith.constant 0 : i32
      %dma_wait3A_62 = arith.constant 0 : i32
      %dma_wait3A_63 = tpu.memref_slice %arg2[%dma_wait3A_61, %dma_wait3A_62] : memref<64x1000000xf32, #tpu.memory_space<hbm>> -> memref<64x128xf32, #tpu.memory_space<hbm>>
      %dma_wait3A_64 = arith.constant 0 : i32
      %dma_wait3A_65 = arith.constant 0 : i32
      %dma_wait3A_66 = tpu.memref_slice %arg5[%rem3A_55, %dma_wait3A_64, %dma_wait3A_65] : memref<2x64x128xf32, #tpu.memory_space<vmem>> -> memref<1x64x128xf32, #tpu.memory_space<vmem>>
      %dma_wait3A_67 = tpu.memref_squeeze %dma_wait3A_66 : memref<1x64x128xf32, #tpu.memory_space<vmem>> -> memref<64x128xf32, #tpu.memory_space<vmem>>
      %dma_wait3A_68 = arith.constant 0 : i32
      %dma_wait3A_69 = arith.constant 0 : i32
      %dma_wait3A_70 = tpu.memref_slice %arg2[%dma_wait3A_68, %dma_wait3A_69] : memref<64x1000000xf32, #tpu.memory_space<hbm>> -> memref<64x128xf32, #tpu.memory_space<hbm>>
      tpu.wait_dma2 semaphore(%arg7 : memref<!tpu.dma_semaphore, #tpu.memory_space<semaphore_mem>>) src(%dma_wait3A_70 : memref<64x128xf32, #tpu.memory_space<hbm>>) dst(%dma_wait3A_67 : memref<64x128xf32, #tpu.memory_space<vmem>>)
      %add3A_71 = arith.constant 1 : i32
      %add3A_72 = arith.addi %scan3A_54, %add3A_71 : i32
      %lt3A = arith.constant 245 : i32
      %lt3A_73 = arith.cmpi slt, %add3A_72, %lt3A : i32
      %convert_element_type3A_74 = arith.extui %lt3A_73 : i1 to i32
      %cond3A_75 = arith.constant 0 : i32
      %cond3A_76 = arith.cmpi ne, %convert_element_type3A_74, %cond3A_75 : i32
      scf.if %cond3A_76 {
        %add3A_102 = arith.constant 1 : i32
        %add3A_103 = arith.addi %scan3A_54, %add3A_102 : i32
        %mul3A_104 = arith.constant 32 : i32
        %mul3A_105 = arith.muli %mul3A_104, %add3A_103 : i32
        %add3A_106 = arith.addi %add3A, %mul3A_105 : i32
        %min3A_107 = arith.constant 7811 : i32
        %min3A_108 = arith.minsi %add3A_106, %min3A_107 : i32
        %mul3A_109 = arith.constant 128 : i32
        %mul3A_110 = arith.muli %min3A_108, %mul3A_109 : i32
        %dma_start3A_111 = arith.constant 0 : i32
        %dma_start3A_112 = arith.constant 0 : i32
        %dma_start3A_113 = tpu.memref_slice %arg5[%sub3A_56, %dma_start3A_111, %dma_start3A_112] : memref<2x64x128xf32, #tpu.memory_space<vmem>> -> memref<1x64x128xf32, #tpu.memory_space<vmem>>
        %dma_start3A_114 = tpu.memref_squeeze %dma_start3A_113 : memref<1x64x128xf32, #tpu.memory_space<vmem>> -> memref<64x128xf32, #tpu.memory_space<vmem>>
        %dma_start3A_115 = arith.constant 0 : i32
        %dma_start3A_116 = tpu.memref_slice %arg2[%dma_start3A_115, %mul3A_110] : memref<64x1000000xf32, #tpu.memory_space<hbm>> -> memref<64x128xf32, #tpu.memory_space<hbm>>
        %dma_start3A_117 = arith.constant 0 : i32
        %dma_start3A_118 = arith.constant 0 : i32
        %dma_start3A_119 = tpu.memref_slice %arg5[%sub3A_56, %dma_start3A_117, %dma_start3A_118] : memref<2x64x128xf32, #tpu.memory_space<vmem>> -> memref<1x64x128xf32, #tpu.memory_space<vmem>>
        %dma_start3A_120 = tpu.memref_squeeze %dma_start3A_119 : memref<1x64x128xf32, #tpu.memory_space<vmem>> -> memref<64x128xf32, #tpu.memory_space<vmem>>
        %dma_start3A_121 = arith.constant 0 : i32
        %dma_start3A_122 = tpu.memref_slice %arg2[%dma_start3A_121, %mul3A_110] : memref<64x1000000xf32, #tpu.memory_space<hbm>> -> memref<64x128xf32, #tpu.memory_space<hbm>>
        tpu.enqueue_dma source(%dma_start3A_122 : memref<64x128xf32, #tpu.memory_space<hbm>>) target(%dma_start3A_120 : memref<64x128xf32, #tpu.memory_space<vmem>>) target_semaphore(%arg7 : memref<!tpu.dma_semaphore, #tpu.memory_space<semaphore_mem>>)
      } else {
      }
      %ge3A = arith.constant 2 : i32
      %ge3A_77 = arith.cmpi sge, %scan3A_54, %ge3A : i32
      %convert_element_type3A_78 = arith.extui %ge3A_77 : i1 to i32
      %cond3A_79 = arith.constant 0 : i32
      %cond3A_80 = arith.cmpi ne, %convert_element_type3A_78, %cond3A_79 : i32
      scf.if %cond3A_80 {
        %dma_wait3A_102 = arith.constant 0 : i32
        %dma_wait3A_103 = arith.constant 0 : i32
        %dma_wait3A_104 = tpu.memref_slice %arg6[%rem3A_55, %dma_wait3A_102, %dma_wait3A_103] : memref<2x64x128xf32, #tpu.memory_space<vmem>> -> memref<1x64x128xf32, #tpu.memory_space<vmem>>
        %dma_wait3A_105 = tpu.memref_squeeze %dma_wait3A_104 : memref<1x64x128xf32, #tpu.memory_space<vmem>> -> memref<64x128xf32, #tpu.memory_space<vmem>>
        %dma_wait3A_106 = arith.constant 0 : i32
        %dma_wait3A_107 = arith.constant 0 : i32
        %dma_wait3A_108 = tpu.memref_slice %arg4[%dma_wait3A_106, %dma_wait3A_107] : memref<500000x128xf32, #tpu.memory_space<hbm>> -> memref<64x128xf32, #tpu.memory_space<hbm>>
        %dma_wait3A_109 = arith.constant 0 : i32
        %dma_wait3A_110 = arith.constant 0 : i32
        %dma_wait3A_111 = tpu.memref_slice %arg4[%dma_wait3A_109, %dma_wait3A_110] : memref<500000x128xf32, #tpu.memory_space<hbm>> -> memref<64x128xf32, #tpu.memory_space<hbm>>
        %dma_wait3A_112 = arith.constant 0 : i32
        %dma_wait3A_113 = arith.constant 0 : i32
        %dma_wait3A_114 = tpu.memref_slice %arg6[%rem3A_55, %dma_wait3A_112, %dma_wait3A_113] : memref<2x64x128xf32, #tpu.memory_space<vmem>> -> memref<1x64x128xf32, #tpu.memory_space<vmem>>
        %dma_wait3A_115 = tpu.memref_squeeze %dma_wait3A_114 : memref<1x64x128xf32, #tpu.memory_space<vmem>> -> memref<64x128xf32, #tpu.memory_space<vmem>>
        tpu.wait_dma2 semaphore(%arg8 : memref<!tpu.dma_semaphore, #tpu.memory_space<semaphore_mem>>) src(%dma_wait3A_115 : memref<64x128xf32, #tpu.memory_space<vmem>>) dst(%dma_wait3A_111 : memref<64x128xf32, #tpu.memory_space<hbm>>)
      } else {
      }
      %parallel_loop3A = arith.constant 0 : i32
      %parallel_loop3A_81 = arith.constant 16 : i32
      %parallel_loop3A_82 = arith.constant 1 : i32
      scf.for %parallel_loop3A_102 = %parallel_loop3A to %parallel_loop3A_81 step %parallel_loop3A_82  : i32 {
        %parallel_loop3A_103 = vector.broadcast %parallel_loop3A_102 : i32 to vector<16xi32>
        %parallel_loop3A_104 = arith.addi %iota3A, %parallel_loop3A_103 : vector<16xi32>
        %parallel_loop3A_105 = arith.constant 15 : i32
        %parallel_loop3A_106 = vector.broadcast %parallel_loop3A_105 : i32 to vector<16xi32>
        %parallel_loop3A_107 = arith.andi %parallel_loop3A_104, %parallel_loop3A_106 : vector<16xi32>
        %parallel_loop3A_108 = arith.constant 0 : i32
        %parallel_loop3A_109 = vector.broadcast %parallel_loop3A_108 : i32 to vector<16xi32>
        %parallel_loop3A_110 = arith.addi %parallel_loop3A_107, %parallel_loop3A_109 : vector<16xi32>
        %parallel_loop3A_111 = arith.constant 16 : i32
        %parallel_loop3A_112 = vector.broadcast %parallel_loop3A_111 : i32 to vector<16xi32>
        %parallel_loop3A_113 = arith.addi %parallel_loop3A_107, %parallel_loop3A_112 : vector<16xi32>
        %parallel_loop3A_114 = arith.constant 32 : i32
        %parallel_loop3A_115 = vector.broadcast %parallel_loop3A_114 : i32 to vector<16xi32>
        %parallel_loop3A_116 = arith.addi %parallel_loop3A_107, %parallel_loop3A_115 : vector<16xi32>
        %parallel_loop3A_117 = arith.constant 48 : i32
        %parallel_loop3A_118 = vector.broadcast %parallel_loop3A_117 : i32 to vector<16xi32>
        %parallel_loop3A_119 = arith.addi %parallel_loop3A_107, %parallel_loop3A_118 : vector<16xi32>
        %parallel_loop3A_120 = arith.constant 0 : i32
        %parallel_loop3A_121 = arith.constant 8 : i32
        %parallel_loop3A_122 = arith.constant 1 : i32
        scf.for %parallel_loop3A_123 = %parallel_loop3A_120 to %parallel_loop3A_121 step %parallel_loop3A_122  : i32 {
          %parallel_loop3A_124 = arith.constant 16 : i32
          %parallel_loop3A_125 = arith.muli %parallel_loop3A_123, %parallel_loop3A_124 : i32
          %parallel_loop3A_126 = vector.broadcast %parallel_loop3A_125 : i32 to vector<16xi32>
          %parallel_loop3A_127 = arith.addi %iota3A, %parallel_loop3A_126 : vector<16xi32>
          %parallel_loop3A_128 = arith.constant 1 : i32
          %parallel_loop3A_129 = vector.broadcast %parallel_loop3A_128 : i32 to vector<16xi32>
          %parallel_loop3A_130 = arith.shrui %parallel_loop3A_127, %parallel_loop3A_129 : vector<16xi32>
          %parallel_loop3A_131 = arith.constant 1 : i32
          %parallel_loop3A_132 = vector.broadcast %parallel_loop3A_131 : i32 to vector<16xi32>
          %parallel_loop3A_133 = arith.andi %parallel_loop3A_127, %parallel_loop3A_132 : vector<16xi32>
          %parallel_loop3A_134 = arith.constant 6 : i32
          %parallel_loop3A_135 = vector.broadcast %parallel_loop3A_134 : i32 to vector<16xi32>
          %parallel_loop3A_136 = arith.shli %parallel_loop3A_133, %parallel_loop3A_135 : vector<16xi32>
          %parallel_loop3A_137 = arith.constant 0 : i32
          %parallel_loop3A_138 = arith.constant 0 : i32
          %parallel_loop3A_139 = tpu.memref_slice %arg5[%rem3A_55, %parallel_loop3A_137, %parallel_loop3A_138] : memref<2x64x128xf32, #tpu.memory_space<vmem>> -> memref<1x64x128xf32, #tpu.memory_space<vmem>>
          %parallel_loop3A_140 = tpu.memref_squeeze %parallel_loop3A_139 : memref<1x64x128xf32, #tpu.memory_space<vmem>> -> memref<64x128xf32, #tpu.memory_space<vmem>>
          %parallel_loop3A_141 = tpu.vector_load_idx %parallel_loop3A_140[%parallel_loop3A_110, %parallel_loop3A_127] : memref<64x128xf32, #tpu.memory_space<vmem>>[vector<16xi32>, vector<16xi32>], vector<16xf32>,
          %parallel_loop3A_142 = arith.addi %parallel_loop3A_136, %parallel_loop3A_110 : vector<16xi32>
          %parallel_loop3A_143 = arith.constant 0 : i32
          %parallel_loop3A_144 = arith.constant 0 : i32
          %parallel_loop3A_145 = tpu.memref_slice %arg6[%rem3A_55, %parallel_loop3A_143, %parallel_loop3A_144] : memref<2x64x128xf32, #tpu.memory_space<vmem>> -> memref<1x64x128xf32, #tpu.memory_space<vmem>>
          %parallel_loop3A_146 = tpu.memref_squeeze %parallel_loop3A_145 : memref<1x64x128xf32, #tpu.memory_space<vmem>> -> memref<64x128xf32, #tpu.memory_space<vmem>>
          tpu.vector_store_idx %parallel_loop3A_146[%parallel_loop3A_130, %parallel_loop3A_142], %parallel_loop3A_141 : memref<64x128xf32, #tpu.memory_space<vmem>>[vector<16xi32>, vector<16xi32>], vector<16xf32>,
          %parallel_loop3A_147 = arith.constant 0 : i32
          %parallel_loop3A_148 = arith.constant 0 : i32
          %parallel_loop3A_149 = tpu.memref_slice %arg5[%rem3A_55, %parallel_loop3A_147, %parallel_loop3A_148] : memref<2x64x128xf32, #tpu.memory_space<vmem>> -> memref<1x64x128xf32, #tpu.memory_space<vmem>>
          %parallel_loop3A_150 = tpu.memref_squeeze %parallel_loop3A_149 : memref<1x64x128xf32, #tpu.memory_space<vmem>> -> memref<64x128xf32, #tpu.memory_space<vmem>>
          %parallel_loop3A_151 = tpu.vector_load_idx %parallel_loop3A_150[%parallel_loop3A_113, %parallel_loop3A_127] : memref<64x128xf32, #tpu.memory_space<vmem>>[vector<16xi32>, vector<16xi32>], vector<16xf32>,
          %parallel_loop3A_152 = arith.addi %parallel_loop3A_136, %parallel_loop3A_113 : vector<16xi32>
          %parallel_loop3A_153 = arith.constant 0 : i32
          %parallel_loop3A_154 = arith.constant 0 : i32
          %parallel_loop3A_155 = tpu.memref_slice %arg6[%rem3A_55, %parallel_loop3A_153, %parallel_loop3A_154] : memref<2x64x128xf32, #tpu.memory_space<vmem>> -> memref<1x64x128xf32, #tpu.memory_space<vmem>>
          %parallel_loop3A_156 = tpu.memref_squeeze %parallel_loop3A_155 : memref<1x64x128xf32, #tpu.memory_space<vmem>> -> memref<64x128xf32, #tpu.memory_space<vmem>>
          tpu.vector_store_idx %parallel_loop3A_156[%parallel_loop3A_130, %parallel_loop3A_152], %parallel_loop3A_151 : memref<64x128xf32, #tpu.memory_space<vmem>>[vector<16xi32>, vector<16xi32>], vector<16xf32>,
          %parallel_loop3A_157 = arith.constant 0 : i32
          %parallel_loop3A_158 = arith.constant 0 : i32
          %parallel_loop3A_159 = tpu.memref_slice %arg5[%rem3A_55, %parallel_loop3A_157, %parallel_loop3A_158] : memref<2x64x128xf32, #tpu.memory_space<vmem>> -> memref<1x64x128xf32, #tpu.memory_space<vmem>>
          %parallel_loop3A_160 = tpu.memref_squeeze %parallel_loop3A_159 : memref<1x64x128xf32, #tpu.memory_space<vmem>> -> memref<64x128xf32, #tpu.memory_space<vmem>>
          %parallel_loop3A_161 = tpu.vector_load_idx %parallel_loop3A_160[%parallel_loop3A_116, %parallel_loop3A_127] : memref<64x128xf32, #tpu.memory_space<vmem>>[vector<16xi32>, vector<16xi32>], vector<16xf32>,
          %parallel_loop3A_162 = arith.addi %parallel_loop3A_136, %parallel_loop3A_116 : vector<16xi32>
          %parallel_loop3A_163 = arith.constant 0 : i32
          %parallel_loop3A_164 = arith.constant 0 : i32
          %parallel_loop3A_165 = tpu.memref_slice %arg6[%rem3A_55, %parallel_loop3A_163, %parallel_loop3A_164] : memref<2x64x128xf32, #tpu.memory_space<vmem>> -> memref<1x64x128xf32, #tpu.memory_space<vmem>>
          %parallel_loop3A_166 = tpu.memref_squeeze %parallel_loop3A_165 : memref<1x64x128xf32, #tpu.memory_space<vmem>> -> memref<64x128xf32, #tpu.memory_space<vmem>>
          tpu.vector_store_idx %parallel_loop3A_166[%parallel_loop3A_130, %parallel_loop3A_162], %parallel_loop3A_161 : memref<64x128xf32, #tpu.memory_space<vmem>>[vector<16xi32>, vector<16xi32>], vector<16xf32>,
          %parallel_loop3A_167 = arith.constant 0 : i32
          %parallel_loop3A_168 = arith.constant 0 : i32
          %parallel_loop3A_169 = tpu.memref_slice %arg5[%rem3A_55, %parallel_loop3A_167, %parallel_loop3A_168] : memref<2x64x128xf32, #tpu.memory_space<vmem>> -> memref<1x64x128xf32, #tpu.memory_space<vmem>>
          %parallel_loop3A_170 = tpu.memref_squeeze %parallel_loop3A_169 : memref<1x64x128xf32, #tpu.memory_space<vmem>> -> memref<64x128xf32, #tpu.memory_space<vmem>>
          %parallel_loop3A_171 = tpu.vector_load_idx %parallel_loop3A_170[%parallel_loop3A_119, %parallel_loop3A_127] : memref<64x128xf32, #tpu.memory_space<vmem>>[vector<16xi32>, vector<16xi32>], vector<16xf32>,
          %parallel_loop3A_172 = arith.addi %parallel_loop3A_136, %parallel_loop3A_119 : vector<16xi32>
          %parallel_loop3A_173 = arith.constant 0 : i32
          %parallel_loop3A_174 = arith.constant 0 : i32
          %parallel_loop3A_175 = tpu.memref_slice %arg6[%rem3A_55, %parallel_loop3A_173, %parallel_loop3A_174] : memref<2x64x128xf32, #tpu.memory_space<vmem>> -> memref<1x64x128xf32, #tpu.memory_space<vmem>>
          %parallel_loop3A_176 = tpu.memref_squeeze %parallel_loop3A_175 : memref<1x64x128xf32, #tpu.memory_space<vmem>> -> memref<64x128xf32, #tpu.memory_space<vmem>>
          tpu.vector_store_idx %parallel_loop3A_176[%parallel_loop3A_130, %parallel_loop3A_172], %parallel_loop3A_171 : memref<64x128xf32, #tpu.memory_space<vmem>>[vector<16xi32>, vector<16xi32>], vector<16xf32>,
        } {sc.loop_unroll_factor = 2 : i64, sc.parallel_access}
      } {sc.loop_unroll_factor = 1 : i64, sc.parallel_access}
      %mul3A_83 = arith.constant 32 : i32
      %mul3A_84 = arith.muli %mul3A_83, %scan3A_54 : i32
      %add3A_85 = arith.addi %add3A, %mul3A_84 : i32
      %min3A_86 = arith.constant 7811 : i32
      %min3A_87 = arith.minsi %add3A_85, %min3A_86 : i32
      %mul3A_88 = arith.constant 64 : i32
      %mul3A_89 = arith.muli %min3A_87, %mul3A_88 : i32
      %dma_start3A_90 = arith.constant 0 : i32
      %dma_start3A_91 = arith.constant 0 : i32
      %dma_start3A_92 = tpu.memref_slice %arg6[%rem3A_55, %dma_start3A_90, %dma_start3A_91] : memref<2x64x128xf32, #tpu.memory_space<vmem>> -> memref<1x64x128xf32, #tpu.memory_space<vmem>>
      %dma_start3A_93 = tpu.memref_squeeze %dma_start3A_92 : memref<1x64x128xf32, #tpu.memory_space<vmem>> -> memref<64x128xf32, #tpu.memory_space<vmem>>
      %dma_start3A_94 = arith.constant 0 : i32
      %dma_start3A_95 = tpu.memref_slice %arg4[%mul3A_89, %dma_start3A_94] : memref<500000x128xf32, #tpu.memory_space<hbm>> -> memref<64x128xf32, #tpu.memory_space<hbm>>
      %dma_start3A_96 = arith.constant 0 : i32
      %dma_start3A_97 = tpu.memref_slice %arg4[%mul3A_89, %dma_start3A_96] : memref<500000x128xf32, #tpu.memory_space<hbm>> -> memref<64x128xf32, #tpu.memory_space<hbm>>
      %dma_start3A_98 = arith.constant 0 : i32
      %dma_start3A_99 = arith.constant 0 : i32
      %dma_start3A_100 = tpu.memref_slice %arg6[%rem3A_55, %dma_start3A_98, %dma_start3A_99] : memref<2x64x128xf32, #tpu.memory_space<vmem>> -> memref<1x64x128xf32, #tpu.memory_space<vmem>>
      %dma_start3A_101 = tpu.memref_squeeze %dma_start3A_100 : memref<1x64x128xf32, #tpu.memory_space<vmem>> -> memref<64x128xf32, #tpu.memory_space<vmem>>
      tpu.enqueue_dma source(%dma_start3A_101 : memref<64x128xf32, #tpu.memory_space<vmem>>) target(%dma_start3A_97 : memref<64x128xf32, #tpu.memory_space<hbm>>) target_semaphore(%arg8 : memref<!tpu.dma_semaphore, #tpu.memory_space<semaphore_mem>>)
    }
    %scan3A_22 = arith.constant 245 : i32
    %dma_wait3A = arith.constant 0 : i32
    %dma_wait3A_23 = arith.constant 0 : i32
    %dma_wait3A_24 = arith.constant 0 : i32
    %dma_wait3A_25 = tpu.memref_slice %arg6[%dma_wait3A, %dma_wait3A_23, %dma_wait3A_24] : memref<2x64x128xf32, #tpu.memory_space<vmem>> -> memref<1x64x128xf32, #tpu.memory_space<vmem>>
    %dma_wait3A_26 = tpu.memref_squeeze %dma_wait3A_25 : memref<1x64x128xf32, #tpu.memory_space<vmem>> -> memref<64x128xf32, #tpu.memory_space<vmem>>
    %dma_wait3A_27 = arith.constant 0 : i32
    %dma_wait3A_28 = arith.constant 0 : i32
    %dma_wait3A_29 = tpu.memref_slice %arg4[%dma_wait3A_27, %dma_wait3A_28] : memref<500000x128xf32, #tpu.memory_space<hbm>> -> memref<64x128xf32, #tpu.memory_space<hbm>>
    %dma_wait3A_30 = arith.constant 0 : i32
    %dma_wait3A_31 = arith.constant 0 : i32
    %dma_wait3A_32 = tpu.memref_slice %arg4[%dma_wait3A_30, %dma_wait3A_31] : memref<500000x128xf32, #tpu.memory_space<hbm>> -> memref<64x128xf32, #tpu.memory_space<hbm>>
    %dma_wait3A_33 = arith.constant 0 : i32
    %dma_wait3A_34 = arith.constant 0 : i32
    %dma_wait3A_35 = tpu.memref_slice %arg6[%dma_wait3A, %dma_wait3A_33, %dma_wait3A_34] : memref<2x64x128xf32, #tpu.memory_space<vmem>> -> memref<1x64x128xf32, #tpu.memory_space<vmem>>
    %dma_wait3A_36 = tpu.memref_squeeze %dma_wait3A_35 : memref<1x64x128xf32, #tpu.memory_space<vmem>> -> memref<64x128xf32, #tpu.memory_space<vmem>>
    tpu.wait_dma2 semaphore(%arg8 : memref<!tpu.dma_semaphore, #tpu.memory_space<semaphore_mem>>) src(%dma_wait3A_36 : memref<64x128xf32, #tpu.memory_space<vmem>>) dst(%dma_wait3A_32 : memref<64x128xf32, #tpu.memory_space<hbm>>)
    %dma_wait3A_37 = arith.constant 1 : i32
    %dma_wait3A_38 = arith.constant 0 : i32
    %dma_wait3A_39 = arith.constant 0 : i32
    %dma_wait3A_40 = tpu.memref_slice %arg6[%dma_wait3A_37, %dma_wait3A_38, %dma_wait3A_39] : memref<2x64x128xf32, #tpu.memory_space<vmem>> -> memref<1x64x128xf32, #tpu.memory_space<vmem>>
    %dma_wait3A_41 = tpu.memref_squeeze %dma_wait3A_40 : memref<1x64x128xf32, #tpu.memory_space<vmem>> -> memref<64x128xf32, #tpu.memory_space<vmem>>
    %dma_wait3A_42 = arith.constant 0 : i32
    %dma_wait3A_43 = arith.constant 0 : i32
    %dma_wait3A_44 = tpu.memref_slice %arg4[%dma_wait3A_42, %dma_wait3A_43] : memref<500000x128xf32, #tpu.memory_space<hbm>> -> memref<64x128xf32, #tpu.memory_space<hbm>>
    %dma_wait3A_45 = arith.constant 0 : i32
    %dma_wait3A_46 = arith.constant 0 : i32
    %dma_wait3A_47 = tpu.memref_slice %arg4[%dma_wait3A_45, %dma_wait3A_46] : memref<500000x128xf32, #tpu.memory_space<hbm>> -> memref<64x128xf32, #tpu.memory_space<hbm>>
    %dma_wait3A_48 = arith.constant 0 : i32
    %dma_wait3A_49 = arith.constant 0 : i32
    %dma_wait3A_50 = tpu.memref_slice %arg6[%dma_wait3A_37, %dma_wait3A_48, %dma_wait3A_49] : memref<2x64x128xf32, #tpu.memory_space<vmem>> -> memref<1x64x128xf32, #tpu.memory_space<vmem>>
    %dma_wait3A_51 = tpu.memref_squeeze %dma_wait3A_50 : memref<1x64x128xf32, #tpu.memory_space<vmem>> -> memref<64x128xf32, #tpu.memory_space<vmem>>
    tpu.wait_dma2 semaphore(%arg8 : memref<!tpu.dma_semaphore, #tpu.memory_space<semaphore_mem>>) src(%dma_wait3A_51 : memref<64x128xf32, #tpu.memory_space<vmem>>) dst(%dma_wait3A_47 : memref<64x128xf32, #tpu.memory_space<hbm>>)
    %eq3A = arith.constant 0 : i32
    %eq3A_52 = arith.cmpi eq, %add3A, %eq3A : i32
    %convert_element_type3A = arith.extui %eq3A_52 : i1 to i32
    %cond3A = arith.constant 0 : i32
    %cond3A_53 = arith.cmpi ne, %convert_element_type3A, %cond3A : i32
    scf.if %cond3A_53 {
      "tpu.region"() ({
        %run_scoped3A = tpu.sem_alloc : memref<!tpu.dma_semaphore, #tpu.memory_space<semaphore_mem>>
        %dma_start3A_54 = arith.constant 499968 : i32
        %dma_start3A_55 = arith.constant 0 : i32
        %dma_start3A_56 = tpu.memref_slice %arg4[%dma_start3A_54, %dma_start3A_55] : memref<500000x128xf32, #tpu.memory_space<hbm>> -> memref<32x128xf32, #tpu.memory_space<hbm>>
        tpu.enqueue_dma source(%arg3 : memref<32x128xf32, #tpu.memory_space<hbm>>) target(%dma_start3A_56 : memref<32x128xf32, #tpu.memory_space<hbm>>) target_semaphore(%run_scoped3A : memref<!tpu.dma_semaphore, #tpu.memory_space<semaphore_mem>>)
        %dma_wait3A_57 = arith.constant 499968 : i32
        %dma_wait3A_58 = arith.constant 0 : i32
        %dma_wait3A_59 = tpu.memref_slice %arg4[%dma_wait3A_57, %dma_wait3A_58] : memref<500000x128xf32, #tpu.memory_space<hbm>> -> memref<32x128xf32, #tpu.memory_space<hbm>>
        tpu.wait_dma2 semaphore(%run_scoped3A : memref<!tpu.dma_semaphore, #tpu.memory_space<semaphore_mem>>) src(%arg3 : memref<32x128xf32, #tpu.memory_space<hbm>>) dst(%dma_wait3A_59 : memref<32x128xf32, #tpu.memory_space<hbm>>)
        tpu.yield
      }) : () -> ()
    } else {
    }
    return
  }
}

#map = affine_map<(d0, d1) -> (0, 0, 0)>
#map1 = affine_map<(d0, d1) -> (0, 0)>
#map2 = affine_map<(d0, d1) -> (0, 0, 0, 0, 0)>
module attributes {stable_mosaic.version = 14 : i64} {
  func.func @_gather_body(%arg0: i32, %arg1: i32, %arg2: memref<32x200x128xi32, #tpu.memory_space<hbm>>, %arg3: memref<1000000x64xf32, #tpu.memory_space<hbm>>, %arg4: memref<200x8x32x8x128xf32, #tpu.memory_space<hbm>>, %arg5: memref<200x128xi32, #tpu.memory_space<vmem>>, %arg6: memref<4x128x64xf32, #tpu.memory_space<vmem>>, %arg7: memref<2x8x8x129xf32, #tpu.memory_space<vmem>>, %arg8: memref<!tpu.dma_semaphore, #tpu.memory_space<semaphore_mem>>, %arg9: memref<!tpu.dma_semaphore, #tpu.memory_space<semaphore_mem>>) attributes {dimension_semantics = [#tpu.dimension_semantics<core_parallel>, #tpu.dimension_semantics<subcore_parallel>], iteration_bounds = array<i64: 2, 16>, scalar_prefetch = 0 : i64, scratch_operands = 5 : i64, tpu.core_type = #tpu.core_type<sc_vector_subcore>, window_params = [{transform_indices = #map}, {transform_indices = #map1}, {transform_indices = #map2}]} {
    %mul3A = arith.constant 2 : i32
    %mul3A_0 = arith.muli %arg1, %mul3A : i32
    %add3A = arith.addi %mul3A_0, %arg0 : i32
    %iota3A = tpu.iota {dimensions = array<i32: 0>} : vector<16xi32>
    "tpu.region"() ({
      %run_scoped3A = tpu.sem_alloc : memref<!tpu.dma_semaphore, #tpu.memory_space<semaphore_mem>>
      %dma_start3A_322 = arith.constant 0 : i32
      %dma_start3A_323 = arith.constant 0 : i32
      %dma_start3A_324 = tpu.memref_slice %arg2[%add3A, %dma_start3A_322, %dma_start3A_323] : memref<32x200x128xi32, #tpu.memory_space<hbm>> -> memref<1x200x128xi32, #tpu.memory_space<hbm>>
      %dma_start3A_325 = tpu.memref_squeeze %dma_start3A_324 : memref<1x200x128xi32, #tpu.memory_space<hbm>> -> memref<200x128xi32, #tpu.memory_space<hbm>>
      %dma_start3A_326 = arith.constant 0 : i32
      %dma_start3A_327 = arith.constant 0 : i32
      %dma_start3A_328 = tpu.memref_slice %arg2[%add3A, %dma_start3A_326, %dma_start3A_327] : memref<32x200x128xi32, #tpu.memory_space<hbm>> -> memref<1x200x128xi32, #tpu.memory_space<hbm>>
      %dma_start3A_329 = tpu.memref_squeeze %dma_start3A_328 : memref<1x200x128xi32, #tpu.memory_space<hbm>> -> memref<200x128xi32, #tpu.memory_space<hbm>>
      tpu.enqueue_dma source(%dma_start3A_329 : memref<200x128xi32, #tpu.memory_space<hbm>>) target(%arg5 : memref<200x128xi32, #tpu.memory_space<vmem>>) target_semaphore(%run_scoped3A : memref<!tpu.dma_semaphore, #tpu.memory_space<semaphore_mem>>)
      %dma_wait3A_330 = arith.constant 0 : i32
      %dma_wait3A_331 = arith.constant 0 : i32
      %dma_wait3A_332 = tpu.memref_slice %arg2[%add3A, %dma_wait3A_330, %dma_wait3A_331] : memref<32x200x128xi32, #tpu.memory_space<hbm>> -> memref<1x200x128xi32, #tpu.memory_space<hbm>>
      %dma_wait3A_333 = tpu.memref_squeeze %dma_wait3A_332 : memref<1x200x128xi32, #tpu.memory_space<hbm>> -> memref<200x128xi32, #tpu.memory_space<hbm>>
      %dma_wait3A_334 = arith.constant 0 : i32
      %dma_wait3A_335 = arith.constant 0 : i32
      %dma_wait3A_336 = tpu.memref_slice %arg2[%add3A, %dma_wait3A_334, %dma_wait3A_335] : memref<32x200x128xi32, #tpu.memory_space<hbm>> -> memref<1x200x128xi32, #tpu.memory_space<hbm>>
      %dma_wait3A_337 = tpu.memref_squeeze %dma_wait3A_336 : memref<1x200x128xi32, #tpu.memory_space<hbm>> -> memref<200x128xi32, #tpu.memory_space<hbm>>
      tpu.wait_dma2 semaphore(%run_scoped3A : memref<!tpu.dma_semaphore, #tpu.memory_space<semaphore_mem>>) src(%dma_wait3A_337 : memref<200x128xi32, #tpu.memory_space<hbm>>) dst(%arg5 : memref<200x128xi32, #tpu.memory_space<vmem>>)
      tpu.yield
    }) : () -> ()
    %add3A_1 = arith.constant 0 : i32
    %add3A_2 = vector.broadcast %add3A_1 : i32 to vector<16xi32>
    %add3A_3 = arith.addi %add3A_2, %iota3A : vector<16xi32>
    %jit3A = arith.constant 8 : i32
    %div3A = vector.broadcast %jit3A : i32 to vector<16xi32>
    %div3A_4 = arith.divsi %add3A_3, %div3A : vector<16xi32>
    %sign3A = arith.constant 0 : i32
    %sign3A_5 = vector.broadcast %sign3A : i32 to vector<16xi32>
    %sign3A_6 = arith.cmpi sgt, %add3A_3, %sign3A_5 : vector<16xi32>
    %sign3A_7 = arith.extui %sign3A_6 : vector<16xi1> to vector<16xi32>
    %sign3A_8 = arith.constant 0 : i32
    %sign3A_9 = vector.broadcast %sign3A_8 : i32 to vector<16xi32>
    %sign3A_10 = arith.cmpi slt, %add3A_3, %sign3A_9 : vector<16xi32>
    %sign3A_11 = arith.extui %sign3A_10 : vector<16xi1> to vector<16xi32>
    %sign3A_12 = arith.subi %sign3A_7, %sign3A_11 : vector<16xi32>
    %sign3A_13 = arith.constant 0 : i32
    %sign3A_14 = arith.cmpi sgt, %jit3A, %sign3A_13 : i32
    %sign3A_15 = arith.extui %sign3A_14 : i1 to i32
    %sign3A_16 = arith.constant 0 : i32
    %sign3A_17 = arith.cmpi slt, %jit3A, %sign3A_16 : i32
    %sign3A_18 = arith.extui %sign3A_17 : i1 to i32
    %sign3A_19 = arith.subi %sign3A_15, %sign3A_18 : i32
    %ne3A = vector.broadcast %sign3A_19 : i32 to vector<16xi32>
    %ne3A_20 = arith.cmpi ne, %sign3A_12, %ne3A : vector<16xi32>
    %rem3A = vector.broadcast %jit3A : i32 to vector<16xi32>
    %rem3A_21 = arith.remsi %add3A_3, %rem3A : vector<16xi32>
    %ne3A_22 = arith.constant 0 : i32
    %ne3A_23 = vector.broadcast %ne3A_22 : i32 to vector<16xi32>
    %ne3A_24 = arith.cmpi ne, %rem3A_21, %ne3A_23 : vector<16xi32>
    %and3A = arith.andi %ne3A_20, %ne3A_24 : vector<16xi1>
    %sub3A = arith.constant 1 : i32
    %sub3A_25 = vector.broadcast %sub3A : i32 to vector<16xi32>
    %sub3A_26 = arith.subi %div3A_4, %sub3A_25 : vector<16xi32>
    %select_n3A = arith.select %and3A, %sub3A_26, %div3A_4 : vector<16xi1>, vector<16xi32>
    %add3A_27 = arith.constant 0 : i32
    %add3A_28 = vector.broadcast %add3A_27 : i32 to vector<16xi32>
    %add3A_29 = arith.addi %add3A_28, %iota3A : vector<16xi32>
    %jit3A_30 = arith.constant 8 : i32
    %eq3A = arith.constant 0 : i32
    %eq3A_31 = arith.cmpi eq, %jit3A_30, %eq3A : i32
    %jit3A_32 = arith.constant 1 : i32
    %select_n3A_33 = arith.select %eq3A_31, %jit3A_32, %jit3A_30 : i32
    %rem3A_34 = vector.broadcast %select_n3A_33 : i32 to vector<16xi32>
    %rem3A_35 = arith.remsi %add3A_29, %rem3A_34 : vector<16xi32>
    %ne3A_36 = arith.constant 0 : i32
    %ne3A_37 = vector.broadcast %ne3A_36 : i32 to vector<16xi32>
    %ne3A_38 = arith.cmpi ne, %rem3A_35, %ne3A_37 : vector<16xi32>
    %lt3A = arith.constant 0 : i32
    %lt3A_39 = vector.broadcast %lt3A : i32 to vector<16xi32>
    %lt3A_40 = arith.cmpi slt, %rem3A_35, %lt3A_39 : vector<16xi32>
    %lt3A_41 = arith.constant 0 : i32
    %lt3A_42 = arith.cmpi slt, %select_n3A_33, %lt3A_41 : i32
    %ne3A_43 = vector.broadcast %lt3A_42 : i1 to vector<16xi1>
    %ne3A_44 = vector.broadcast %ne3A_43 : vector<16xi1> to vector<16xi1>
    %ne3A_45 = arith.xori %lt3A_40, %ne3A_44 : vector<16xi1>
    %and3A_46 = arith.andi %ne3A_45, %ne3A_38 : vector<16xi1>
    %add3A_47 = vector.broadcast %select_n3A_33 : i32 to vector<16xi32>
    %add3A_48 = arith.addi %rem3A_35, %add3A_47 : vector<16xi32>
    %select_n3A_49 = arith.select %and3A_46, %add3A_48, %rem3A_35 : vector<16xi1>, vector<16xi32>
    %add3A_50 = arith.constant 16 : i32
    %add3A_51 = vector.broadcast %add3A_50 : i32 to vector<16xi32>
    %add3A_52 = arith.addi %add3A_51, %iota3A : vector<16xi32>
    %jit3A_53 = arith.constant 8 : i32
    %div3A_54 = vector.broadcast %jit3A_53 : i32 to vector<16xi32>
    %div3A_55 = arith.divsi %add3A_52, %div3A_54 : vector<16xi32>
    %sign3A_56 = arith.constant 0 : i32
    %sign3A_57 = vector.broadcast %sign3A_56 : i32 to vector<16xi32>
    %sign3A_58 = arith.cmpi sgt, %add3A_52, %sign3A_57 : vector<16xi32>
    %sign3A_59 = arith.extui %sign3A_58 : vector<16xi1> to vector<16xi32>
    %sign3A_60 = arith.constant 0 : i32
    %sign3A_61 = vector.broadcast %sign3A_60 : i32 to vector<16xi32>
    %sign3A_62 = arith.cmpi slt, %add3A_52, %sign3A_61 : vector<16xi32>
    %sign3A_63 = arith.extui %sign3A_62 : vector<16xi1> to vector<16xi32>
    %sign3A_64 = arith.subi %sign3A_59, %sign3A_63 : vector<16xi32>
    %sign3A_65 = arith.constant 0 : i32
    %sign3A_66 = arith.cmpi sgt, %jit3A_53, %sign3A_65 : i32
    %sign3A_67 = arith.extui %sign3A_66 : i1 to i32
    %sign3A_68 = arith.constant 0 : i32
    %sign3A_69 = arith.cmpi slt, %jit3A_53, %sign3A_68 : i32
    %sign3A_70 = arith.extui %sign3A_69 : i1 to i32
    %sign3A_71 = arith.subi %sign3A_67, %sign3A_70 : i32
    %ne3A_72 = vector.broadcast %sign3A_71 : i32 to vector<16xi32>
    %ne3A_73 = arith.cmpi ne, %sign3A_64, %ne3A_72 : vector<16xi32>
    %rem3A_74 = vector.broadcast %jit3A_53 : i32 to vector<16xi32>
    %rem3A_75 = arith.remsi %add3A_52, %rem3A_74 : vector<16xi32>
    %ne3A_76 = arith.constant 0 : i32
    %ne3A_77 = vector.broadcast %ne3A_76 : i32 to vector<16xi32>
    %ne3A_78 = arith.cmpi ne, %rem3A_75, %ne3A_77 : vector<16xi32>
    %and3A_79 = arith.andi %ne3A_73, %ne3A_78 : vector<16xi1>
    %sub3A_80 = arith.constant 1 : i32
    %sub3A_81 = vector.broadcast %sub3A_80 : i32 to vector<16xi32>
    %sub3A_82 = arith.subi %div3A_55, %sub3A_81 : vector<16xi32>
    %select_n3A_83 = arith.select %and3A_79, %sub3A_82, %div3A_55 : vector<16xi1>, vector<16xi32>
    %add3A_84 = arith.constant 16 : i32
    %add3A_85 = vector.broadcast %add3A_84 : i32 to vector<16xi32>
    %add3A_86 = arith.addi %add3A_85, %iota3A : vector<16xi32>
    %jit3A_87 = arith.constant 8 : i32
    %eq3A_88 = arith.constant 0 : i32
    %eq3A_89 = arith.cmpi eq, %jit3A_87, %eq3A_88 : i32
    %jit3A_90 = arith.constant 1 : i32
    %select_n3A_91 = arith.select %eq3A_89, %jit3A_90, %jit3A_87 : i32
    %rem3A_92 = vector.broadcast %select_n3A_91 : i32 to vector<16xi32>
    %rem3A_93 = arith.remsi %add3A_86, %rem3A_92 : vector<16xi32>
    %ne3A_94 = arith.constant 0 : i32
    %ne3A_95 = vector.broadcast %ne3A_94 : i32 to vector<16xi32>
    %ne3A_96 = arith.cmpi ne, %rem3A_93, %ne3A_95 : vector<16xi32>
    %lt3A_97 = arith.constant 0 : i32
    %lt3A_98 = vector.broadcast %lt3A_97 : i32 to vector<16xi32>
    %lt3A_99 = arith.cmpi slt, %rem3A_93, %lt3A_98 : vector<16xi32>
    %lt3A_100 = arith.constant 0 : i32
    %lt3A_101 = arith.cmpi slt, %select_n3A_91, %lt3A_100 : i32
    %ne3A_102 = vector.broadcast %lt3A_101 : i1 to vector<16xi1>
    %ne3A_103 = vector.broadcast %ne3A_102 : vector<16xi1> to vector<16xi1>
    %ne3A_104 = arith.xori %lt3A_99, %ne3A_103 : vector<16xi1>
    %and3A_105 = arith.andi %ne3A_104, %ne3A_96 : vector<16xi1>
    %add3A_106 = vector.broadcast %select_n3A_91 : i32 to vector<16xi32>
    %add3A_107 = arith.addi %rem3A_93, %add3A_106 : vector<16xi32>
    %select_n3A_108 = arith.select %and3A_105, %add3A_107, %rem3A_93 : vector<16xi1>, vector<16xi32>
    %add3A_109 = arith.constant 32 : i32
    %add3A_110 = vector.broadcast %add3A_109 : i32 to vector<16xi32>
    %add3A_111 = arith.addi %add3A_110, %iota3A : vector<16xi32>
    %jit3A_112 = arith.constant 8 : i32
    %div3A_113 = vector.broadcast %jit3A_112 : i32 to vector<16xi32>
    %div3A_114 = arith.divsi %add3A_111, %div3A_113 : vector<16xi32>
    %sign3A_115 = arith.constant 0 : i32
    %sign3A_116 = vector.broadcast %sign3A_115 : i32 to vector<16xi32>
    %sign3A_117 = arith.cmpi sgt, %add3A_111, %sign3A_116 : vector<16xi32>
    %sign3A_118 = arith.extui %sign3A_117 : vector<16xi1> to vector<16xi32>
    %sign3A_119 = arith.constant 0 : i32
    %sign3A_120 = vector.broadcast %sign3A_119 : i32 to vector<16xi32>
    %sign3A_121 = arith.cmpi slt, %add3A_111, %sign3A_120 : vector<16xi32>
    %sign3A_122 = arith.extui %sign3A_121 : vector<16xi1> to vector<16xi32>
    %sign3A_123 = arith.subi %sign3A_118, %sign3A_122 : vector<16xi32>
    %sign3A_124 = arith.constant 0 : i32
    %sign3A_125 = arith.cmpi sgt, %jit3A_112, %sign3A_124 : i32
    %sign3A_126 = arith.extui %sign3A_125 : i1 to i32
    %sign3A_127 = arith.constant 0 : i32
    %sign3A_128 = arith.cmpi slt, %jit3A_112, %sign3A_127 : i32
    %sign3A_129 = arith.extui %sign3A_128 : i1 to i32
    %sign3A_130 = arith.subi %sign3A_126, %sign3A_129 : i32
    %ne3A_131 = vector.broadcast %sign3A_130 : i32 to vector<16xi32>
    %ne3A_132 = arith.cmpi ne, %sign3A_123, %ne3A_131 : vector<16xi32>
    %rem3A_133 = vector.broadcast %jit3A_112 : i32 to vector<16xi32>
    %rem3A_134 = arith.remsi %add3A_111, %rem3A_133 : vector<16xi32>
    %ne3A_135 = arith.constant 0 : i32
    %ne3A_136 = vector.broadcast %ne3A_135 : i32 to vector<16xi32>
    %ne3A_137 = arith.cmpi ne, %rem3A_134, %ne3A_136 : vector<16xi32>
    %and3A_138 = arith.andi %ne3A_132, %ne3A_137 : vector<16xi1>
    %sub3A_139 = arith.constant 1 : i32
    %sub3A_140 = vector.broadcast %sub3A_139 : i32 to vector<16xi32>
    %sub3A_141 = arith.subi %div3A_114, %sub3A_140 : vector<16xi32>
    %select_n3A_142 = arith.select %and3A_138, %sub3A_141, %div3A_114 : vector<16xi1>, vector<16xi32>
    %add3A_143 = arith.constant 32 : i32
    %add3A_144 = vector.broadcast %add3A_143 : i32 to vector<16xi32>
    %add3A_145 = arith.addi %add3A_144, %iota3A : vector<16xi32>
    %jit3A_146 = arith.constant 8 : i32
    %eq3A_147 = arith.constant 0 : i32
    %eq3A_148 = arith.cmpi eq, %jit3A_146, %eq3A_147 : i32
    %jit3A_149 = arith.constant 1 : i32
    %select_n3A_150 = arith.select %eq3A_148, %jit3A_149, %jit3A_146 : i32
    %rem3A_151 = vector.broadcast %select_n3A_150 : i32 to vector<16xi32>
    %rem3A_152 = arith.remsi %add3A_145, %rem3A_151 : vector<16xi32>
    %ne3A_153 = arith.constant 0 : i32
    %ne3A_154 = vector.broadcast %ne3A_153 : i32 to vector<16xi32>
    %ne3A_155 = arith.cmpi ne, %rem3A_152, %ne3A_154 : vector<16xi32>
    %lt3A_156 = arith.constant 0 : i32
    %lt3A_157 = vector.broadcast %lt3A_156 : i32 to vector<16xi32>
    %lt3A_158 = arith.cmpi slt, %rem3A_152, %lt3A_157 : vector<16xi32>
    %lt3A_159 = arith.constant 0 : i32
    %lt3A_160 = arith.cmpi slt, %select_n3A_150, %lt3A_159 : i32
    %ne3A_161 = vector.broadcast %lt3A_160 : i1 to vector<16xi1>
    %ne3A_162 = vector.broadcast %ne3A_161 : vector<16xi1> to vector<16xi1>
    %ne3A_163 = arith.xori %lt3A_158, %ne3A_162 : vector<16xi1>
    %and3A_164 = arith.andi %ne3A_163, %ne3A_155 : vector<16xi1>
    %add3A_165 = vector.broadcast %select_n3A_150 : i32 to vector<16xi32>
    %add3A_166 = arith.addi %rem3A_152, %add3A_165 : vector<16xi32>
    %select_n3A_167 = arith.select %and3A_164, %add3A_166, %rem3A_152 : vector<16xi1>, vector<16xi32>
    %add3A_168 = arith.constant 48 : i32
    %add3A_169 = vector.broadcast %add3A_168 : i32 to vector<16xi32>
    %add3A_170 = arith.addi %add3A_169, %iota3A : vector<16xi32>
    %jit3A_171 = arith.constant 8 : i32
    %div3A_172 = vector.broadcast %jit3A_171 : i32 to vector<16xi32>
    %div3A_173 = arith.divsi %add3A_170, %div3A_172 : vector<16xi32>
    %sign3A_174 = arith.constant 0 : i32
    %sign3A_175 = vector.broadcast %sign3A_174 : i32 to vector<16xi32>
    %sign3A_176 = arith.cmpi sgt, %add3A_170, %sign3A_175 : vector<16xi32>
    %sign3A_177 = arith.extui %sign3A_176 : vector<16xi1> to vector<16xi32>
    %sign3A_178 = arith.constant 0 : i32
    %sign3A_179 = vector.broadcast %sign3A_178 : i32 to vector<16xi32>
    %sign3A_180 = arith.cmpi slt, %add3A_170, %sign3A_179 : vector<16xi32>
    %sign3A_181 = arith.extui %sign3A_180 : vector<16xi1> to vector<16xi32>
    %sign3A_182 = arith.subi %sign3A_177, %sign3A_181 : vector<16xi32>
    %sign3A_183 = arith.constant 0 : i32
    %sign3A_184 = arith.cmpi sgt, %jit3A_171, %sign3A_183 : i32
    %sign3A_185 = arith.extui %sign3A_184 : i1 to i32
    %sign3A_186 = arith.constant 0 : i32
    %sign3A_187 = arith.cmpi slt, %jit3A_171, %sign3A_186 : i32
    %sign3A_188 = arith.extui %sign3A_187 : i1 to i32
    %sign3A_189 = arith.subi %sign3A_185, %sign3A_188 : i32
    %ne3A_190 = vector.broadcast %sign3A_189 : i32 to vector<16xi32>
    %ne3A_191 = arith.cmpi ne, %sign3A_182, %ne3A_190 : vector<16xi32>
    %rem3A_192 = vector.broadcast %jit3A_171 : i32 to vector<16xi32>
    %rem3A_193 = arith.remsi %add3A_170, %rem3A_192 : vector<16xi32>
    %ne3A_194 = arith.constant 0 : i32
    %ne3A_195 = vector.broadcast %ne3A_194 : i32 to vector<16xi32>
    %ne3A_196 = arith.cmpi ne, %rem3A_193, %ne3A_195 : vector<16xi32>
    %and3A_197 = arith.andi %ne3A_191, %ne3A_196 : vector<16xi1>
    %sub3A_198 = arith.constant 1 : i32
    %sub3A_199 = vector.broadcast %sub3A_198 : i32 to vector<16xi32>
    %sub3A_200 = arith.subi %div3A_173, %sub3A_199 : vector<16xi32>
    %select_n3A_201 = arith.select %and3A_197, %sub3A_200, %div3A_173 : vector<16xi1>, vector<16xi32>
    %add3A_202 = arith.constant 48 : i32
    %add3A_203 = vector.broadcast %add3A_202 : i32 to vector<16xi32>
    %add3A_204 = arith.addi %add3A_203, %iota3A : vector<16xi32>
    %jit3A_205 = arith.constant 8 : i32
    %eq3A_206 = arith.constant 0 : i32
    %eq3A_207 = arith.cmpi eq, %jit3A_205, %eq3A_206 : i32
    %jit3A_208 = arith.constant 1 : i32
    %select_n3A_209 = arith.select %eq3A_207, %jit3A_208, %jit3A_205 : i32
    %rem3A_210 = vector.broadcast %select_n3A_209 : i32 to vector<16xi32>
    %rem3A_211 = arith.remsi %add3A_204, %rem3A_210 : vector<16xi32>
    %ne3A_212 = arith.constant 0 : i32
    %ne3A_213 = vector.broadcast %ne3A_212 : i32 to vector<16xi32>
    %ne3A_214 = arith.cmpi ne, %rem3A_211, %ne3A_213 : vector<16xi32>
    %lt3A_215 = arith.constant 0 : i32
    %lt3A_216 = vector.broadcast %lt3A_215 : i32 to vector<16xi32>
    %lt3A_217 = arith.cmpi slt, %rem3A_211, %lt3A_216 : vector<16xi32>
    %lt3A_218 = arith.constant 0 : i32
    %lt3A_219 = arith.cmpi slt, %select_n3A_209, %lt3A_218 : i32
    %ne3A_220 = vector.broadcast %lt3A_219 : i1 to vector<16xi1>
    %ne3A_221 = vector.broadcast %ne3A_220 : vector<16xi1> to vector<16xi1>
    %ne3A_222 = arith.xori %lt3A_217, %ne3A_221 : vector<16xi1>
    %and3A_223 = arith.andi %ne3A_222, %ne3A_214 : vector<16xi1>
    %add3A_224 = vector.broadcast %select_n3A_209 : i32 to vector<16xi32>
    %add3A_225 = arith.addi %rem3A_211, %add3A_224 : vector<16xi32>
    %select_n3A_226 = arith.select %and3A_223, %add3A_225, %rem3A_211 : vector<16xi1>, vector<16xi32>
    %dma_start3A = arith.constant 0 : i32
    %dma_start3A_227 = arith.constant 0 : i32
    %dma_start3A_228 = arith.constant 0 : i32
    %dma_start3A_229 = arith.constant 0 : i32
    %dma_start3A_230 = tpu.memref_slice %arg6[%dma_start3A_227, %dma_start3A_228, %dma_start3A_229] : memref<4x128x64xf32, #tpu.memory_space<vmem>> -> memref<1x128x64xf32, #tpu.memory_space<vmem>>
    %dma_start3A_231 = tpu.memref_squeeze %dma_start3A_230 : memref<1x128x64xf32, #tpu.memory_space<vmem>> -> memref<128x64xf32, #tpu.memory_space<vmem>>
    %dma_start3A_232 = arith.constant 0 : i32
    %dma_start3A_233 = tpu.memref_slice %arg5[%dma_start3A, %dma_start3A_232] : memref<200x128xi32, #tpu.memory_space<vmem>> -> memref<1x128xi32, #tpu.memory_space<vmem>>
    %dma_start3A_234 = tpu.memref_squeeze %dma_start3A_233 : memref<1x128xi32, #tpu.memory_space<vmem>> -> memref<128xi32, #tpu.memory_space<vmem>>
    %dma_start3A_235 = arith.constant 0 : i32
    %dma_start3A_236 = arith.constant 0 : i32
    %dma_start3A_237 = tpu.memref_slice %arg3[%dma_start3A_235, %dma_start3A_236] : memref<1000000x64xf32, #tpu.memory_space<hbm>> -> memref<1000000x64xf32, #tpu.memory_space<hbm>>
    tpu.enqueue_indirect_dma source(%dma_start3A_237 : memref<1000000x64xf32, #tpu.memory_space<hbm>>) target(%dma_start3A_231 : memref<128x64xf32, #tpu.memory_space<vmem>>) offsets(%dma_start3A_234 : memref<128xi32, #tpu.memory_space<vmem>>) semaphore(%arg8 : memref<!tpu.dma_semaphore, #tpu.memory_space<semaphore_mem>>)
    %dma_start3A_238 = arith.constant 1 : i32
    %dma_start3A_239 = arith.constant 1 : i32
    %dma_start3A_240 = arith.constant 0 : i32
    %dma_start3A_241 = arith.constant 0 : i32
    %dma_start3A_242 = tpu.memref_slice %arg6[%dma_start3A_239, %dma_start3A_240, %dma_start3A_241] : memref<4x128x64xf32, #tpu.memory_space<vmem>> -> memref<1x128x64xf32, #tpu.memory_space<vmem>>
    %dma_start3A_243 = tpu.memref_squeeze %dma_start3A_242 : memref<1x128x64xf32, #tpu.memory_space<vmem>> -> memref<128x64xf32, #tpu.memory_space<vmem>>
    %dma_start3A_244 = arith.constant 0 : i32
    %dma_start3A_245 = tpu.memref_slice %arg5[%dma_start3A_238, %dma_start3A_244] : memref<200x128xi32, #tpu.memory_space<vmem>> -> memref<1x128xi32, #tpu.memory_space<vmem>>
    %dma_start3A_246 = tpu.memref_squeeze %dma_start3A_245 : memref<1x128xi32, #tpu.memory_space<vmem>> -> memref<128xi32, #tpu.memory_space<vmem>>
    %dma_start3A_247 = arith.constant 0 : i32
    %dma_start3A_248 = arith.constant 0 : i32
    %dma_start3A_249 = tpu.memref_slice %arg3[%dma_start3A_247, %dma_start3A_248] : memref<1000000x64xf32, #tpu.memory_space<hbm>> -> memref<1000000x64xf32, #tpu.memory_space<hbm>>
    tpu.enqueue_indirect_dma source(%dma_start3A_249 : memref<1000000x64xf32, #tpu.memory_space<hbm>>) target(%dma_start3A_243 : memref<128x64xf32, #tpu.memory_space<vmem>>) offsets(%dma_start3A_246 : memref<128xi32, #tpu.memory_space<vmem>>) semaphore(%arg8 : memref<!tpu.dma_semaphore, #tpu.memory_space<semaphore_mem>>)
    %dma_start3A_250 = arith.constant 2 : i32
    %dma_start3A_251 = arith.constant 2 : i32
    %dma_start3A_252 = arith.constant 0 : i32
    %dma_start3A_253 = arith.constant 0 : i32
    %dma_start3A_254 = tpu.memref_slice %arg6[%dma_start3A_251, %dma_start3A_252, %dma_start3A_253] : memref<4x128x64xf32, #tpu.memory_space<vmem>> -> memref<1x128x64xf32, #tpu.memory_space<vmem>>
    %dma_start3A_255 = tpu.memref_squeeze %dma_start3A_254 : memref<1x128x64xf32, #tpu.memory_space<vmem>> -> memref<128x64xf32, #tpu.memory_space<vmem>>
    %dma_start3A_256 = arith.constant 0 : i32
    %dma_start3A_257 = tpu.memref_slice %arg5[%dma_start3A_250, %dma_start3A_256] : memref<200x128xi32, #tpu.memory_space<vmem>> -> memref<1x128xi32, #tpu.memory_space<vmem>>
    %dma_start3A_258 = tpu.memref_squeeze %dma_start3A_257 : memref<1x128xi32, #tpu.memory_space<vmem>> -> memref<128xi32, #tpu.memory_space<vmem>>
    %dma_start3A_259 = arith.constant 0 : i32
    %dma_start3A_260 = arith.constant 0 : i32
    %dma_start3A_261 = tpu.memref_slice %arg3[%dma_start3A_259, %dma_start3A_260] : memref<1000000x64xf32, #tpu.memory_space<hbm>> -> memref<1000000x64xf32, #tpu.memory_space<hbm>>
    tpu.enqueue_indirect_dma source(%dma_start3A_261 : memref<1000000x64xf32, #tpu.memory_space<hbm>>) target(%dma_start3A_255 : memref<128x64xf32, #tpu.memory_space<vmem>>) offsets(%dma_start3A_258 : memref<128xi32, #tpu.memory_space<vmem>>) semaphore(%arg8 : memref<!tpu.dma_semaphore, #tpu.memory_space<semaphore_mem>>)
    %dma_start3A_262 = arith.constant 3 : i32
    %dma_start3A_263 = arith.constant 3 : i32
    %dma_start3A_264 = arith.constant 0 : i32
    %dma_start3A_265 = arith.constant 0 : i32
    %dma_start3A_266 = tpu.memref_slice %arg6[%dma_start3A_263, %dma_start3A_264, %dma_start3A_265] : memref<4x128x64xf32, #tpu.memory_space<vmem>> -> memref<1x128x64xf32, #tpu.memory_space<vmem>>
    %dma_start3A_267 = tpu.memref_squeeze %dma_start3A_266 : memref<1x128x64xf32, #tpu.memory_space<vmem>> -> memref<128x64xf32, #tpu.memory_space<vmem>>
    %dma_start3A_268 = arith.constant 0 : i32
    %dma_start3A_269 = tpu.memref_slice %arg5[%dma_start3A_262, %dma_start3A_268] : memref<200x128xi32, #tpu.memory_space<vmem>> -> memref<1x128xi32, #tpu.memory_space<vmem>>
    %dma_start3A_270 = tpu.memref_squeeze %dma_start3A_269 : memref<1x128xi32, #tpu.memory_space<vmem>> -> memref<128xi32, #tpu.memory_space<vmem>>
    %dma_start3A_271 = arith.constant 0 : i32
    %dma_start3A_272 = arith.constant 0 : i32
    %dma_start3A_273 = tpu.memref_slice %arg3[%dma_start3A_271, %dma_start3A_272] : memref<1000000x64xf32, #tpu.memory_space<hbm>> -> memref<1000000x64xf32, #tpu.memory_space<hbm>>
    tpu.enqueue_indirect_dma source(%dma_start3A_273 : memref<1000000x64xf32, #tpu.memory_space<hbm>>) target(%dma_start3A_267 : memref<128x64xf32, #tpu.memory_space<vmem>>) offsets(%dma_start3A_270 : memref<128xi32, #tpu.memory_space<vmem>>) semaphore(%arg8 : memref<!tpu.dma_semaphore, #tpu.memory_space<semaphore_mem>>)
    %scan3A = arith.constant 0 : i32
    %scan3A_274 = arith.constant 0 : i32
    %scan3A_275 = arith.constant 50 : i32
    %scan3A_276 = arith.addi %scan3A_274, %scan3A_275 : i32
    %scan3A_277 = arith.constant 1 : i32
    scf.for %scan3A_322 = %scan3A_274 to %scan3A_276 step %scan3A_277  : i32 {
      %mul3A_323 = arith.constant 4 : i32
      %mul3A_324 = arith.muli %scan3A_322, %mul3A_323 : i32
      %add3A_325 = arith.constant 0 : i32
      %add3A_326 = arith.addi %mul3A_324, %add3A_325 : i32
      %dma_wait3A_327 = arith.constant 0 : i32
      %dma_wait3A_328 = arith.constant 0 : i32
      %dma_wait3A_329 = arith.constant 0 : i32
      %dma_wait3A_330 = arith.constant 0 : i32
      %dma_wait3A_331 = tpu.memref_slice %arg6[%dma_wait3A_328, %dma_wait3A_329, %dma_wait3A_330] : memref<4x128x64xf32, #tpu.memory_space<vmem>> -> memref<1x128x64xf32, #tpu.memory_space<vmem>>
      %dma_wait3A_332 = tpu.memref_squeeze %dma_wait3A_331 : memref<1x128x64xf32, #tpu.memory_space<vmem>> -> memref<128x64xf32, #tpu.memory_space<vmem>>
      %dma_wait3A_333 = arith.constant 0 : i32
      %dma_wait3A_334 = tpu.memref_slice %arg5[%dma_wait3A_327, %dma_wait3A_333] : memref<200x128xi32, #tpu.memory_space<vmem>> -> memref<1x128xi32, #tpu.memory_space<vmem>>
      %dma_wait3A_335 = tpu.memref_squeeze %dma_wait3A_334 : memref<1x128xi32, #tpu.memory_space<vmem>> -> memref<128xi32, #tpu.memory_space<vmem>>
      %dma_wait3A_336 = arith.constant 0 : i32
      %dma_wait3A_337 = arith.constant 0 : i32
      %dma_wait3A_338 = tpu.memref_slice %arg3[%dma_wait3A_336, %dma_wait3A_337] : memref<1000000x64xf32, #tpu.memory_space<hbm>> -> memref<1000000x64xf32, #tpu.memory_space<hbm>>
      tpu.wait_indirect_dma semaphore(%arg8 : memref<!tpu.dma_semaphore, #tpu.memory_space<semaphore_mem>>) src(%dma_wait3A_338 : memref<1000000x64xf32, #tpu.memory_space<hbm>>) dst(%dma_wait3A_332 : memref<128x64xf32, #tpu.memory_space<vmem>>)
      %ge3A = arith.constant 2 : i32
      %ge3A_339 = arith.cmpi sge, %add3A_326, %ge3A : i32
      %convert_element_type3A = arith.extui %ge3A_339 : i1 to i32
      %cond3A = arith.constant 0 : i32
      %cond3A_340 = arith.cmpi ne, %convert_element_type3A, %cond3A : i32
      scf.if %cond3A_340 {
        %dma_wait3A_527 = arith.constant 0 : i32
        %dma_wait3A_528 = arith.constant 0 : i32
        %dma_wait3A_529 = arith.constant 0 : i32
        %dma_wait3A_530 = arith.constant 0 : i32
        %dma_wait3A_531 = arith.constant 0 : i32
        %dma_wait3A_532 = tpu.memref_slice %arg7[%dma_wait3A_527, %dma_wait3A_529, %dma_wait3A_530, %dma_wait3A_531] : memref<2x8x8x129xf32, #tpu.memory_space<vmem>> -> memref<1x8x8x128xf32, #tpu.memory_space<vmem>>
        %dma_wait3A_533 = tpu.memref_squeeze %dma_wait3A_532 : memref<1x8x8x128xf32, #tpu.memory_space<vmem>> -> memref<8x8x128xf32, #tpu.memory_space<vmem>>
        %dma_wait3A_534 = arith.constant 0 : i32
        %dma_wait3A_535 = arith.constant 0 : i32
        %dma_wait3A_536 = arith.constant 0 : i32
        %dma_wait3A_537 = tpu.memref_slice %arg4[%dma_wait3A_528, %dma_wait3A_534, %add3A, %dma_wait3A_535, %dma_wait3A_536] : memref<200x8x32x8x128xf32, #tpu.memory_space<hbm>> -> memref<1x8x1x8x128xf32, #tpu.memory_space<hbm>>
        %dma_wait3A_538 = tpu.memref_squeeze %dma_wait3A_537 : memref<1x8x1x8x128xf32, #tpu.memory_space<hbm>> -> memref<8x8x128xf32, #tpu.memory_space<hbm>>
        %dma_wait3A_539 = arith.constant 0 : i32
        %dma_wait3A_540 = arith.constant 0 : i32
        %dma_wait3A_541 = arith.constant 0 : i32
        %dma_wait3A_542 = tpu.memref_slice %arg4[%dma_wait3A_528, %dma_wait3A_539, %add3A, %dma_wait3A_540, %dma_wait3A_541] : memref<200x8x32x8x128xf32, #tpu.memory_space<hbm>> -> memref<1x8x1x8x128xf32, #tpu.memory_space<hbm>>
        %dma_wait3A_543 = tpu.memref_squeeze %dma_wait3A_542 : memref<1x8x1x8x128xf32, #tpu.memory_space<hbm>> -> memref<8x8x128xf32, #tpu.memory_space<hbm>>
        %dma_wait3A_544 = arith.constant 0 : i32
        %dma_wait3A_545 = arith.constant 0 : i32
        %dma_wait3A_546 = arith.constant 0 : i32
        %dma_wait3A_547 = tpu.memref_slice %arg7[%dma_wait3A_527, %dma_wait3A_544, %dma_wait3A_545, %dma_wait3A_546] : memref<2x8x8x129xf32, #tpu.memory_space<vmem>> -> memref<1x8x8x128xf32, #tpu.memory_space<vmem>>
        %dma_wait3A_548 = tpu.memref_squeeze %dma_wait3A_547 : memref<1x8x8x128xf32, #tpu.memory_space<vmem>> -> memref<8x8x128xf32, #tpu.memory_space<vmem>>
        tpu.wait_dma2 semaphore(%arg9 : memref<!tpu.dma_semaphore, #tpu.memory_space<semaphore_mem>>) src(%dma_wait3A_548 : memref<8x8x128xf32, #tpu.memory_space<vmem>>) dst(%dma_wait3A_543 : memref<8x8x128xf32, #tpu.memory_space<hbm>>)
      } else {
      }
      %parallel_loop3A = arith.constant 0 : i32
      %parallel_loop3A_341 = arith.constant 128 : i32
      %parallel_loop3A_342 = arith.constant 1 : i32
      scf.for %parallel_loop3A_527 = %parallel_loop3A to %parallel_loop3A_341 step %parallel_loop3A_342  : i32 {
        %parallel_loop3A_528 = vector.broadcast %parallel_loop3A_527 : i32 to vector<16xi32>
        %parallel_loop3A_529 = arith.constant 0 : i32
        %parallel_loop3A_530 = arith.index_cast %parallel_loop3A_529 : i32 to index
        %parallel_loop3A_531 = arith.index_cast %parallel_loop3A_527 : i32 to index
        %parallel_loop3A_532 = arith.constant 0 : index
        %parallel_loop3A_533 = tpu.vector_load %arg6[%parallel_loop3A_530, %parallel_loop3A_531, %parallel_loop3A_532] {strides = array<i32>} : memref<4x128x64xf32, #tpu.memory_space<vmem>>, vector<16xf32>,
        %parallel_loop3A_534 = arith.constant 8.000000e+00 : f32
        %parallel_loop3A_535 = vector.broadcast %parallel_loop3A_534 : f32 to vector<16xf32>
        %parallel_loop3A_536 = arith.mulf %parallel_loop3A_533, %parallel_loop3A_535 : vector<16xf32>
        %parallel_loop3A_537 = arith.constant 0 : i32
        %parallel_loop3A_538 = arith.constant 0 : i32
        %parallel_loop3A_539 = arith.constant 0 : i32
        %parallel_loop3A_540 = arith.constant 0 : i32
        %parallel_loop3A_541 = tpu.memref_slice %arg7[%parallel_loop3A_537, %parallel_loop3A_538, %parallel_loop3A_539, %parallel_loop3A_540] : memref<2x8x8x129xf32, #tpu.memory_space<vmem>> -> memref<1x8x8x129xf32, #tpu.memory_space<vmem>>
        %parallel_loop3A_542 = tpu.memref_squeeze %parallel_loop3A_541 : memref<1x8x8x129xf32, #tpu.memory_space<vmem>> -> memref<8x8x129xf32, #tpu.memory_space<vmem>>
        tpu.vector_store_idx %parallel_loop3A_542[%select_n3A, %select_n3A_49, %parallel_loop3A_528], %parallel_loop3A_536 : memref<8x8x129xf32, #tpu.memory_space<vmem>>[vector<16xi32>, vector<16xi32>, vector<16xi32>], vector<16xf32>,
        %parallel_loop3A_543 = arith.constant 0 : i32
        %parallel_loop3A_544 = arith.index_cast %parallel_loop3A_543 : i32 to index
        %parallel_loop3A_545 = arith.index_cast %parallel_loop3A_527 : i32 to index
        %parallel_loop3A_546 = arith.constant 16 : index
        %parallel_loop3A_547 = tpu.vector_load %arg6[%parallel_loop3A_544, %parallel_loop3A_545, %parallel_loop3A_546] {strides = array<i32>} : memref<4x128x64xf32, #tpu.memory_space<vmem>>, vector<16xf32>,
        %parallel_loop3A_548 = arith.constant 8.000000e+00 : f32
        %parallel_loop3A_549 = vector.broadcast %parallel_loop3A_548 : f32 to vector<16xf32>
        %parallel_loop3A_550 = arith.mulf %parallel_loop3A_547, %parallel_loop3A_549 : vector<16xf32>
        %parallel_loop3A_551 = arith.constant 0 : i32
        %parallel_loop3A_552 = arith.constant 0 : i32
        %parallel_loop3A_553 = arith.constant 0 : i32
        %parallel_loop3A_554 = arith.constant 0 : i32
        %parallel_loop3A_555 = tpu.memref_slice %arg7[%parallel_loop3A_551, %parallel_loop3A_552, %parallel_loop3A_553, %parallel_loop3A_554] : memref<2x8x8x129xf32, #tpu.memory_space<vmem>> -> memref<1x8x8x129xf32, #tpu.memory_space<vmem>>
        %parallel_loop3A_556 = tpu.memref_squeeze %parallel_loop3A_555 : memref<1x8x8x129xf32, #tpu.memory_space<vmem>> -> memref<8x8x129xf32, #tpu.memory_space<vmem>>
        tpu.vector_store_idx %parallel_loop3A_556[%select_n3A_83, %select_n3A_108, %parallel_loop3A_528], %parallel_loop3A_550 : memref<8x8x129xf32, #tpu.memory_space<vmem>>[vector<16xi32>, vector<16xi32>, vector<16xi32>], vector<16xf32>,
        %parallel_loop3A_557 = arith.constant 0 : i32
        %parallel_loop3A_558 = arith.index_cast %parallel_loop3A_557 : i32 to index
        %parallel_loop3A_559 = arith.index_cast %parallel_loop3A_527 : i32 to index
        %parallel_loop3A_560 = arith.constant 32 : index
        %parallel_loop3A_561 = tpu.vector_load %arg6[%parallel_loop3A_558, %parallel_loop3A_559, %parallel_loop3A_560] {strides = array<i32>} : memref<4x128x64xf32, #tpu.memory_space<vmem>>, vector<16xf32>,
        %parallel_loop3A_562 = arith.constant 8.000000e+00 : f32
        %parallel_loop3A_563 = vector.broadcast %parallel_loop3A_562 : f32 to vector<16xf32>
        %parallel_loop3A_564 = arith.mulf %parallel_loop3A_561, %parallel_loop3A_563 : vector<16xf32>
        %parallel_loop3A_565 = arith.constant 0 : i32
        %parallel_loop3A_566 = arith.constant 0 : i32
        %parallel_loop3A_567 = arith.constant 0 : i32
        %parallel_loop3A_568 = arith.constant 0 : i32
        %parallel_loop3A_569 = tpu.memref_slice %arg7[%parallel_loop3A_565, %parallel_loop3A_566, %parallel_loop3A_567, %parallel_loop3A_568] : memref<2x8x8x129xf32, #tpu.memory_space<vmem>> -> memref<1x8x8x129xf32, #tpu.memory_space<vmem>>
        %parallel_loop3A_570 = tpu.memref_squeeze %parallel_loop3A_569 : memref<1x8x8x129xf32, #tpu.memory_space<vmem>> -> memref<8x8x129xf32, #tpu.memory_space<vmem>>
        tpu.vector_store_idx %parallel_loop3A_570[%select_n3A_142, %select_n3A_167, %parallel_loop3A_528], %parallel_loop3A_564 : memref<8x8x129xf32, #tpu.memory_space<vmem>>[vector<16xi32>, vector<16xi32>, vector<16xi32>], vector<16xf32>,
        %parallel_loop3A_571 = arith.constant 0 : i32
        %parallel_loop3A_572 = arith.index_cast %parallel_loop3A_571 : i32 to index
        %parallel_loop3A_573 = arith.index_cast %parallel_loop3A_527 : i32 to index
        %parallel_loop3A_574 = arith.constant 48 : index
        %parallel_loop3A_575 = tpu.vector_load %arg6[%parallel_loop3A_572, %parallel_loop3A_573, %parallel_loop3A_574] {strides = array<i32>} : memref<4x128x64xf32, #tpu.memory_space<vmem>>, vector<16xf32>,
        %parallel_loop3A_576 = arith.constant 8.000000e+00 : f32
        %parallel_loop3A_577 = vector.broadcast %parallel_loop3A_576 : f32 to vector<16xf32>
        %parallel_loop3A_578 = arith.mulf %parallel_loop3A_575, %parallel_loop3A_577 : vector<16xf32>
        %parallel_loop3A_579 = arith.constant 0 : i32
        %parallel_loop3A_580 = arith.constant 0 : i32
        %parallel_loop3A_581 = arith.constant 0 : i32
        %parallel_loop3A_582 = arith.constant 0 : i32
        %parallel_loop3A_583 = tpu.memref_slice %arg7[%parallel_loop3A_579, %parallel_loop3A_580, %parallel_loop3A_581, %parallel_loop3A_582] : memref<2x8x8x129xf32, #tpu.memory_space<vmem>> -> memref<1x8x8x129xf32, #tpu.memory_space<vmem>>
        %parallel_loop3A_584 = tpu.memref_squeeze %parallel_loop3A_583 : memref<1x8x8x129xf32, #tpu.memory_space<vmem>> -> memref<8x8x129xf32, #tpu.memory_space<vmem>>
        tpu.vector_store_idx %parallel_loop3A_584[%select_n3A_201, %select_n3A_226, %parallel_loop3A_528], %parallel_loop3A_578 : memref<8x8x129xf32, #tpu.memory_space<vmem>>[vector<16xi32>, vector<16xi32>, vector<16xi32>], vector<16xf32>,
      } {sc.loop_unroll_factor = 8 : i64, sc.parallel_access}
      %dma_start3A_343 = arith.constant 0 : i32
      %dma_start3A_344 = arith.constant 0 : i32
      %dma_start3A_345 = arith.constant 0 : i32
      %dma_start3A_346 = arith.constant 0 : i32
      %dma_start3A_347 = tpu.memref_slice %arg7[%dma_start3A_343, %dma_start3A_344, %dma_start3A_345, %dma_start3A_346] : memref<2x8x8x129xf32, #tpu.memory_space<vmem>> -> memref<1x8x8x128xf32, #tpu.memory_space<vmem>>
      %dma_start3A_348 = tpu.memref_squeeze %dma_start3A_347 : memref<1x8x8x128xf32, #tpu.memory_space<vmem>> -> memref<8x8x128xf32, #tpu.memory_space<vmem>>
      %dma_start3A_349 = arith.constant 0 : i32
      %dma_start3A_350 = arith.constant 0 : i32
      %dma_start3A_351 = arith.constant 0 : i32
      %dma_start3A_352 = tpu.memref_slice %arg4[%add3A_326, %dma_start3A_349, %add3A, %dma_start3A_350, %dma_start3A_351] : memref<200x8x32x8x128xf32, #tpu.memory_space<hbm>> -> memref<1x8x1x8x128xf32, #tpu.memory_space<hbm>>
      %dma_start3A_353 = tpu.memref_squeeze %dma_start3A_352 : memref<1x8x1x8x128xf32, #tpu.memory_space<hbm>> -> memref<8x8x128xf32, #tpu.memory_space<hbm>>
      %dma_start3A_354 = arith.constant 0 : i32
      %dma_start3A_355 = arith.constant 0 : i32
      %dma_start3A_356 = arith.constant 0 : i32
      %dma_start3A_357 = tpu.memref_slice %arg4[%add3A_326, %dma_start3A_354, %add3A, %dma_start3A_355, %dma_start3A_356] : memref<200x8x32x8x128xf32, #tpu.memory_space<hbm>> -> memref<1x8x1x8x128xf32, #tpu.memory_space<hbm>>
      %dma_start3A_358 = tpu.memref_squeeze %dma_start3A_357 : memref<1x8x1x8x128xf32, #tpu.memory_space<hbm>> -> memref<8x8x128xf32, #tpu.memory_space<hbm>>
      %dma_start3A_359 = arith.constant 0 : i32
      %dma_start3A_360 = arith.constant 0 : i32
      %dma_start3A_361 = arith.constant 0 : i32
      %dma_start3A_362 = tpu.memref_slice %arg7[%dma_start3A_343, %dma_start3A_359, %dma_start3A_360, %dma_start3A_361] : memref<2x8x8x129xf32, #tpu.memory_space<vmem>> -> memref<1x8x8x128xf32, #tpu.memory_space<vmem>>
      %dma_start3A_363 = tpu.memref_squeeze %dma_start3A_362 : memref<1x8x8x128xf32, #tpu.memory_space<vmem>> -> memref<8x8x128xf32, #tpu.memory_space<vmem>>
      tpu.enqueue_dma source(%dma_start3A_363 : memref<8x8x128xf32, #tpu.memory_space<vmem>>) target(%dma_start3A_358 : memref<8x8x128xf32, #tpu.memory_space<hbm>>) target_semaphore(%arg9 : memref<!tpu.dma_semaphore, #tpu.memory_space<semaphore_mem>>)
      %add3A_364 = arith.constant 4 : i32
      %add3A_365 = arith.addi %add3A_326, %add3A_364 : i32
      %lt3A_366 = arith.constant 200 : i32
      %lt3A_367 = arith.cmpi slt, %add3A_365, %lt3A_366 : i32
      %convert_element_type3A_368 = arith.extui %lt3A_367 : i1 to i32
      %cond3A_369 = arith.constant 0 : i32
      %cond3A_370 = arith.cmpi ne, %convert_element_type3A_368, %cond3A_369 : i32
      scf.if %cond3A_370 {
        %add3A_527 = arith.constant 4 : i32
        %add3A_528 = arith.addi %add3A_326, %add3A_527 : i32
        %dma_start3A_529 = arith.constant 0 : i32
        %dma_start3A_530 = arith.constant 0 : i32
        %dma_start3A_531 = arith.constant 0 : i32
        %dma_start3A_532 = tpu.memref_slice %arg6[%dma_start3A_529, %dma_start3A_530, %dma_start3A_531] : memref<4x128x64xf32, #tpu.memory_space<vmem>> -> memref<1x128x64xf32, #tpu.memory_space<vmem>>
        %dma_start3A_533 = tpu.memref_squeeze %dma_start3A_532 : memref<1x128x64xf32, #tpu.memory_space<vmem>> -> memref<128x64xf32, #tpu.memory_space<vmem>>
        %dma_start3A_534 = arith.constant 0 : i32
        %dma_start3A_535 = tpu.memref_slice %arg5[%add3A_528, %dma_start3A_534] : memref<200x128xi32, #tpu.memory_space<vmem>> -> memref<1x128xi32, #tpu.memory_space<vmem>>
        %dma_start3A_536 = tpu.memref_squeeze %dma_start3A_535 : memref<1x128xi32, #tpu.memory_space<vmem>> -> memref<128xi32, #tpu.memory_space<vmem>>
        %dma_start3A_537 = arith.constant 0 : i32
        %dma_start3A_538 = arith.constant 0 : i32
        %dma_start3A_539 = tpu.memref_slice %arg3[%dma_start3A_537, %dma_start3A_538] : memref<1000000x64xf32, #tpu.memory_space<hbm>> -> memref<1000000x64xf32, #tpu.memory_space<hbm>>
        tpu.enqueue_indirect_dma source(%dma_start3A_539 : memref<1000000x64xf32, #tpu.memory_space<hbm>>) target(%dma_start3A_533 : memref<128x64xf32, #tpu.memory_space<vmem>>) offsets(%dma_start3A_536 : memref<128xi32, #tpu.memory_space<vmem>>) semaphore(%arg8 : memref<!tpu.dma_semaphore, #tpu.memory_space<semaphore_mem>>)
      } else {
      }
      %mul3A_371 = arith.constant 4 : i32
      %mul3A_372 = arith.muli %scan3A_322, %mul3A_371 : i32
      %add3A_373 = arith.constant 1 : i32
      %add3A_374 = arith.addi %mul3A_372, %add3A_373 : i32
      %dma_wait3A_375 = arith.constant 0 : i32
      %dma_wait3A_376 = arith.constant 1 : i32
      %dma_wait3A_377 = arith.constant 0 : i32
      %dma_wait3A_378 = arith.constant 0 : i32
      %dma_wait3A_379 = tpu.memref_slice %arg6[%dma_wait3A_376, %dma_wait3A_377, %dma_wait3A_378] : memref<4x128x64xf32, #tpu.memory_space<vmem>> -> memref<1x128x64xf32, #tpu.memory_space<vmem>>
      %dma_wait3A_380 = tpu.memref_squeeze %dma_wait3A_379 : memref<1x128x64xf32, #tpu.memory_space<vmem>> -> memref<128x64xf32, #tpu.memory_space<vmem>>
      %dma_wait3A_381 = arith.constant 0 : i32
      %dma_wait3A_382 = tpu.memref_slice %arg5[%dma_wait3A_375, %dma_wait3A_381] : memref<200x128xi32, #tpu.memory_space<vmem>> -> memref<1x128xi32, #tpu.memory_space<vmem>>
      %dma_wait3A_383 = tpu.memref_squeeze %dma_wait3A_382 : memref<1x128xi32, #tpu.memory_space<vmem>> -> memref<128xi32, #tpu.memory_space<vmem>>
      %dma_wait3A_384 = arith.constant 0 : i32
      %dma_wait3A_385 = arith.constant 0 : i32
      %dma_wait3A_386 = tpu.memref_slice %arg3[%dma_wait3A_384, %dma_wait3A_385] : memref<1000000x64xf32, #tpu.memory_space<hbm>> -> memref<1000000x64xf32, #tpu.memory_space<hbm>>
      tpu.wait_indirect_dma semaphore(%arg8 : memref<!tpu.dma_semaphore, #tpu.memory_space<semaphore_mem>>) src(%dma_wait3A_386 : memref<1000000x64xf32, #tpu.memory_space<hbm>>) dst(%dma_wait3A_380 : memref<128x64xf32, #tpu.memory_space<vmem>>)
      %ge3A_387 = arith.constant 2 : i32
      %ge3A_388 = arith.cmpi sge, %add3A_374, %ge3A_387 : i32
      %convert_element_type3A_389 = arith.extui %ge3A_388 : i1 to i32
      %cond3A_390 = arith.constant 0 : i32
      %cond3A_391 = arith.cmpi ne, %convert_element_type3A_389, %cond3A_390 : i32
      scf.if %cond3A_391 {
        %dma_wait3A_527 = arith.constant 0 : i32
        %dma_wait3A_528 = arith.constant 0 : i32
        %dma_wait3A_529 = arith.constant 0 : i32
        %dma_wait3A_530 = arith.constant 0 : i32
        %dma_wait3A_531 = arith.constant 0 : i32
        %dma_wait3A_532 = tpu.memref_slice %arg7[%dma_wait3A_527, %dma_wait3A_529, %dma_wait3A_530, %dma_wait3A_531] : memref<2x8x8x129xf32, #tpu.memory_space<vmem>> -> memref<1x8x8x128xf32, #tpu.memory_space<vmem>>
        %dma_wait3A_533 = tpu.memref_squeeze %dma_wait3A_532 : memref<1x8x8x128xf32, #tpu.memory_space<vmem>> -> memref<8x8x128xf32, #tpu.memory_space<vmem>>
        %dma_wait3A_534 = arith.constant 0 : i32
        %dma_wait3A_535 = arith.constant 0 : i32
        %dma_wait3A_536 = arith.constant 0 : i32
        %dma_wait3A_537 = tpu.memref_slice %arg4[%dma_wait3A_528, %dma_wait3A_534, %add3A, %dma_wait3A_535, %dma_wait3A_536] : memref<200x8x32x8x128xf32, #tpu.memory_space<hbm>> -> memref<1x8x1x8x128xf32, #tpu.memory_space<hbm>>
        %dma_wait3A_538 = tpu.memref_squeeze %dma_wait3A_537 : memref<1x8x1x8x128xf32, #tpu.memory_space<hbm>> -> memref<8x8x128xf32, #tpu.memory_space<hbm>>
        %dma_wait3A_539 = arith.constant 0 : i32
        %dma_wait3A_540 = arith.constant 0 : i32
        %dma_wait3A_541 = arith.constant 0 : i32
        %dma_wait3A_542 = tpu.memref_slice %arg4[%dma_wait3A_528, %dma_wait3A_539, %add3A, %dma_wait3A_540, %dma_wait3A_541] : memref<200x8x32x8x128xf32, #tpu.memory_space<hbm>> -> memref<1x8x1x8x128xf32, #tpu.memory_space<hbm>>
        %dma_wait3A_543 = tpu.memref_squeeze %dma_wait3A_542 : memref<1x8x1x8x128xf32, #tpu.memory_space<hbm>> -> memref<8x8x128xf32, #tpu.memory_space<hbm>>
        %dma_wait3A_544 = arith.constant 0 : i32
        %dma_wait3A_545 = arith.constant 0 : i32
        %dma_wait3A_546 = arith.constant 0 : i32
        %dma_wait3A_547 = tpu.memref_slice %arg7[%dma_wait3A_527, %dma_wait3A_544, %dma_wait3A_545, %dma_wait3A_546] : memref<2x8x8x129xf32, #tpu.memory_space<vmem>> -> memref<1x8x8x128xf32, #tpu.memory_space<vmem>>
        %dma_wait3A_548 = tpu.memref_squeeze %dma_wait3A_547 : memref<1x8x8x128xf32, #tpu.memory_space<vmem>> -> memref<8x8x128xf32, #tpu.memory_space<vmem>>
        tpu.wait_dma2 semaphore(%arg9 : memref<!tpu.dma_semaphore, #tpu.memory_space<semaphore_mem>>) src(%dma_wait3A_548 : memref<8x8x128xf32, #tpu.memory_space<vmem>>) dst(%dma_wait3A_543 : memref<8x8x128xf32, #tpu.memory_space<hbm>>)
      } else {
      }
      %parallel_loop3A_392 = arith.constant 0 : i32
      %parallel_loop3A_393 = arith.constant 128 : i32
      %parallel_loop3A_394 = arith.constant 1 : i32
      scf.for %parallel_loop3A_527 = %parallel_loop3A_392 to %parallel_loop3A_393 step %parallel_loop3A_394  : i32 {
        %parallel_loop3A_528 = vector.broadcast %parallel_loop3A_527 : i32 to vector<16xi32>
        %parallel_loop3A_529 = arith.constant 1 : i32
        %parallel_loop3A_530 = arith.index_cast %parallel_loop3A_529 : i32 to index
        %parallel_loop3A_531 = arith.index_cast %parallel_loop3A_527 : i32 to index
        %parallel_loop3A_532 = arith.constant 0 : index
        %parallel_loop3A_533 = tpu.vector_load %arg6[%parallel_loop3A_530, %parallel_loop3A_531, %parallel_loop3A_532] {strides = array<i32>} : memref<4x128x64xf32, #tpu.memory_space<vmem>>, vector<16xf32>,
        %parallel_loop3A_534 = arith.constant 8.000000e+00 : f32
        %parallel_loop3A_535 = vector.broadcast %parallel_loop3A_534 : f32 to vector<16xf32>
        %parallel_loop3A_536 = arith.mulf %parallel_loop3A_533, %parallel_loop3A_535 : vector<16xf32>
        %parallel_loop3A_537 = arith.constant 1 : i32
        %parallel_loop3A_538 = arith.constant 0 : i32
        %parallel_loop3A_539 = arith.constant 0 : i32
        %parallel_loop3A_540 = arith.constant 0 : i32
        %parallel_loop3A_541 = tpu.memref_slice %arg7[%parallel_loop3A_537, %parallel_loop3A_538, %parallel_loop3A_539, %parallel_loop3A_540] : memref<2x8x8x129xf32, #tpu.memory_space<vmem>> -> memref<1x8x8x129xf32, #tpu.memory_space<vmem>>
        %parallel_loop3A_542 = tpu.memref_squeeze %parallel_loop3A_541 : memref<1x8x8x129xf32, #tpu.memory_space<vmem>> -> memref<8x8x129xf32, #tpu.memory_space<vmem>>
        tpu.vector_store_idx %parallel_loop3A_542[%select_n3A, %select_n3A_49, %parallel_loop3A_528], %parallel_loop3A_536 : memref<8x8x129xf32, #tpu.memory_space<vmem>>[vector<16xi32>, vector<16xi32>, vector<16xi32>], vector<16xf32>,
        %parallel_loop3A_543 = arith.constant 1 : i32
        %parallel_loop3A_544 = arith.index_cast %parallel_loop3A_543 : i32 to index
        %parallel_loop3A_545 = arith.index_cast %parallel_loop3A_527 : i32 to index
        %parallel_loop3A_546 = arith.constant 16 : index
        %parallel_loop3A_547 = tpu.vector_load %arg6[%parallel_loop3A_544, %parallel_loop3A_545, %parallel_loop3A_546] {strides = array<i32>} : memref<4x128x64xf32, #tpu.memory_space<vmem>>, vector<16xf32>,
        %parallel_loop3A_548 = arith.constant 8.000000e+00 : f32
        %parallel_loop3A_549 = vector.broadcast %parallel_loop3A_548 : f32 to vector<16xf32>
        %parallel_loop3A_550 = arith.mulf %parallel_loop3A_547, %parallel_loop3A_549 : vector<16xf32>
        %parallel_loop3A_551 = arith.constant 1 : i32
        %parallel_loop3A_552 = arith.constant 0 : i32
        %parallel_loop3A_553 = arith.constant 0 : i32
        %parallel_loop3A_554 = arith.constant 0 : i32
        %parallel_loop3A_555 = tpu.memref_slice %arg7[%parallel_loop3A_551, %parallel_loop3A_552, %parallel_loop3A_553, %parallel_loop3A_554] : memref<2x8x8x129xf32, #tpu.memory_space<vmem>> -> memref<1x8x8x129xf32, #tpu.memory_space<vmem>>
        %parallel_loop3A_556 = tpu.memref_squeeze %parallel_loop3A_555 : memref<1x8x8x129xf32, #tpu.memory_space<vmem>> -> memref<8x8x129xf32, #tpu.memory_space<vmem>>
        tpu.vector_store_idx %parallel_loop3A_556[%select_n3A_83, %select_n3A_108, %parallel_loop3A_528], %parallel_loop3A_550 : memref<8x8x129xf32, #tpu.memory_space<vmem>>[vector<16xi32>, vector<16xi32>, vector<16xi32>], vector<16xf32>,
        %parallel_loop3A_557 = arith.constant 1 : i32
        %parallel_loop3A_558 = arith.index_cast %parallel_loop3A_557 : i32 to index
        %parallel_loop3A_559 = arith.index_cast %parallel_loop3A_527 : i32 to index
        %parallel_loop3A_560 = arith.constant 32 : index
        %parallel_loop3A_561 = tpu.vector_load %arg6[%parallel_loop3A_558, %parallel_loop3A_559, %parallel_loop3A_560] {strides = array<i32>} : memref<4x128x64xf32, #tpu.memory_space<vmem>>, vector<16xf32>,
        %parallel_loop3A_562 = arith.constant 8.000000e+00 : f32
        %parallel_loop3A_563 = vector.broadcast %parallel_loop3A_562 : f32 to vector<16xf32>
        %parallel_loop3A_564 = arith.mulf %parallel_loop3A_561, %parallel_loop3A_563 : vector<16xf32>
        %parallel_loop3A_565 = arith.constant 1 : i32
        %parallel_loop3A_566 = arith.constant 0 : i32
        %parallel_loop3A_567 = arith.constant 0 : i32
        %parallel_loop3A_568 = arith.constant 0 : i32
        %parallel_loop3A_569 = tpu.memref_slice %arg7[%parallel_loop3A_565, %parallel_loop3A_566, %parallel_loop3A_567, %parallel_loop3A_568] : memref<2x8x8x129xf32, #tpu.memory_space<vmem>> -> memref<1x8x8x129xf32, #tpu.memory_space<vmem>>
        %parallel_loop3A_570 = tpu.memref_squeeze %parallel_loop3A_569 : memref<1x8x8x129xf32, #tpu.memory_space<vmem>> -> memref<8x8x129xf32, #tpu.memory_space<vmem>>
        tpu.vector_store_idx %parallel_loop3A_570[%select_n3A_142, %select_n3A_167, %parallel_loop3A_528], %parallel_loop3A_564 : memref<8x8x129xf32, #tpu.memory_space<vmem>>[vector<16xi32>, vector<16xi32>, vector<16xi32>], vector<16xf32>,
        %parallel_loop3A_571 = arith.constant 1 : i32
        %parallel_loop3A_572 = arith.index_cast %parallel_loop3A_571 : i32 to index
        %parallel_loop3A_573 = arith.index_cast %parallel_loop3A_527 : i32 to index
        %parallel_loop3A_574 = arith.constant 48 : index
        %parallel_loop3A_575 = tpu.vector_load %arg6[%parallel_loop3A_572, %parallel_loop3A_573, %parallel_loop3A_574] {strides = array<i32>} : memref<4x128x64xf32, #tpu.memory_space<vmem>>, vector<16xf32>,
        %parallel_loop3A_576 = arith.constant 8.000000e+00 : f32
        %parallel_loop3A_577 = vector.broadcast %parallel_loop3A_576 : f32 to vector<16xf32>
        %parallel_loop3A_578 = arith.mulf %parallel_loop3A_575, %parallel_loop3A_577 : vector<16xf32>
        %parallel_loop3A_579 = arith.constant 1 : i32
        %parallel_loop3A_580 = arith.constant 0 : i32
        %parallel_loop3A_581 = arith.constant 0 : i32
        %parallel_loop3A_582 = arith.constant 0 : i32
        %parallel_loop3A_583 = tpu.memref_slice %arg7[%parallel_loop3A_579, %parallel_loop3A_580, %parallel_loop3A_581, %parallel_loop3A_582] : memref<2x8x8x129xf32, #tpu.memory_space<vmem>> -> memref<1x8x8x129xf32, #tpu.memory_space<vmem>>
        %parallel_loop3A_584 = tpu.memref_squeeze %parallel_loop3A_583 : memref<1x8x8x129xf32, #tpu.memory_space<vmem>> -> memref<8x8x129xf32, #tpu.memory_space<vmem>>
        tpu.vector_store_idx %parallel_loop3A_584[%select_n3A_201, %select_n3A_226, %parallel_loop3A_528], %parallel_loop3A_578 : memref<8x8x129xf32, #tpu.memory_space<vmem>>[vector<16xi32>, vector<16xi32>, vector<16xi32>], vector<16xf32>,
      } {sc.loop_unroll_factor = 8 : i64, sc.parallel_access}
      %dma_start3A_395 = arith.constant 1 : i32
      %dma_start3A_396 = arith.constant 0 : i32
      %dma_start3A_397 = arith.constant 0 : i32
      %dma_start3A_398 = arith.constant 0 : i32
      %dma_start3A_399 = tpu.memref_slice %arg7[%dma_start3A_395, %dma_start3A_396, %dma_start3A_397, %dma_start3A_398] : memref<2x8x8x129xf32, #tpu.memory_space<vmem>> -> memref<1x8x8x128xf32, #tpu.memory_space<vmem>>
      %dma_start3A_400 = tpu.memref_squeeze %dma_start3A_399 : memref<1x8x8x128xf32, #tpu.memory_space<vmem>> -> memref<8x8x128xf32, #tpu.memory_space<vmem>>
      %dma_start3A_401 = arith.constant 0 : i32
      %dma_start3A_402 = arith.constant 0 : i32
      %dma_start3A_403 = arith.constant 0 : i32
      %dma_start3A_404 = tpu.memref_slice %arg4[%add3A_374, %dma_start3A_401, %add3A, %dma_start3A_402, %dma_start3A_403] : memref<200x8x32x8x128xf32, #tpu.memory_space<hbm>> -> memref<1x8x1x8x128xf32, #tpu.memory_space<hbm>>
      %dma_start3A_405 = tpu.memref_squeeze %dma_start3A_404 : memref<1x8x1x8x128xf32, #tpu.memory_space<hbm>> -> memref<8x8x128xf32, #tpu.memory_space<hbm>>
      %dma_start3A_406 = arith.constant 0 : i32
      %dma_start3A_407 = arith.constant 0 : i32
      %dma_start3A_408 = arith.constant 0 : i32
      %dma_start3A_409 = tpu.memref_slice %arg4[%add3A_374, %dma_start3A_406, %add3A, %dma_start3A_407, %dma_start3A_408] : memref<200x8x32x8x128xf32, #tpu.memory_space<hbm>> -> memref<1x8x1x8x128xf32, #tpu.memory_space<hbm>>
      %dma_start3A_410 = tpu.memref_squeeze %dma_start3A_409 : memref<1x8x1x8x128xf32, #tpu.memory_space<hbm>> -> memref<8x8x128xf32, #tpu.memory_space<hbm>>
      %dma_start3A_411 = arith.constant 0 : i32
      %dma_start3A_412 = arith.constant 0 : i32
      %dma_start3A_413 = arith.constant 0 : i32
      %dma_start3A_414 = tpu.memref_slice %arg7[%dma_start3A_395, %dma_start3A_411, %dma_start3A_412, %dma_start3A_413] : memref<2x8x8x129xf32, #tpu.memory_space<vmem>> -> memref<1x8x8x128xf32, #tpu.memory_space<vmem>>
      %dma_start3A_415 = tpu.memref_squeeze %dma_start3A_414 : memref<1x8x8x128xf32, #tpu.memory_space<vmem>> -> memref<8x8x128xf32, #tpu.memory_space<vmem>>
      tpu.enqueue_dma source(%dma_start3A_415 : memref<8x8x128xf32, #tpu.memory_space<vmem>>) target(%dma_start3A_410 : memref<8x8x128xf32, #tpu.memory_space<hbm>>) target_semaphore(%arg9 : memref<!tpu.dma_semaphore, #tpu.memory_space<semaphore_mem>>)
      %add3A_416 = arith.constant 4 : i32
      %add3A_417 = arith.addi %add3A_374, %add3A_416 : i32
      %lt3A_418 = arith.constant 200 : i32
      %lt3A_419 = arith.cmpi slt, %add3A_417, %lt3A_418 : i32
      %convert_element_type3A_420 = arith.extui %lt3A_419 : i1 to i32
      %cond3A_421 = arith.constant 0 : i32
      %cond3A_422 = arith.cmpi ne, %convert_element_type3A_420, %cond3A_421 : i32
      scf.if %cond3A_422 {
        %add3A_527 = arith.constant 4 : i32
        %add3A_528 = arith.addi %add3A_374, %add3A_527 : i32
        %dma_start3A_529 = arith.constant 1 : i32
        %dma_start3A_530 = arith.constant 0 : i32
        %dma_start3A_531 = arith.constant 0 : i32
        %dma_start3A_532 = tpu.memref_slice %arg6[%dma_start3A_529, %dma_start3A_530, %dma_start3A_531] : memref<4x128x64xf32, #tpu.memory_space<vmem>> -> memref<1x128x64xf32, #tpu.memory_space<vmem>>
        %dma_start3A_533 = tpu.memref_squeeze %dma_start3A_532 : memref<1x128x64xf32, #tpu.memory_space<vmem>> -> memref<128x64xf32, #tpu.memory_space<vmem>>
        %dma_start3A_534 = arith.constant 0 : i32
        %dma_start3A_535 = tpu.memref_slice %arg5[%add3A_528, %dma_start3A_534] : memref<200x128xi32, #tpu.memory_space<vmem>> -> memref<1x128xi32, #tpu.memory_space<vmem>>
        %dma_start3A_536 = tpu.memref_squeeze %dma_start3A_535 : memref<1x128xi32, #tpu.memory_space<vmem>> -> memref<128xi32, #tpu.memory_space<vmem>>
        %dma_start3A_537 = arith.constant 0 : i32
        %dma_start3A_538 = arith.constant 0 : i32
        %dma_start3A_539 = tpu.memref_slice %arg3[%dma_start3A_537, %dma_start3A_538] : memref<1000000x64xf32, #tpu.memory_space<hbm>> -> memref<1000000x64xf32, #tpu.memory_space<hbm>>
        tpu.enqueue_indirect_dma source(%dma_start3A_539 : memref<1000000x64xf32, #tpu.memory_space<hbm>>) target(%dma_start3A_533 : memref<128x64xf32, #tpu.memory_space<vmem>>) offsets(%dma_start3A_536 : memref<128xi32, #tpu.memory_space<vmem>>) semaphore(%arg8 : memref<!tpu.dma_semaphore, #tpu.memory_space<semaphore_mem>>)
      } else {
      }
      %mul3A_423 = arith.constant 4 : i32
      %mul3A_424 = arith.muli %scan3A_322, %mul3A_423 : i32
      %add3A_425 = arith.constant 2 : i32
      %add3A_426 = arith.addi %mul3A_424, %add3A_425 : i32
      %dma_wait3A_427 = arith.constant 0 : i32
      %dma_wait3A_428 = arith.constant 2 : i32
      %dma_wait3A_429 = arith.constant 0 : i32
      %dma_wait3A_430 = arith.constant 0 : i32
      %dma_wait3A_431 = tpu.memref_slice %arg6[%dma_wait3A_428, %dma_wait3A_429, %dma_wait3A_430] : memref<4x128x64xf32, #tpu.memory_space<vmem>> -> memref<1x128x64xf32, #tpu.memory_space<vmem>>
      %dma_wait3A_432 = tpu.memref_squeeze %dma_wait3A_431 : memref<1x128x64xf32, #tpu.memory_space<vmem>> -> memref<128x64xf32, #tpu.memory_space<vmem>>
      %dma_wait3A_433 = arith.constant 0 : i32
      %dma_wait3A_434 = tpu.memref_slice %arg5[%dma_wait3A_427, %dma_wait3A_433] : memref<200x128xi32, #tpu.memory_space<vmem>> -> memref<1x128xi32, #tpu.memory_space<vmem>>
      %dma_wait3A_435 = tpu.memref_squeeze %dma_wait3A_434 : memref<1x128xi32, #tpu.memory_space<vmem>> -> memref<128xi32, #tpu.memory_space<vmem>>
      %dma_wait3A_436 = arith.constant 0 : i32
      %dma_wait3A_437 = arith.constant 0 : i32
      %dma_wait3A_438 = tpu.memref_slice %arg3[%dma_wait3A_436, %dma_wait3A_437] : memref<1000000x64xf32, #tpu.memory_space<hbm>> -> memref<1000000x64xf32, #tpu.memory_space<hbm>>
      tpu.wait_indirect_dma semaphore(%arg8 : memref<!tpu.dma_semaphore, #tpu.memory_space<semaphore_mem>>) src(%dma_wait3A_438 : memref<1000000x64xf32, #tpu.memory_space<hbm>>) dst(%dma_wait3A_432 : memref<128x64xf32, #tpu.memory_space<vmem>>)
      %ge3A_439 = arith.constant 2 : i32
      %ge3A_440 = arith.cmpi sge, %add3A_426, %ge3A_439 : i32
      %convert_element_type3A_441 = arith.extui %ge3A_440 : i1 to i32
      %cond3A_442 = arith.constant 0 : i32
      %cond3A_443 = arith.cmpi ne, %convert_element_type3A_441, %cond3A_442 : i32
      scf.if %cond3A_443 {
        %dma_wait3A_527 = arith.constant 0 : i32
        %dma_wait3A_528 = arith.constant 0 : i32
        %dma_wait3A_529 = arith.constant 0 : i32
        %dma_wait3A_530 = arith.constant 0 : i32
        %dma_wait3A_531 = arith.constant 0 : i32
        %dma_wait3A_532 = tpu.memref_slice %arg7[%dma_wait3A_527, %dma_wait3A_529, %dma_wait3A_530, %dma_wait3A_531] : memref<2x8x8x129xf32, #tpu.memory_space<vmem>> -> memref<1x8x8x128xf32, #tpu.memory_space<vmem>>
        %dma_wait3A_533 = tpu.memref_squeeze %dma_wait3A_532 : memref<1x8x8x128xf32, #tpu.memory_space<vmem>> -> memref<8x8x128xf32, #tpu.memory_space<vmem>>
        %dma_wait3A_534 = arith.constant 0 : i32
        %dma_wait3A_535 = arith.constant 0 : i32
        %dma_wait3A_536 = arith.constant 0 : i32
        %dma_wait3A_537 = tpu.memref_slice %arg4[%dma_wait3A_528, %dma_wait3A_534, %add3A, %dma_wait3A_535, %dma_wait3A_536] : memref<200x8x32x8x128xf32, #tpu.memory_space<hbm>> -> memref<1x8x1x8x128xf32, #tpu.memory_space<hbm>>
        %dma_wait3A_538 = tpu.memref_squeeze %dma_wait3A_537 : memref<1x8x1x8x128xf32, #tpu.memory_space<hbm>> -> memref<8x8x128xf32, #tpu.memory_space<hbm>>
        %dma_wait3A_539 = arith.constant 0 : i32
        %dma_wait3A_540 = arith.constant 0 : i32
        %dma_wait3A_541 = arith.constant 0 : i32
        %dma_wait3A_542 = tpu.memref_slice %arg4[%dma_wait3A_528, %dma_wait3A_539, %add3A, %dma_wait3A_540, %dma_wait3A_541] : memref<200x8x32x8x128xf32, #tpu.memory_space<hbm>> -> memref<1x8x1x8x128xf32, #tpu.memory_space<hbm>>
        %dma_wait3A_543 = tpu.memref_squeeze %dma_wait3A_542 : memref<1x8x1x8x128xf32, #tpu.memory_space<hbm>> -> memref<8x8x128xf32, #tpu.memory_space<hbm>>
        %dma_wait3A_544 = arith.constant 0 : i32
        %dma_wait3A_545 = arith.constant 0 : i32
        %dma_wait3A_546 = arith.constant 0 : i32
        %dma_wait3A_547 = tpu.memref_slice %arg7[%dma_wait3A_527, %dma_wait3A_544, %dma_wait3A_545, %dma_wait3A_546] : memref<2x8x8x129xf32, #tpu.memory_space<vmem>> -> memref<1x8x8x128xf32, #tpu.memory_space<vmem>>
        %dma_wait3A_548 = tpu.memref_squeeze %dma_wait3A_547 : memref<1x8x8x128xf32, #tpu.memory_space<vmem>> -> memref<8x8x128xf32, #tpu.memory_space<vmem>>
        tpu.wait_dma2 semaphore(%arg9 : memref<!tpu.dma_semaphore, #tpu.memory_space<semaphore_mem>>) src(%dma_wait3A_548 : memref<8x8x128xf32, #tpu.memory_space<vmem>>) dst(%dma_wait3A_543 : memref<8x8x128xf32, #tpu.memory_space<hbm>>)
      } else {
      }
      %parallel_loop3A_444 = arith.constant 0 : i32
      %parallel_loop3A_445 = arith.constant 128 : i32
      %parallel_loop3A_446 = arith.constant 1 : i32
      scf.for %parallel_loop3A_527 = %parallel_loop3A_444 to %parallel_loop3A_445 step %parallel_loop3A_446  : i32 {
        %parallel_loop3A_528 = vector.broadcast %parallel_loop3A_527 : i32 to vector<16xi32>
        %parallel_loop3A_529 = arith.constant 2 : i32
        %parallel_loop3A_530 = arith.index_cast %parallel_loop3A_529 : i32 to index
        %parallel_loop3A_531 = arith.index_cast %parallel_loop3A_527 : i32 to index
        %parallel_loop3A_532 = arith.constant 0 : index
        %parallel_loop3A_533 = tpu.vector_load %arg6[%parallel_loop3A_530, %parallel_loop3A_531, %parallel_loop3A_532] {strides = array<i32>} : memref<4x128x64xf32, #tpu.memory_space<vmem>>, vector<16xf32>,
        %parallel_loop3A_534 = arith.constant 8.000000e+00 : f32
        %parallel_loop3A_535 = vector.broadcast %parallel_loop3A_534 : f32 to vector<16xf32>
        %parallel_loop3A_536 = arith.mulf %parallel_loop3A_533, %parallel_loop3A_535 : vector<16xf32>
        %parallel_loop3A_537 = arith.constant 0 : i32
        %parallel_loop3A_538 = arith.constant 0 : i32
        %parallel_loop3A_539 = arith.constant 0 : i32
        %parallel_loop3A_540 = arith.constant 0 : i32
        %parallel_loop3A_541 = tpu.memref_slice %arg7[%parallel_loop3A_537, %parallel_loop3A_538, %parallel_loop3A_539, %parallel_loop3A_540] : memref<2x8x8x129xf32, #tpu.memory_space<vmem>> -> memref<1x8x8x129xf32, #tpu.memory_space<vmem>>
        %parallel_loop3A_542 = tpu.memref_squeeze %parallel_loop3A_541 : memref<1x8x8x129xf32, #tpu.memory_space<vmem>> -> memref<8x8x129xf32, #tpu.memory_space<vmem>>
        tpu.vector_store_idx %parallel_loop3A_542[%select_n3A, %select_n3A_49, %parallel_loop3A_528], %parallel_loop3A_536 : memref<8x8x129xf32, #tpu.memory_space<vmem>>[vector<16xi32>, vector<16xi32>, vector<16xi32>], vector<16xf32>,
        %parallel_loop3A_543 = arith.constant 2 : i32
        %parallel_loop3A_544 = arith.index_cast %parallel_loop3A_543 : i32 to index
        %parallel_loop3A_545 = arith.index_cast %parallel_loop3A_527 : i32 to index
        %parallel_loop3A_546 = arith.constant 16 : index
        %parallel_loop3A_547 = tpu.vector_load %arg6[%parallel_loop3A_544, %parallel_loop3A_545, %parallel_loop3A_546] {strides = array<i32>} : memref<4x128x64xf32, #tpu.memory_space<vmem>>, vector<16xf32>,
        %parallel_loop3A_548 = arith.constant 8.000000e+00 : f32
        %parallel_loop3A_549 = vector.broadcast %parallel_loop3A_548 : f32 to vector<16xf32>
        %parallel_loop3A_550 = arith.mulf %parallel_loop3A_547, %parallel_loop3A_549 : vector<16xf32>
        %parallel_loop3A_551 = arith.constant 0 : i32
        %parallel_loop3A_552 = arith.constant 0 : i32
        %parallel_loop3A_553 = arith.constant 0 : i32
        %parallel_loop3A_554 = arith.constant 0 : i32
        %parallel_loop3A_555 = tpu.memref_slice %arg7[%parallel_loop3A_551, %parallel_loop3A_552, %parallel_loop3A_553, %parallel_loop3A_554] : memref<2x8x8x129xf32, #tpu.memory_space<vmem>> -> memref<1x8x8x129xf32, #tpu.memory_space<vmem>>
        %parallel_loop3A_556 = tpu.memref_squeeze %parallel_loop3A_555 : memref<1x8x8x129xf32, #tpu.memory_space<vmem>> -> memref<8x8x129xf32, #tpu.memory_space<vmem>>
        tpu.vector_store_idx %parallel_loop3A_556[%select_n3A_83, %select_n3A_108, %parallel_loop3A_528], %parallel_loop3A_550 : memref<8x8x129xf32, #tpu.memory_space<vmem>>[vector<16xi32>, vector<16xi32>, vector<16xi32>], vector<16xf32>,
        %parallel_loop3A_557 = arith.constant 2 : i32
        %parallel_loop3A_558 = arith.index_cast %parallel_loop3A_557 : i32 to index
        %parallel_loop3A_559 = arith.index_cast %parallel_loop3A_527 : i32 to index
        %parallel_loop3A_560 = arith.constant 32 : index
        %parallel_loop3A_561 = tpu.vector_load %arg6[%parallel_loop3A_558, %parallel_loop3A_559, %parallel_loop3A_560] {strides = array<i32>} : memref<4x128x64xf32, #tpu.memory_space<vmem>>, vector<16xf32>,
        %parallel_loop3A_562 = arith.constant 8.000000e+00 : f32
        %parallel_loop3A_563 = vector.broadcast %parallel_loop3A_562 : f32 to vector<16xf32>
        %parallel_loop3A_564 = arith.mulf %parallel_loop3A_561, %parallel_loop3A_563 : vector<16xf32>
        %parallel_loop3A_565 = arith.constant 0 : i32
        %parallel_loop3A_566 = arith.constant 0 : i32
        %parallel_loop3A_567 = arith.constant 0 : i32
        %parallel_loop3A_568 = arith.constant 0 : i32
        %parallel_loop3A_569 = tpu.memref_slice %arg7[%parallel_loop3A_565, %parallel_loop3A_566, %parallel_loop3A_567, %parallel_loop3A_568] : memref<2x8x8x129xf32, #tpu.memory_space<vmem>> -> memref<1x8x8x129xf32, #tpu.memory_space<vmem>>
        %parallel_loop3A_570 = tpu.memref_squeeze %parallel_loop3A_569 : memref<1x8x8x129xf32, #tpu.memory_space<vmem>> -> memref<8x8x129xf32, #tpu.memory_space<vmem>>
        tpu.vector_store_idx %parallel_loop3A_570[%select_n3A_142, %select_n3A_167, %parallel_loop3A_528], %parallel_loop3A_564 : memref<8x8x129xf32, #tpu.memory_space<vmem>>[vector<16xi32>, vector<16xi32>, vector<16xi32>], vector<16xf32>,
        %parallel_loop3A_571 = arith.constant 2 : i32
        %parallel_loop3A_572 = arith.index_cast %parallel_loop3A_571 : i32 to index
        %parallel_loop3A_573 = arith.index_cast %parallel_loop3A_527 : i32 to index
        %parallel_loop3A_574 = arith.constant 48 : index
        %parallel_loop3A_575 = tpu.vector_load %arg6[%parallel_loop3A_572, %parallel_loop3A_573, %parallel_loop3A_574] {strides = array<i32>} : memref<4x128x64xf32, #tpu.memory_space<vmem>>, vector<16xf32>,
        %parallel_loop3A_576 = arith.constant 8.000000e+00 : f32
        %parallel_loop3A_577 = vector.broadcast %parallel_loop3A_576 : f32 to vector<16xf32>
        %parallel_loop3A_578 = arith.mulf %parallel_loop3A_575, %parallel_loop3A_577 : vector<16xf32>
        %parallel_loop3A_579 = arith.constant 0 : i32
        %parallel_loop3A_580 = arith.constant 0 : i32
        %parallel_loop3A_581 = arith.constant 0 : i32
        %parallel_loop3A_582 = arith.constant 0 : i32
        %parallel_loop3A_583 = tpu.memref_slice %arg7[%parallel_loop3A_579, %parallel_loop3A_580, %parallel_loop3A_581, %parallel_loop3A_582] : memref<2x8x8x129xf32, #tpu.memory_space<vmem>> -> memref<1x8x8x129xf32, #tpu.memory_space<vmem>>
        %parallel_loop3A_584 = tpu.memref_squeeze %parallel_loop3A_583 : memref<1x8x8x129xf32, #tpu.memory_space<vmem>> -> memref<8x8x129xf32, #tpu.memory_space<vmem>>
        tpu.vector_store_idx %parallel_loop3A_584[%select_n3A_201, %select_n3A_226, %parallel_loop3A_528], %parallel_loop3A_578 : memref<8x8x129xf32, #tpu.memory_space<vmem>>[vector<16xi32>, vector<16xi32>, vector<16xi32>], vector<16xf32>,
      } {sc.loop_unroll_factor = 8 : i64, sc.parallel_access}
      %dma_start3A_447 = arith.constant 0 : i32
      %dma_start3A_448 = arith.constant 0 : i32
      %dma_start3A_449 = arith.constant 0 : i32
      %dma_start3A_450 = arith.constant 0 : i32
      %dma_start3A_451 = tpu.memref_slice %arg7[%dma_start3A_447, %dma_start3A_448, %dma_start3A_449, %dma_start3A_450] : memref<2x8x8x129xf32, #tpu.memory_space<vmem>> -> memref<1x8x8x128xf32, #tpu.memory_space<vmem>>
      %dma_start3A_452 = tpu.memref_squeeze %dma_start3A_451 : memref<1x8x8x128xf32, #tpu.memory_space<vmem>> -> memref<8x8x128xf32, #tpu.memory_space<vmem>>
      %dma_start3A_453 = arith.constant 0 : i32
      %dma_start3A_454 = arith.constant 0 : i32
      %dma_start3A_455 = arith.constant 0 : i32
      %dma_start3A_456 = tpu.memref_slice %arg4[%add3A_426, %dma_start3A_453, %add3A, %dma_start3A_454, %dma_start3A_455] : memref<200x8x32x8x128xf32, #tpu.memory_space<hbm>> -> memref<1x8x1x8x128xf32, #tpu.memory_space<hbm>>
      %dma_start3A_457 = tpu.memref_squeeze %dma_start3A_456 : memref<1x8x1x8x128xf32, #tpu.memory_space<hbm>> -> memref<8x8x128xf32, #tpu.memory_space<hbm>>
      %dma_start3A_458 = arith.constant 0 : i32
      %dma_start3A_459 = arith.constant 0 : i32
      %dma_start3A_460 = arith.constant 0 : i32
      %dma_start3A_461 = tpu.memref_slice %arg4[%add3A_426, %dma_start3A_458, %add3A, %dma_start3A_459, %dma_start3A_460] : memref<200x8x32x8x128xf32, #tpu.memory_space<hbm>> -> memref<1x8x1x8x128xf32, #tpu.memory_space<hbm>>
      %dma_start3A_462 = tpu.memref_squeeze %dma_start3A_461 : memref<1x8x1x8x128xf32, #tpu.memory_space<hbm>> -> memref<8x8x128xf32, #tpu.memory_space<hbm>>
      %dma_start3A_463 = arith.constant 0 : i32
      %dma_start3A_464 = arith.constant 0 : i32
      %dma_start3A_465 = arith.constant 0 : i32
      %dma_start3A_466 = tpu.memref_slice %arg7[%dma_start3A_447, %dma_start3A_463, %dma_start3A_464, %dma_start3A_465] : memref<2x8x8x129xf32, #tpu.memory_space<vmem>> -> memref<1x8x8x128xf32, #tpu.memory_space<vmem>>
      %dma_start3A_467 = tpu.memref_squeeze %dma_start3A_466 : memref<1x8x8x128xf32, #tpu.memory_space<vmem>> -> memref<8x8x128xf32, #tpu.memory_space<vmem>>
      tpu.enqueue_dma source(%dma_start3A_467 : memref<8x8x128xf32, #tpu.memory_space<vmem>>) target(%dma_start3A_462 : memref<8x8x128xf32, #tpu.memory_space<hbm>>) target_semaphore(%arg9 : memref<!tpu.dma_semaphore, #tpu.memory_space<semaphore_mem>>)
      %add3A_468 = arith.constant 4 : i32
      %add3A_469 = arith.addi %add3A_426, %add3A_468 : i32
      %lt3A_470 = arith.constant 200 : i32
      %lt3A_471 = arith.cmpi slt, %add3A_469, %lt3A_470 : i32
      %convert_element_type3A_472 = arith.extui %lt3A_471 : i1 to i32
      %cond3A_473 = arith.constant 0 : i32
      %cond3A_474 = arith.cmpi ne, %convert_element_type3A_472, %cond3A_473 : i32
      scf.if %cond3A_474 {
        %add3A_527 = arith.constant 4 : i32
        %add3A_528 = arith.addi %add3A_426, %add3A_527 : i32
        %dma_start3A_529 = arith.constant 2 : i32
        %dma_start3A_530 = arith.constant 0 : i32
        %dma_start3A_531 = arith.constant 0 : i32
        %dma_start3A_532 = tpu.memref_slice %arg6[%dma_start3A_529, %dma_start3A_530, %dma_start3A_531] : memref<4x128x64xf32, #tpu.memory_space<vmem>> -> memref<1x128x64xf32, #tpu.memory_space<vmem>>
        %dma_start3A_533 = tpu.memref_squeeze %dma_start3A_532 : memref<1x128x64xf32, #tpu.memory_space<vmem>> -> memref<128x64xf32, #tpu.memory_space<vmem>>
        %dma_start3A_534 = arith.constant 0 : i32
        %dma_start3A_535 = tpu.memref_slice %arg5[%add3A_528, %dma_start3A_534] : memref<200x128xi32, #tpu.memory_space<vmem>> -> memref<1x128xi32, #tpu.memory_space<vmem>>
        %dma_start3A_536 = tpu.memref_squeeze %dma_start3A_535 : memref<1x128xi32, #tpu.memory_space<vmem>> -> memref<128xi32, #tpu.memory_space<vmem>>
        %dma_start3A_537 = arith.constant 0 : i32
        %dma_start3A_538 = arith.constant 0 : i32
        %dma_start3A_539 = tpu.memref_slice %arg3[%dma_start3A_537, %dma_start3A_538] : memref<1000000x64xf32, #tpu.memory_space<hbm>> -> memref<1000000x64xf32, #tpu.memory_space<hbm>>
        tpu.enqueue_indirect_dma source(%dma_start3A_539 : memref<1000000x64xf32, #tpu.memory_space<hbm>>) target(%dma_start3A_533 : memref<128x64xf32, #tpu.memory_space<vmem>>) offsets(%dma_start3A_536 : memref<128xi32, #tpu.memory_space<vmem>>) semaphore(%arg8 : memref<!tpu.dma_semaphore, #tpu.memory_space<semaphore_mem>>)
      } else {
      }
      %mul3A_475 = arith.constant 4 : i32
      %mul3A_476 = arith.muli %scan3A_322, %mul3A_475 : i32
      %add3A_477 = arith.constant 3 : i32
      %add3A_478 = arith.addi %mul3A_476, %add3A_477 : i32
      %dma_wait3A_479 = arith.constant 0 : i32
      %dma_wait3A_480 = arith.constant 3 : i32
      %dma_wait3A_481 = arith.constant 0 : i32
      %dma_wait3A_482 = arith.constant 0 : i32
      %dma_wait3A_483 = tpu.memref_slice %arg6[%dma_wait3A_480, %dma_wait3A_481, %dma_wait3A_482] : memref<4x128x64xf32, #tpu.memory_space<vmem>> -> memref<1x128x64xf32, #tpu.memory_space<vmem>>
      %dma_wait3A_484 = tpu.memref_squeeze %dma_wait3A_483 : memref<1x128x64xf32, #tpu.memory_space<vmem>> -> memref<128x64xf32, #tpu.memory_space<vmem>>
      %dma_wait3A_485 = arith.constant 0 : i32
      %dma_wait3A_486 = tpu.memref_slice %arg5[%dma_wait3A_479, %dma_wait3A_485] : memref<200x128xi32, #tpu.memory_space<vmem>> -> memref<1x128xi32, #tpu.memory_space<vmem>>
      %dma_wait3A_487 = tpu.memref_squeeze %dma_wait3A_486 : memref<1x128xi32, #tpu.memory_space<vmem>> -> memref<128xi32, #tpu.memory_space<vmem>>
      %dma_wait3A_488 = arith.constant 0 : i32
      %dma_wait3A_489 = arith.constant 0 : i32
      %dma_wait3A_490 = tpu.memref_slice %arg3[%dma_wait3A_488, %dma_wait3A_489] : memref<1000000x64xf32, #tpu.memory_space<hbm>> -> memref<1000000x64xf32, #tpu.memory_space<hbm>>
      tpu.wait_indirect_dma semaphore(%arg8 : memref<!tpu.dma_semaphore, #tpu.memory_space<semaphore_mem>>) src(%dma_wait3A_490 : memref<1000000x64xf32, #tpu.memory_space<hbm>>) dst(%dma_wait3A_484 : memref<128x64xf32, #tpu.memory_space<vmem>>)
      %ge3A_491 = arith.constant 2 : i32
      %ge3A_492 = arith.cmpi sge, %add3A_478, %ge3A_491 : i32
      %convert_element_type3A_493 = arith.extui %ge3A_492 : i1 to i32
      %cond3A_494 = arith.constant 0 : i32
      %cond3A_495 = arith.cmpi ne, %convert_element_type3A_493, %cond3A_494 : i32
      scf.if %cond3A_495 {
        %dma_wait3A_527 = arith.constant 0 : i32
        %dma_wait3A_528 = arith.constant 0 : i32
        %dma_wait3A_529 = arith.constant 0 : i32
        %dma_wait3A_530 = arith.constant 0 : i32
        %dma_wait3A_531 = arith.constant 0 : i32
        %dma_wait3A_532 = tpu.memref_slice %arg7[%dma_wait3A_527, %dma_wait3A_529, %dma_wait3A_530, %dma_wait3A_531] : memref<2x8x8x129xf32, #tpu.memory_space<vmem>> -> memref<1x8x8x128xf32, #tpu.memory_space<vmem>>
        %dma_wait3A_533 = tpu.memref_squeeze %dma_wait3A_532 : memref<1x8x8x128xf32, #tpu.memory_space<vmem>> -> memref<8x8x128xf32, #tpu.memory_space<vmem>>
        %dma_wait3A_534 = arith.constant 0 : i32
        %dma_wait3A_535 = arith.constant 0 : i32
        %dma_wait3A_536 = arith.constant 0 : i32
        %dma_wait3A_537 = tpu.memref_slice %arg4[%dma_wait3A_528, %dma_wait3A_534, %add3A, %dma_wait3A_535, %dma_wait3A_536] : memref<200x8x32x8x128xf32, #tpu.memory_space<hbm>> -> memref<1x8x1x8x128xf32, #tpu.memory_space<hbm>>
        %dma_wait3A_538 = tpu.memref_squeeze %dma_wait3A_537 : memref<1x8x1x8x128xf32, #tpu.memory_space<hbm>> -> memref<8x8x128xf32, #tpu.memory_space<hbm>>
        %dma_wait3A_539 = arith.constant 0 : i32
        %dma_wait3A_540 = arith.constant 0 : i32
        %dma_wait3A_541 = arith.constant 0 : i32
        %dma_wait3A_542 = tpu.memref_slice %arg4[%dma_wait3A_528, %dma_wait3A_539, %add3A, %dma_wait3A_540, %dma_wait3A_541] : memref<200x8x32x8x128xf32, #tpu.memory_space<hbm>> -> memref<1x8x1x8x128xf32, #tpu.memory_space<hbm>>
        %dma_wait3A_543 = tpu.memref_squeeze %dma_wait3A_542 : memref<1x8x1x8x128xf32, #tpu.memory_space<hbm>> -> memref<8x8x128xf32, #tpu.memory_space<hbm>>
        %dma_wait3A_544 = arith.constant 0 : i32
        %dma_wait3A_545 = arith.constant 0 : i32
        %dma_wait3A_546 = arith.constant 0 : i32
        %dma_wait3A_547 = tpu.memref_slice %arg7[%dma_wait3A_527, %dma_wait3A_544, %dma_wait3A_545, %dma_wait3A_546] : memref<2x8x8x129xf32, #tpu.memory_space<vmem>> -> memref<1x8x8x128xf32, #tpu.memory_space<vmem>>
        %dma_wait3A_548 = tpu.memref_squeeze %dma_wait3A_547 : memref<1x8x8x128xf32, #tpu.memory_space<vmem>> -> memref<8x8x128xf32, #tpu.memory_space<vmem>>
        tpu.wait_dma2 semaphore(%arg9 : memref<!tpu.dma_semaphore, #tpu.memory_space<semaphore_mem>>) src(%dma_wait3A_548 : memref<8x8x128xf32, #tpu.memory_space<vmem>>) dst(%dma_wait3A_543 : memref<8x8x128xf32, #tpu.memory_space<hbm>>)
      } else {
      }
      %parallel_loop3A_496 = arith.constant 0 : i32
      %parallel_loop3A_497 = arith.constant 128 : i32
      %parallel_loop3A_498 = arith.constant 1 : i32
      scf.for %parallel_loop3A_527 = %parallel_loop3A_496 to %parallel_loop3A_497 step %parallel_loop3A_498  : i32 {
        %parallel_loop3A_528 = vector.broadcast %parallel_loop3A_527 : i32 to vector<16xi32>
        %parallel_loop3A_529 = arith.constant 3 : i32
        %parallel_loop3A_530 = arith.index_cast %parallel_loop3A_529 : i32 to index
        %parallel_loop3A_531 = arith.index_cast %parallel_loop3A_527 : i32 to index
        %parallel_loop3A_532 = arith.constant 0 : index
        %parallel_loop3A_533 = tpu.vector_load %arg6[%parallel_loop3A_530, %parallel_loop3A_531, %parallel_loop3A_532] {strides = array<i32>} : memref<4x128x64xf32, #tpu.memory_space<vmem>>, vector<16xf32>,
        %parallel_loop3A_534 = arith.constant 8.000000e+00 : f32
        %parallel_loop3A_535 = vector.broadcast %parallel_loop3A_534 : f32 to vector<16xf32>
        %parallel_loop3A_536 = arith.mulf %parallel_loop3A_533, %parallel_loop3A_535 : vector<16xf32>
        %parallel_loop3A_537 = arith.constant 1 : i32
        %parallel_loop3A_538 = arith.constant 0 : i32
        %parallel_loop3A_539 = arith.constant 0 : i32
        %parallel_loop3A_540 = arith.constant 0 : i32
        %parallel_loop3A_541 = tpu.memref_slice %arg7[%parallel_loop3A_537, %parallel_loop3A_538, %parallel_loop3A_539, %parallel_loop3A_540] : memref<2x8x8x129xf32, #tpu.memory_space<vmem>> -> memref<1x8x8x129xf32, #tpu.memory_space<vmem>>
        %parallel_loop3A_542 = tpu.memref_squeeze %parallel_loop3A_541 : memref<1x8x8x129xf32, #tpu.memory_space<vmem>> -> memref<8x8x129xf32, #tpu.memory_space<vmem>>
        tpu.vector_store_idx %parallel_loop3A_542[%select_n3A, %select_n3A_49, %parallel_loop3A_528], %parallel_loop3A_536 : memref<8x8x129xf32, #tpu.memory_space<vmem>>[vector<16xi32>, vector<16xi32>, vector<16xi32>], vector<16xf32>,
        %parallel_loop3A_543 = arith.constant 3 : i32
        %parallel_loop3A_544 = arith.index_cast %parallel_loop3A_543 : i32 to index
        %parallel_loop3A_545 = arith.index_cast %parallel_loop3A_527 : i32 to index
        %parallel_loop3A_546 = arith.constant 16 : index
        %parallel_loop3A_547 = tpu.vector_load %arg6[%parallel_loop3A_544, %parallel_loop3A_545, %parallel_loop3A_546] {strides = array<i32>} : memref<4x128x64xf32, #tpu.memory_space<vmem>>, vector<16xf32>,
        %parallel_loop3A_548 = arith.constant 8.000000e+00 : f32
        %parallel_loop3A_549 = vector.broadcast %parallel_loop3A_548 : f32 to vector<16xf32>
        %parallel_loop3A_550 = arith.mulf %parallel_loop3A_547, %parallel_loop3A_549 : vector<16xf32>
        %parallel_loop3A_551 = arith.constant 1 : i32
        %parallel_loop3A_552 = arith.constant 0 : i32
        %parallel_loop3A_553 = arith.constant 0 : i32
        %parallel_loop3A_554 = arith.constant 0 : i32
        %parallel_loop3A_555 = tpu.memref_slice %arg7[%parallel_loop3A_551, %parallel_loop3A_552, %parallel_loop3A_553, %parallel_loop3A_554] : memref<2x8x8x129xf32, #tpu.memory_space<vmem>> -> memref<1x8x8x129xf32, #tpu.memory_space<vmem>>
        %parallel_loop3A_556 = tpu.memref_squeeze %parallel_loop3A_555 : memref<1x8x8x129xf32, #tpu.memory_space<vmem>> -> memref<8x8x129xf32, #tpu.memory_space<vmem>>
        tpu.vector_store_idx %parallel_loop3A_556[%select_n3A_83, %select_n3A_108, %parallel_loop3A_528], %parallel_loop3A_550 : memref<8x8x129xf32, #tpu.memory_space<vmem>>[vector<16xi32>, vector<16xi32>, vector<16xi32>], vector<16xf32>,
        %parallel_loop3A_557 = arith.constant 3 : i32
        %parallel_loop3A_558 = arith.index_cast %parallel_loop3A_557 : i32 to index
        %parallel_loop3A_559 = arith.index_cast %parallel_loop3A_527 : i32 to index
        %parallel_loop3A_560 = arith.constant 32 : index
        %parallel_loop3A_561 = tpu.vector_load %arg6[%parallel_loop3A_558, %parallel_loop3A_559, %parallel_loop3A_560] {strides = array<i32>} : memref<4x128x64xf32, #tpu.memory_space<vmem>>, vector<16xf32>,
        %parallel_loop3A_562 = arith.constant 8.000000e+00 : f32
        %parallel_loop3A_563 = vector.broadcast %parallel_loop3A_562 : f32 to vector<16xf32>
        %parallel_loop3A_564 = arith.mulf %parallel_loop3A_561, %parallel_loop3A_563 : vector<16xf32>
        %parallel_loop3A_565 = arith.constant 1 : i32
        %parallel_loop3A_566 = arith.constant 0 : i32
        %parallel_loop3A_567 = arith.constant 0 : i32
        %parallel_loop3A_568 = arith.constant 0 : i32
        %parallel_loop3A_569 = tpu.memref_slice %arg7[%parallel_loop3A_565, %parallel_loop3A_566, %parallel_loop3A_567, %parallel_loop3A_568] : memref<2x8x8x129xf32, #tpu.memory_space<vmem>> -> memref<1x8x8x129xf32, #tpu.memory_space<vmem>>
        %parallel_loop3A_570 = tpu.memref_squeeze %parallel_loop3A_569 : memref<1x8x8x129xf32, #tpu.memory_space<vmem>> -> memref<8x8x129xf32, #tpu.memory_space<vmem>>
        tpu.vector_store_idx %parallel_loop3A_570[%select_n3A_142, %select_n3A_167, %parallel_loop3A_528], %parallel_loop3A_564 : memref<8x8x129xf32, #tpu.memory_space<vmem>>[vector<16xi32>, vector<16xi32>, vector<16xi32>], vector<16xf32>,
        %parallel_loop3A_571 = arith.constant 3 : i32
        %parallel_loop3A_572 = arith.index_cast %parallel_loop3A_571 : i32 to index
        %parallel_loop3A_573 = arith.index_cast %parallel_loop3A_527 : i32 to index
        %parallel_loop3A_574 = arith.constant 48 : index
        %parallel_loop3A_575 = tpu.vector_load %arg6[%parallel_loop3A_572, %parallel_loop3A_573, %parallel_loop3A_574] {strides = array<i32>} : memref<4x128x64xf32, #tpu.memory_space<vmem>>, vector<16xf32>,
        %parallel_loop3A_576 = arith.constant 8.000000e+00 : f32
        %parallel_loop3A_577 = vector.broadcast %parallel_loop3A_576 : f32 to vector<16xf32>
        %parallel_loop3A_578 = arith.mulf %parallel_loop3A_575, %parallel_loop3A_577 : vector<16xf32>
        %parallel_loop3A_579 = arith.constant 1 : i32
        %parallel_loop3A_580 = arith.constant 0 : i32
        %parallel_loop3A_581 = arith.constant 0 : i32
        %parallel_loop3A_582 = arith.constant 0 : i32
        %parallel_loop3A_583 = tpu.memref_slice %arg7[%parallel_loop3A_579, %parallel_loop3A_580, %parallel_loop3A_581, %parallel_loop3A_582] : memref<2x8x8x129xf32, #tpu.memory_space<vmem>> -> memref<1x8x8x129xf32, #tpu.memory_space<vmem>>
        %parallel_loop3A_584 = tpu.memref_squeeze %parallel_loop3A_583 : memref<1x8x8x129xf32, #tpu.memory_space<vmem>> -> memref<8x8x129xf32, #tpu.memory_space<vmem>>
        tpu.vector_store_idx %parallel_loop3A_584[%select_n3A_201, %select_n3A_226, %parallel_loop3A_528], %parallel_loop3A_578 : memref<8x8x129xf32, #tpu.memory_space<vmem>>[vector<16xi32>, vector<16xi32>, vector<16xi32>], vector<16xf32>,
      } {sc.loop_unroll_factor = 8 : i64, sc.parallel_access}
      %dma_start3A_499 = arith.constant 1 : i32
      %dma_start3A_500 = arith.constant 0 : i32
      %dma_start3A_501 = arith.constant 0 : i32
      %dma_start3A_502 = arith.constant 0 : i32
      %dma_start3A_503 = tpu.memref_slice %arg7[%dma_start3A_499, %dma_start3A_500, %dma_start3A_501, %dma_start3A_502] : memref<2x8x8x129xf32, #tpu.memory_space<vmem>> -> memref<1x8x8x128xf32, #tpu.memory_space<vmem>>
      %dma_start3A_504 = tpu.memref_squeeze %dma_start3A_503 : memref<1x8x8x128xf32, #tpu.memory_space<vmem>> -> memref<8x8x128xf32, #tpu.memory_space<vmem>>
      %dma_start3A_505 = arith.constant 0 : i32
      %dma_start3A_506 = arith.constant 0 : i32
      %dma_start3A_507 = arith.constant 0 : i32
      %dma_start3A_508 = tpu.memref_slice %arg4[%add3A_478, %dma_start3A_505, %add3A, %dma_start3A_506, %dma_start3A_507] : memref<200x8x32x8x128xf32, #tpu.memory_space<hbm>> -> memref<1x8x1x8x128xf32, #tpu.memory_space<hbm>>
      %dma_start3A_509 = tpu.memref_squeeze %dma_start3A_508 : memref<1x8x1x8x128xf32, #tpu.memory_space<hbm>> -> memref<8x8x128xf32, #tpu.memory_space<hbm>>
      %dma_start3A_510 = arith.constant 0 : i32
      %dma_start3A_511 = arith.constant 0 : i32
      %dma_start3A_512 = arith.constant 0 : i32
      %dma_start3A_513 = tpu.memref_slice %arg4[%add3A_478, %dma_start3A_510, %add3A, %dma_start3A_511, %dma_start3A_512] : memref<200x8x32x8x128xf32, #tpu.memory_space<hbm>> -> memref<1x8x1x8x128xf32, #tpu.memory_space<hbm>>
      %dma_start3A_514 = tpu.memref_squeeze %dma_start3A_513 : memref<1x8x1x8x128xf32, #tpu.memory_space<hbm>> -> memref<8x8x128xf32, #tpu.memory_space<hbm>>
      %dma_start3A_515 = arith.constant 0 : i32
      %dma_start3A_516 = arith.constant 0 : i32
      %dma_start3A_517 = arith.constant 0 : i32
      %dma_start3A_518 = tpu.memref_slice %arg7[%dma_start3A_499, %dma_start3A_515, %dma_start3A_516, %dma_start3A_517] : memref<2x8x8x129xf32, #tpu.memory_space<vmem>> -> memref<1x8x8x128xf32, #tpu.memory_space<vmem>>
      %dma_start3A_519 = tpu.memref_squeeze %dma_start3A_518 : memref<1x8x8x128xf32, #tpu.memory_space<vmem>> -> memref<8x8x128xf32, #tpu.memory_space<vmem>>
      tpu.enqueue_dma source(%dma_start3A_519 : memref<8x8x128xf32, #tpu.memory_space<vmem>>) target(%dma_start3A_514 : memref<8x8x128xf32, #tpu.memory_space<hbm>>) target_semaphore(%arg9 : memref<!tpu.dma_semaphore, #tpu.memory_space<semaphore_mem>>)
      %add3A_520 = arith.constant 4 : i32
      %add3A_521 = arith.addi %add3A_478, %add3A_520 : i32
      %lt3A_522 = arith.constant 200 : i32
      %lt3A_523 = arith.cmpi slt, %add3A_521, %lt3A_522 : i32
      %convert_element_type3A_524 = arith.extui %lt3A_523 : i1 to i32
      %cond3A_525 = arith.constant 0 : i32
      %cond3A_526 = arith.cmpi ne, %convert_element_type3A_524, %cond3A_525 : i32
      scf.if %cond3A_526 {
        %add3A_527 = arith.constant 4 : i32
        %add3A_528 = arith.addi %add3A_478, %add3A_527 : i32
        %dma_start3A_529 = arith.constant 3 : i32
        %dma_start3A_530 = arith.constant 0 : i32
        %dma_start3A_531 = arith.constant 0 : i32
        %dma_start3A_532 = tpu.memref_slice %arg6[%dma_start3A_529, %dma_start3A_530, %dma_start3A_531] : memref<4x128x64xf32, #tpu.memory_space<vmem>> -> memref<1x128x64xf32, #tpu.memory_space<vmem>>
        %dma_start3A_533 = tpu.memref_squeeze %dma_start3A_532 : memref<1x128x64xf32, #tpu.memory_space<vmem>> -> memref<128x64xf32, #tpu.memory_space<vmem>>
        %dma_start3A_534 = arith.constant 0 : i32
        %dma_start3A_535 = tpu.memref_slice %arg5[%add3A_528, %dma_start3A_534] : memref<200x128xi32, #tpu.memory_space<vmem>> -> memref<1x128xi32, #tpu.memory_space<vmem>>
        %dma_start3A_536 = tpu.memref_squeeze %dma_start3A_535 : memref<1x128xi32, #tpu.memory_space<vmem>> -> memref<128xi32, #tpu.memory_space<vmem>>
        %dma_start3A_537 = arith.constant 0 : i32
        %dma_start3A_538 = arith.constant 0 : i32
        %dma_start3A_539 = tpu.memref_slice %arg3[%dma_start3A_537, %dma_start3A_538] : memref<1000000x64xf32, #tpu.memory_space<hbm>> -> memref<1000000x64xf32, #tpu.memory_space<hbm>>
        tpu.enqueue_indirect_dma source(%dma_start3A_539 : memref<1000000x64xf32, #tpu.memory_space<hbm>>) target(%dma_start3A_533 : memref<128x64xf32, #tpu.memory_space<vmem>>) offsets(%dma_start3A_536 : memref<128xi32, #tpu.memory_space<vmem>>) semaphore(%arg8 : memref<!tpu.dma_semaphore, #tpu.memory_space<semaphore_mem>>)
      } else {
      }
    }
    %scan3A_278 = arith.constant 50 : i32
    %dma_wait3A = arith.constant 0 : i32
    %dma_wait3A_279 = arith.constant 0 : i32
    %dma_wait3A_280 = arith.constant 0 : i32
    %dma_wait3A_281 = arith.constant 0 : i32
    %dma_wait3A_282 = arith.constant 0 : i32
    %dma_wait3A_283 = tpu.memref_slice %arg7[%dma_wait3A, %dma_wait3A_280, %dma_wait3A_281, %dma_wait3A_282] : memref<2x8x8x129xf32, #tpu.memory_space<vmem>> -> memref<1x8x8x128xf32, #tpu.memory_space<vmem>>
    %dma_wait3A_284 = tpu.memref_squeeze %dma_wait3A_283 : memref<1x8x8x128xf32, #tpu.memory_space<vmem>> -> memref<8x8x128xf32, #tpu.memory_space<vmem>>
    %dma_wait3A_285 = arith.constant 0 : i32
    %dma_wait3A_286 = arith.constant 0 : i32
    %dma_wait3A_287 = arith.constant 0 : i32
    %dma_wait3A_288 = tpu.memref_slice %arg4[%dma_wait3A_279, %dma_wait3A_285, %add3A, %dma_wait3A_286, %dma_wait3A_287] : memref<200x8x32x8x128xf32, #tpu.memory_space<hbm>> -> memref<1x8x1x8x128xf32, #tpu.memory_space<hbm>>
    %dma_wait3A_289 = tpu.memref_squeeze %dma_wait3A_288 : memref<1x8x1x8x128xf32, #tpu.memory_space<hbm>> -> memref<8x8x128xf32, #tpu.memory_space<hbm>>
    %dma_wait3A_290 = arith.constant 0 : i32
    %dma_wait3A_291 = arith.constant 0 : i32
    %dma_wait3A_292 = arith.constant 0 : i32
    %dma_wait3A_293 = tpu.memref_slice %arg4[%dma_wait3A_279, %dma_wait3A_290, %add3A, %dma_wait3A_291, %dma_wait3A_292] : memref<200x8x32x8x128xf32, #tpu.memory_space<hbm>> -> memref<1x8x1x8x128xf32, #tpu.memory_space<hbm>>
    %dma_wait3A_294 = tpu.memref_squeeze %dma_wait3A_293 : memref<1x8x1x8x128xf32, #tpu.memory_space<hbm>> -> memref<8x8x128xf32, #tpu.memory_space<hbm>>
    %dma_wait3A_295 = arith.constant 0 : i32
    %dma_wait3A_296 = arith.constant 0 : i32
    %dma_wait3A_297 = arith.constant 0 : i32
    %dma_wait3A_298 = tpu.memref_slice %arg7[%dma_wait3A, %dma_wait3A_295, %dma_wait3A_296, %dma_wait3A_297] : memref<2x8x8x129xf32, #tpu.memory_space<vmem>> -> memref<1x8x8x128xf32, #tpu.memory_space<vmem>>
    %dma_wait3A_299 = tpu.memref_squeeze %dma_wait3A_298 : memref<1x8x8x128xf32, #tpu.memory_space<vmem>> -> memref<8x8x128xf32, #tpu.memory_space<vmem>>
    tpu.wait_dma2 semaphore(%arg9 : memref<!tpu.dma_semaphore, #tpu.memory_space<semaphore_mem>>) src(%dma_wait3A_299 : memref<8x8x128xf32, #tpu.memory_space<vmem>>) dst(%dma_wait3A_294 : memref<8x8x128xf32, #tpu.memory_space<hbm>>)
    %dma_wait3A_300 = arith.constant 0 : i32
    %dma_wait3A_301 = arith.constant 0 : i32
    %dma_wait3A_302 = arith.constant 0 : i32
    %dma_wait3A_303 = arith.constant 0 : i32
    %dma_wait3A_304 = arith.constant 0 : i32
    %dma_wait3A_305 = tpu.memref_slice %arg7[%dma_wait3A_300, %dma_wait3A_302, %dma_wait3A_303, %dma_wait3A_304] : memref<2x8x8x129xf32, #tpu.memory_space<vmem>> -> memref<1x8x8x128xf32, #tpu.memory_space<vmem>>
    %dma_wait3A_306 = tpu.memref_squeeze %dma_wait3A_305 : memref<1x8x8x128xf32, #tpu.memory_space<vmem>> -> memref<8x8x128xf32, #tpu.memory_space<vmem>>
    %dma_wait3A_307 = arith.constant 0 : i32
    %dma_wait3A_308 = arith.constant 0 : i32
    %dma_wait3A_309 = arith.constant 0 : i32
    %dma_wait3A_310 = tpu.memref_slice %arg4[%dma_wait3A_301, %dma_wait3A_307, %add3A, %dma_wait3A_308, %dma_wait3A_309] : memref<200x8x32x8x128xf32, #tpu.memory_space<hbm>> -> memref<1x8x1x8x128xf32, #tpu.memory_space<hbm>>
    %dma_wait3A_311 = tpu.memref_squeeze %dma_wait3A_310 : memref<1x8x1x8x128xf32, #tpu.memory_space<hbm>> -> memref<8x8x128xf32, #tpu.memory_space<hbm>>
    %dma_wait3A_312 = arith.constant 0 : i32
    %dma_wait3A_313 = arith.constant 0 : i32
    %dma_wait3A_314 = arith.constant 0 : i32
    %dma_wait3A_315 = tpu.memref_slice %arg4[%dma_wait3A_301, %dma_wait3A_312, %add3A, %dma_wait3A_313, %dma_wait3A_314] : memref<200x8x32x8x128xf32, #tpu.memory_space<hbm>> -> memref<1x8x1x8x128xf32, #tpu.memory_space<hbm>>
    %dma_wait3A_316 = tpu.memref_squeeze %dma_wait3A_315 : memref<1x8x1x8x128xf32, #tpu.memory_space<hbm>> -> memref<8x8x128xf32, #tpu.memory_space<hbm>>
    %dma_wait3A_317 = arith.constant 0 : i32
    %dma_wait3A_318 = arith.constant 0 : i32
    %dma_wait3A_319 = arith.constant 0 : i32
    %dma_wait3A_320 = tpu.memref_slice %arg7[%dma_wait3A_300, %dma_wait3A_317, %dma_wait3A_318, %dma_wait3A_319] : memref<2x8x8x129xf32, #tpu.memory_space<vmem>> -> memref<1x8x8x128xf32, #tpu.memory_space<vmem>>
    %dma_wait3A_321 = tpu.memref_squeeze %dma_wait3A_320 : memref<1x8x8x128xf32, #tpu.memory_space<vmem>> -> memref<8x8x128xf32, #tpu.memory_space<vmem>>
    tpu.wait_dma2 semaphore(%arg9 : memref<!tpu.dma_semaphore, #tpu.memory_space<semaphore_mem>>) src(%dma_wait3A_321 : memref<8x8x128xf32, #tpu.memory_space<vmem>>) dst(%dma_wait3A_316 : memref<8x8x128xf32, #tpu.memory_space<hbm>>)
    return
  }
}

</mosaic_0001>

<sc_bundles>
// kernel: kernel.4.cloned.1.call-start
scs
__scs_entry_jumppad:
0x0: {  	(pc) =	sbr.rel $0x88, $3  }
0x1: {  	(tag) =	ssettag $0x0;
	lr =	simm.s32 $0x1  }
0x2: {  	[smem:$0x3F9F] =	sst lr;
	_ =	strace $0xD0000000  }
0x3: {  	_ = 	snop  }
0x4: {  	_ = 	snop  }
0x5: {  	_ = 	snop  }
0x6: {  	_ = 	snop  }
0x7: {  	_ = 	snop  }
__scs_overlays_trampoline_lowered:
0x8: {  	[smem:$0x3FAE] =	sst s0  }
0x9: {  	[smem:$0x3FAF] =	sst s1  }
0xa: {  	[smem:$0x3FB0] =	sst s2  }
0xb: {  	[smem:$0x3FB1] =	sst s3  }
0xc: {  	[smem:$0x3FB2] =	sst s4  }
0xd: {  	[smem:$0x3FB3] =	sst s5  }
0xe: {  	[smem:$0x3FB4] =	sst s6  }
0xf: {  	[smem:$0x3FB5] =	sst s7  }
0x10: {  	[smem:$0x3FB6] =	sst s8  }
0x11: {  	[smem:$0x3FB7] =	sst s9;
	s0 =	simm.s32 @!p0 $0x0  }
0x12: {  	s1 =	sld [smem:$0x3F9D];
	s0 =	simm.s32 @p0 $0x1  }
0x13: {  	[smem:$0x3FB8] =	sst s0;
	s0 =	simm.s32 @!p1 $0x0  }
0x14: {  	s2 =	sld [smem:$0x3F9C];
	s0 =	simm.s32 @p1 $0x1  }
0x15: {  	[smem:$0x3FB9] =	sst s0;
	s0 =	simm.s32 @!p2 $0x0  }
0x16: {  	s3 =	sld [smem:$0x3FDB];
	s0 =	simm.s32 @p2 $0x1  }
0x17: {  	s4 =	simm.s32 $0x1BF5;
	[smem:$0x3FBB] =	sst s0  }
0x18: {  	s0 =	sld [smem:$0x3F9E];
	_ =	swait.ge [sflag:s4], $0x0  }
0x19: {  	s7 =	sld [smem:$0x3F9F]  }
0x1a: {  	s8 =	sadd.s32 $0xFFFFE003, lr  }
0x1b: {  	s9 =	sadd.s32 $0xFFFFFEF7, lr;
	s5 =	simm.s32 $0xFFFFFFFF;
	p2 =	slt.u32 s8, $0xFFFFF086  }
0x1c: {  	p1 =	slt.u32 s9, $0xF7A;
	s5 =	simm.s32 @!p2 $0x0  }
0x1d: {  	s5 =	simm.s32 @p1 $0x1;
	p0 =	seq.s32 s7, s2  }
0x1e: {  	s7 =	smul.u32 @!p0 $0xF7A, s2;
	p2 =	seq.s32 @!p0 s5, $0x0  }
0x1f: {  	s9 =	smul.u32 $0xF7A, s1;
	s8 =	simm.s32 @!p0 $0x1BF5;
	p2 =	por !p2, p0  }
0x20: {  	[sflag:s8] =	ssyncset.s32 @!p0 $0xFFFFF086;
	s6 =	sadd.s32 @!p0 s3, s7;
	s7 =	simm.s32 @!p0 $0x108  }
0x21: {  	s3 =	sadd.s32 s3, s9;
	s6 =	sadd.s32 @!p0 $0x88, s6;
	s7 =	simm.s32 @p2 $0x1082  }
0x22: {  	[simem:s7], [sflag:s8] =	dma.local @!p0 [hbm:s6], $0xF7A  }
0x23: {  	s9 =	sor.u32 $0xD0000000, s2;
	s6 =	simm.s32 $0x108;
	_ =	swait.ge @!p0 [sflag:s8], $0x0  }
0x24: {  	s3 =	sadd.s32 $0x88, s3;
	s6 =	simm.s32 @!p1 $0x1082;
	[sflag:s4] =	ssyncset.s32 $0xFFFFF086  }
0x25: {  	[simem:s6], [sflag:s4] =	dma.local [hbm:s3], $0xF7A  }
0x26: {  	[smem:$0x3F9F] =	sst s1;
	(tag) =	ssettag s2;
	_ =	strace s9  }
0x27: {  	s1 =	sld [smem:$0x3FAF]  }
0x28: {  	s2 =	sld [smem:$0x3FB0]  }
0x29: {  	s4 =	sld [smem:$0x3FB2]  }
0x2a: {  	p0 =	seq.s32 s5, $0x0;
	s5 =	sld [smem:$0x3FB3]  }
0x2b: {  	s6 =	sld [smem:$0x3FB4]  }
0x2c: {  	s7 =	sld [smem:$0x3FB5]  }
0x2d: {  	s3 =	simm.s32 $0x108;
	s8 =	sld [smem:$0x3FB6]  }
0x2e: {  	s3 =	simm.s32 @!p0 $0x1082;
	s9 =	sld [smem:$0x3FB7]  }
0x2f: {  	lr =	sadd.s32 s0, s3;
	s0 =	sld [smem:$0x3FAE]  }
0x30: {  	s3 =	sld [smem:$0x3FB1]  }
0x31: {  	[smem:$0x3FBA] =	sst s10  }
0x32: {  	s10 =	sld [smem:$0x3FB8];
	_ =	sdelay $0x3  }
0x33: {  	p0 =	seq.s32 s10, $0x1;
	s10 =	sld [smem:$0x3FBA];
	_ =	sdelay $0x3  }
0x34: {  	[smem:$0x3FBA] =	sst s10  }
0x35: {  	s10 =	sld [smem:$0x3FB9];
	_ =	sdelay $0x3  }
0x36: {  	p1 =	seq.s32 s10, $0x1;
	s10 =	sld [smem:$0x3FBA];
	_ =	sdelay $0x3  }
0x37: {  	[smem:$0x3FBA] =	sst s10  }
0x38: {  	s10 =	sld [smem:$0x3FBB]  }
0x39: {  	_ = 	snop;
	(pc) =	sbr.ind lr, $3  }
0x3a: {  	_ = 	snop  }
0x3b: {  	_ = 	snop  }
0x3c: {  	p2 =	seq.s32 s10, $0x1;
	s10 =	sld [smem:$0x3FBA]  }
0x3d: {  	_ =	shalt  }
0x3e: {  	_ =	shalt  }
0x3f: {  	_ =	shalt  }
0x40: {  	_ =	shalt  }
0x41: {  	_ =	shalt  }
0x42: {  	_ =	shalt  }
0x43: {  	_ =	shalt  }
0x44: {  	_ =	shalt  }
0x45: {  	_ =	shalt  }
0x46: {  	_ =	shalt  }
0x47: {  	_ =	shalt  }
0x48: {  	_ =	shalt  }
0x49: {  	_ =	shalt  }
0x4a: {  	_ =	shalt  }
0x4b: {  	_ =	shalt  }
0x4c: {  	_ =	shalt  }
0x4d: {  	_ =	shalt  }
0x4e: {  	_ =	shalt  }
0x4f: {  	_ =	shalt  }
0x50: {  	_ =	shalt  }
0x51: {  	_ =	shalt  }
0x52: {  	_ =	shalt  }
0x53: {  	_ =	shalt  }
0x54: {  	_ =	shalt  }
0x55: {  	_ =	shalt  }
0x56: {  	_ =	shalt  }
0x57: {  	_ =	shalt  }
0x58: {  	_ =	shalt  }
0x59: {  	_ =	shalt  }
0x5a: {  	_ =	shalt  }
0x5b: {  	_ =	shalt  }
0x5c: {  	_ =	shalt  }
0x5d: {  	_ =	shalt  }
0x5e: {  	_ =	shalt  }
0x5f: {  	_ =	shalt  }
0x60: {  	_ =	shalt  }
0x61: {  	_ =	shalt  }
0x62: {  	_ =	shalt  }
0x63: {  	_ =	shalt  }
0x64: {  	_ =	shalt  }
0x65: {  	_ =	shalt  }
0x66: {  	_ =	shalt  }
0x67: {  	_ =	shalt  }
0x68: {  	_ =	shalt  }
0x69: {  	_ =	shalt  }
0x6a: {  	_ =	shalt  }
0x6b: {  	_ =	shalt  }
0x6c: {  	_ =	shalt  }
0x6d: {  	_ =	shalt  }
0x6e: {  	_ =	shalt  }
0x6f: {  	_ =	shalt  }
0x70: {  	_ =	shalt  }
0x71: {  	_ =	shalt  }
0x72: {  	_ =	shalt  }
0x73: {  	_ =	shalt  }
0x74: {  	_ =	shalt  }
0x75: {  	_ =	shalt  }
0x76: {  	_ =	shalt  }
0x77: {  	_ =	shalt  }
0x78: {  	_ =	shalt  }
0x79: {  	_ =	shalt  }
0x7a: {  	_ =	shalt  }
0x7b: {  	_ =	shalt  }
0x7c: {  	_ =	shalt  }
0x7d: {  	_ =	shalt  }
0x7e: {  	_ =	shalt  }
0x7f: {  	_ =	shalt  }
0x80: {  	_ =	shalt  }
0x81: {  	_ =	shalt  }
0x82: {  	_ =	shalt  }
0x83: {  	_ =	shalt  }
0x84: {  	_ =	shalt  }
0x85: {  	_ =	shalt  }
0x86: {  	_ =	shalt  }
0x87: {  	_ =	shalt  }
.Lfunc_end0:
.L_simem_size_0:
called_computation_lowered:
.L_overlay_start_0:
0x88: {  	s2 =	sld [smem:$0x3FD9]  }
0x89: {  	s3 =	sld [smem:$0x3FFE];
	_ =	sdelay $0x1  }
0x8a: {  	s1 =	srdreg.scid  }
0x8b: {  	s0 =	sand.u32 $0x1, s1  }
0x8c: {  	s17 =	sshll.u32 s0, $0xA;
	s2 =	sadd.s32 s3, s2  }
0x8d: {  	s2 =	sadd.s32 s2, s17  }
0x8e: {  	[smem:$0x3FC6] =	sst s2  }
0x8f: {  	_ = 	snop  }
0x90: {  	s2 =	sld [smem:$0x3FC8]  }
0x91: {  	s18 =	sld [smem:$0x3FD0];
	(tm) =	ssettm $0x1  }
0x92: {  	s4 =	sld [smem:$0x3FFB];
	_ =	sdelay $0x3  }
0x93: {  	_ =	strace s4  }
0x94: {  	s4 =	sld [smem:$0x3FFC];
	_ =	sdelay $0x3  }
0x95: {  	_ =	strace s4  }
0x96: {  	s4 =	sld [smem:$0x3FFD];
	_ =	sdelay $0x3  }
0x97: {  	_ =	strace s4  }
0x98: {  	_ =	strace $0x8FFFFFFF  }
0x99: {  	s19 =	sld [smem:$0x3FDB];
	_ =	sdelay $0x1  }
0x9a: {  	s5 =	simm.s32 $_scs_section_size  }
0x9b: {  	s6 =	simm.s32 $_size__tile_overlayer_lowered;
	s7 =	simm.s32 $_tile_overlayer_lowered  }
0x9c: {  	s22 =	simm.s32 $0x1BFF;
	s21 =	sshll.u32 s7, $0x1;
	s4 =	sadd.s32 s5, s19  }
0x9d: {  	s8 =	simm.s32 $0x0;
	s20 =	sshll.u32 s6, $0x1;
	s6 =	sadd.s32 s21, s4  }
0x9e: {  	[timem:s8], [sflag:s22] =	dma.local [hbm:s6], s20  }
0x9f: {  	_ =	swait.ge [sflag:s22], s20  }
0xa0: {  	s5 =	ssub.s32 $0x0, s20;
	[sflag:s22] =	ssyncset.done $0x0  }
0xa1: {  	[sflag:s22] =	ssyncadd.s32 s5;
	_ =	sdelay $0x1  }
0xa2: {  	s23 =	simm.s32 $0x1B8B  }
0xa3: {  	_ =	swait.ge [sflag:s23], $0x1  }
0xa4: {  	[sflag:s23] =	ssyncset.done $0x0  }
0xa5: {  	s25 =	simm.s32 $0x1B8E;
	s24 =	sld [smem:$0x3FFE];
	[sflag:s23] =	ssyncadd.s32 $0xFFFFFFFF  }
0xa6: {  	s26 =	simm.s32 $execute0_lowered;
	[smem:$0x3FD2] =	sst s25  }
0xa7: {  	s6 =	sshll.u32 s26, $0x1;
	_ =	strace $0x80000046;
	[dreg:$0x1] =	wrdreg $0xFFFFFFFF  }
0xa8: {  	s28 =	simm.s32 $_size_execute0_lowered;
	s4 =	sadd.s32 s4, s6;
	[dreg:$0x0] =	wrdreg $0x0  }
0xa9: {  	s6 =	sshll.u32 s28, $0x1;
	[dreg:$0x2] =	wrdreg s4  }
0xaa: {  	[dreg:$0x3] =	wrdreg s6  }
0xab: {  	[dreg:$0x4] =	wrdreg $0xC0  }
0xac: {  	_ =	task [dreg:s8], $0x5FFFF  }
0xad: {  	[dreg:$0x1] =	wrdreg $0xFFFFFFFF  }
0xae: {  	[dreg:$0x0] =	wrdreg $0x60  }
0xaf: {  	[dreg:$0x2] =	wrdreg s2  }
0xb0: {  	[dreg:$0x3] =	wrdreg s18  }
0xb1: {  	[dreg:$0x4] =	wrdreg s24  }
0xb2: {  	[dreg:$0x5] =	wrdreg $0x9  }
0xb3: {  	_ =	task.clear_ibuf [dreg:s8], $0x6FFFF;
	_ =	strace $0x90000046  }
0xb4: {  	s29 =	simm.s32 $0x9;
	_ =	strace $0x80000048  }
0xb5: {  	_ =	swait.ge [sflag:s29], $0x1  }
0xb6: {  	[sflag:s29] =	ssyncadd.s32 $0xFFFFFFFF  }
0xb7: {  	_ =	strace $0x90000048  }
0xb8: {  	_ =	sfence  }
0xb9: {  	s30 =	sld [smem:$0x0];
	_ =	sdelay $0x2  }
0xba: {  	s31 =	sshll.u32 s1, $0xD;
	s1 =	sshrl.u32 s1, $0x2  }
0xbb: {  	s3 =	sand.u32 $0x4000, s31;
	s1 =	sadd.s32 s1, s30  }
0xbc: {  	s0 =	sor.u32 s3, s0;
	s1 =	sshll.u32 s1, $0x11  }
0xbd: {  	s0 =	sor.u32 s1, s0  }
0xbe: {  	s0 =	sadd.s32 $0x8F2B, s0  }
0xbf: {  	[sflag:s0] =	ssyncadd.remote.s32 $0x1  }
0xc0: {  	_ =	sfence.sel $0xFFFF  }
0xc1: {  	[dreg:$0x0] =	wrdreg $0xFFFFFFFF;
	(pc) =	sbr.abs _section_cstart, $3  }
0xc2: {  	[dreg:$0x1] =	wrdreg $0xFFFFFFFF  }
0xc3: {  	_ =	task.clear_ibuf [dreg:s8], $0x2FFFF;
	_ =	strace $0x9FFFFFFF  }
0xc4: {  	(tm) =	ssettm $0x7FFFFFFF  }
0xc5: {  	_ =	shalt  }
tec
execute0_lowered:
.L_overlay_start_1:
0x0: {  	(tag) =	ssettag $0x1  }
0x1: {  	s1 =	rddreg [dreg:$0x0]  }
0x2: {  	s2 =	rddreg [dreg:$0x1]  }
0x3: {  	s8 =	rddreg [dreg:$0x2]  }
0x4: {  	s0 =	rddreg [dreg:$0x3]  }
0x5: {  	s4 =	simm.s32 $0x0;
	s5 =	srdreg.scid;
	s3 =	stileid.u32  }
0x6: {  	s11 =	simm.s32 $0x7A1400;
	s12 =	simm.s32 $0x1;
	s13 =	simm.s32 $0x2  }
0x7: {  	s15 =	simm.s32 $0x0;
	[smem:$0x7FF] =	sst s4;
	s5 =	sand.u32 $0x1, s5  }
0x8: {  	v0 =	vlaneseq.u32;
	s6 =	sshll.u32 s3, $0x1;
	_ =	strace $0x80000047;
	s7 =	ssub.s32 $0x2, s5  }
0x9: {  	v1 =	vand.u32 $0x1, v0;
	s5 =	sor.u32 s5, s6;
	s6 =	sadd.s32 $0xA00, s8;
	s8 =	sadd.s32 $0x7A1A00, s8  }
0xa: {  	v1 =	vmul.u32 $0x40, v1;
	s9 =	sshrl.u32 s7, $0x1;
	s10 =	sshll.u32 s5, $0x7;
	p0 =	sne.s32 s5, $0x0  }
0xb: {  	s9 =	ssub.s32 s7, s9;
	s7 =	sadd.s32 s1, s10;
	s14 =	sshll.u32 @!p0 s3, $0x6  }
0xc: {  	s10 =	simm.s32 $0x400;
	v2 =	vor.u32 $0x10, v1;
	v3 =	vor.u32 $0x20, v1;
	v4 =	vor.u32 $0x30, v1;
	s9 =	smax.u32 s9, $0x1;
	s14 =	sor.u32 @!p0 $0x1C03, s14  }
.LBB2_1:
0xd: {  	[tilespmem:s4], [sflag:$0x1] =	stream.strided.gather [hbm4b:s7+s10], $0x2000, s11, s10, $0x38;
	[tilespmem:$0x8000] =	vst v63  }
0xe: {  	s17 =	simm.s32 $0x0  }
.LBB2_2:
0xf: {  	s16 =	sadd.s32 $0x1, s17;
	p1 =	seq.s32 s17, $0xF4  }
0x10: {  	_ =	swait.ge [sflag:s12], $0x2000;
	s18 =	sshll.u32 @!p1 s16, $0x5  }
0x11: {  	s19 =	sshll.u32 s17, $0xD;
	[sflag:s12] =	ssyncset.done $0x0;
	s20 =	sor.u32 @!p1 s5, s18  }
0x12: {  	s21 =	simm.s32 @!p1 $0x400;
	s18 =	sand.u32 $0x2000, s19;
	s19 =	smin.u32 @!p1 s20, $0x1E83  }
0x13: {  	s22 =	simm.s32 @!p1 $0x7A1400;
	p2 =	slt.u32 @!p1 s17, $0x2;
	s19 =	sshll.u32 @!p1 s19, $0x7  }
0x14: {  	[sflag:s12] =	ssyncadd.s32 $0xFFFFE000;
	s20 =	ssub.s32 @!p1 $0x2000, s18;
	s19 =	sadd.s32 @!p1 s1, s19  }
0x15: {  	[tilespmem:s20], [sflag:$0x1] =	stream.strided.gather @!p1 [hbm4b:s19+s21], $0x2000, s22, s21, $0x38;
	[tilespmem:$0x8000] =	vst v63  }
0x16: {  	p1 =	por p1, !p2  }
0x17: {  	_ =	swait.ge @p1 [sflag:s13], $0x2000  }
0x18: {  	[sflag:s13] =	ssyncset.done @p1 $0x0  }
0x19: {  	s19 =	sor.u32 $0x4000, s18;
	s20 =	simm.s32 $0x0;
	[sflag:s13] =	ssyncadd.s32 @p1 $0xFFFFE000  }
.LBB2_3:
0x1a: {  	v5 =	vadd.s32 s20, v0  }
0x1b: {  	s21 =	simm.s32 $0x10;
	v7 =	vand.u32 $0xF, v5  }
0x1c: {  	s22 =	simm.s32 $0x0;
	v13 =	vor.u32 s21, v0;
	v6 =	vshll.u32 v7, $0x7  }
0x1d: {  	v21 =	vor.u32 s22, v0;
	v9 =	vor.u32 v6, v13  }
0x1e: {  	v11 =	vor.u32 v6, v21  }
0x1f: {  	s28 =	simm.s32 $0x30;
	v12 =	vshll.u32 v5, $0x7  }
0x20: {  	v25 =	vor.u32 s28, v0;
	v8 =	vor.u32 v1, v7;
	v10 =	vshll.u32 v13, $0x6  }
0x21: {  	v14 =	vshll.u32 v21, $0x6;
	v7 =	vor.u32 v3, v7;
	v15 =	vand.u32 $0x7FFFFF80, v10  }
0x22: {  	s29 =	simm.s32 $0x20;
	v10 =	vor.u32 $0x800, v12;
	v23 =	vand.u32 $0x1B80, v14;
	v16 =	vor.u32 v8, v15;
	v17 =	vld.idx.msk [tilespmem:v9+s18+$0x0], $0xffff  }
0x23: {  	v14 =	vor.u32 s29, v0;
	v18 =	vor.u32 v10, v13;
	v20 =	vor.u32 v8, v23;
	v19 =	vld.idx.msk [tilespmem:v11+s18+$0x0], $0xffff  }
0x24: {  	v27 =	vor.u32 v6, v25;
	v12 =	vor.u32 $0x1800, v12;
	v22 =	vor.u32 v10, v21  }
0x25: {  	v29 =	vor.u32 v7, v15;
	v28 =	vor.u32 v6, v14;
	v39 =	vor.u32 v12, v13  }
0x26: {  	v9 =	vor.u32 v2, v5;
	v11 =	vor.u32 $0x1000, v6;
	v5 =	vor.u32 v4, v5  }
0x27: {  	v24 =	vor.u32 v9, v15;
	v26 =	vor.u32 v11, v13;
	[tilespmem:v16+s19+$0x0] =	vst.idx.msk $0xffff, v17  }
0x28: {  	v13 =	vor.u32 v5, v15;
	v15 =	vshll.u32 v14, $0x6;
	[tilespmem:v20+s19+$0x0] =	vst.idx.msk $0xffff, v19;
	v17 =	vld.idx.msk [tilespmem:v18+s18+$0x0], $0xffff  }
0x29: {  	v15 =	vand.u32 $0x1B80, v15;
	v16 =	vshll.u32 v25, $0x6;
	v20 =	vld.idx.msk [tilespmem:v22+s18+$0x0], $0xffff;
	v22 =	vor.u32 v9, v23  }
0x2a: {  	v32 =	vor.u32 v11, v21;
	v28 =	vld.idx.msk [tilespmem:v28+s18+$0x0], $0xffff;
	v34 =	vor.u32 v8, v15;
	v30 =	vand.u32 $0x7FFFFF80, v16  }
0x2b: {  	v33 =	vor.u32 v10, v25;
	v27 =	vld.idx.msk [tilespmem:v27+s18+$0x0], $0xffff;
	v31 =	vor.u32 v8, v30  }
0x2c: {  	s30 =	simm.s32 $0x50;
	v38 =	vor.u32 v7, v23;
	v42 =	vor.u32 v12, v21;
	v19 =	vor.u32 v11, v25  }
0x2d: {  	s31 =	simm.s32 $0x40;
	v16 =	vor.u32 v12, v25;
	v25 =	vor.u32 v10, v14;
	[tilespmem:v24+s19+$0x0] =	vst.idx.msk $0xffff, v17;
	v24 =	vor.u32 s30, v0  }
0x2e: {  	v36 =	vor.u32 v9, v15;
	[tilespmem:v22+s19+$0x0] =	vst.idx.msk $0xffff, v20;
	v20 =	vor.u32 s31, v0;
	v35 =	vor.u32 v6, v24  }
0x2f: {  	v40 =	vor.u32 v9, v30;
	[tilespmem:v34+s19+$0x0] =	vst.idx.msk $0xffff, v28;
	v37 =	vld.idx.msk [tilespmem:v32+s18+$0x0], $0xffff;
	v63 =	vor.u32 v6, v20  }
0x30: {  	v18 =	vor.u32 v7, v30;
	v34 =	vor.u32 v11, v14;
	v26 =	vld.idx.msk [tilespmem:v26+s18+$0x0], $0xffff;
	[tilespmem:v31+s19+$0x0] =	vst.idx.msk $0xffff, v27  }
0x31: {  	v17 =	vor.u32 v5, v30;
	v22 =	vshll.u32 v24, $0x6;
	v28 =	vor.u32 v11, v24;
	v43 =	vld.idx.msk [tilespmem:v33+s18+$0x0], $0xffff  }
0x32: {  	v30 =	vshll.u32 v20, $0x6;
	v41 =	vand.u32 $0x7FFFFF80, v22;
	v22 =	vor.u32 v10, v24;
	v33 =	vld.idx.msk [tilespmem:v25+s18+$0x0], $0xffff  }
0x33: {  	v32 =	vand.u32 $0x1B80, v30;
	v30 =	vor.u32 v12, v24;
	v21 =	vor.u32 v8, v41;
	v31 =	vld.idx.msk [tilespmem:v35+s18+$0x0], $0xffff  }
0x34: {  	v27 =	vor.u32 v9, v41;
	v25 =	vor.u32 v7, v41;
	v35 =	vld.idx.msk [tilespmem:v63+s18+$0x0], $0xffff;
	[tilespmem:v38+s19+$0x0] =	vst.idx.msk $0xffff, v37  }
0x35: {  	[tilespmem:v29+s19+$0x0] =	vst.idx.msk $0xffff, v26;
	v37 =	vor.u32 v8, v32;
	v26 =	vor.u32 v5, v41;
	v24 =	vld.idx.msk [tilespmem:v42+s18+$0x0], $0xffff  }
0x36: {  	s21 =	simm.s32 $0x4;
	s22 =	simm.s32 $0x70;
	v38 =	vor.u32 v10, v20;
	v29 =	vor.u32 v5, v23;
	[tilespmem:v40+s19+$0x0] =	vst.idx.msk $0xffff, v43;
	v23 =	vld.idx.msk [tilespmem:v39+s18+$0x0], $0xffff  }
.LBB2_4:
0x37: {  	v39 =	vor.u32 s22, v0;
	v40 =	vld.idx.msk [tilespmem:v19+s18+$0x0], $0xffff;
	v41 =	vmovc v27;
	v19 =	vmov v28;
	v42 =	vmov v25  }
0x38: {  	s23 =	sadd.s32 $0xFFFFFFF0, s22;
	s21 =	sadd.s32 $0x2, s21;
	[tilespmem:v36+s19+$0x0] =	vst.idx.msk $0xffff, v33;
	v43 =	vmovc v15;
	v15 =	vmovc v32;
	v44 =	vmov v16;
	v16 =	vmov v30;
	v45 =	vmov v13  }
0x39: {  	v13 =	vmovc v17;
	v17 =	vmovc v26;
	v30 =	vor.u32 s23, v0;
	v32 =	vor.u32 v6, v39;
	v25 =	vshll.u32 v39, $0x6;
	p1 =	slt.u32 s21, $0x6;
	v46 =	vld.idx.msk [tilespmem:v34+s18+$0x0], $0xffff  }
0x3a: {  	v48 =	vor.u32 v7, v43;
	v26 =	vor.u32 v6, v30;
	v47 =	vand.u32 $0x7FFFFF80, v25;
	[tilespmem:v21+s19+$0x0] =	vst.idx.msk $0xffff, v31  }
0x3b: {  	v50 =	vor.u32 v12, v14;
	v21 =	vor.u32 v8, v47;
	[tilespmem:v37+s19+$0x0] =	vst.idx.msk $0xffff, v35;
	v49 =	vld.idx.msk [tilespmem:v22+s18+$0x0], $0xffff  }
0x3c: {  	v22 =	vor.u32 v10, v39;
	v27 =	vor.u32 v9, v47;
	v33 =	vld.idx.msk [tilespmem:v38+s18+$0x0], $0xffff;
	[tilespmem:v29+s19+$0x0] =	vst.idx.msk $0xffff, v24  }
.Ltmp0:
0x3d: {  	v14 =	vmovc v20;
	v28 =	vor.u32 v11, v39;
	v36 =	vor.u32 v9, v15;
	v25 =	vor.u32 v7, v47;
	(pc) =	sbr.rel @p1 .LBB2_4-.Ltmp0, $4  }
0x3e: {  	v34 =	vor.u32 v11, v14;
	v20 =	vmov v30;
	v24 =	vshll.u32 v30, $0x6;
	v31 =	vld.idx.msk [tilespmem:v32+s18+$0x0], $0xffff;
	[tilespmem:v18+s19+$0x0] =	vst.idx.msk $0xffff, v40  }
0x3f: {  	v30 =	vor.u32 v12, v39;
	v32 =	vand.u32 $0x1B80, v24;
	v18 =	vmov v42;
	v35 =	vld.idx.msk [tilespmem:v26+s18+$0x0], $0xffff;
	[tilespmem:v48+s19+$0x0] =	vst.idx.msk $0xffff, v46  }
0x40: {  	v37 =	vor.u32 v8, v32;
	v26 =	vor.u32 v5, v47;
	v24 =	vld.idx.msk [tilespmem:v50+s18+$0x0], $0xffff;
	[tilespmem:v45+s19+$0x0] =	vst.idx.msk $0xffff, v23  }
0x41: {  	s22 =	sadd.s32 $0x20, s22;
	v38 =	vor.u32 v10, v20;
	v29 =	vor.u32 v5, v43;
	[tilespmem:v41+s19+$0x0] =	vst.idx.msk $0xffff, v49;
	v23 =	vld.idx.msk [tilespmem:v44+s18+$0x0], $0xffff  }
0x42: {  	_ =	sdelay $0x3  }
0x43: {  	[tilespmem:v21+s19+$0x0] =	vst.idx.msk $0xffff, v31  }
0x44: {  	[tilespmem:v37+s19+$0x0] =	vst.idx.msk $0xffff, v35;
	v56 =	vld.idx.msk [tilespmem:v22+s18+$0x0], $0xffff  }
0x45: {  	v8 =	vor.u32 v9, v32;
	v6 =	vld.idx.msk [tilespmem:v38+s18+$0x0], $0xffff  }
0x46: {  	v10 =	vor.u32 v11, v20;
	_ =	sdelay $0x1  }
0x47: {  	[tilespmem:v36+s19+$0x0] =	vst.idx.msk $0xffff, v33;
	v19 =	vld.idx.msk [tilespmem:v19+s18+$0x0], $0xffff  }
0x48: {  	v58 =	vor.u32 v7, v15;
	v57 =	vld.idx.msk [tilespmem:v34+s18+$0x0], $0xffff;
	[tilespmem:v27+s19+$0x0] =	vst.idx.msk $0xffff, v56  }
0x49: {  	v14 =	vor.u32 v12, v14;
	[tilespmem:v8+s19+$0x0] =	vst.idx.msk $0xffff, v6;
	v59 =	vld.idx.msk [tilespmem:v28+s18+$0x0], $0xffff  }
0x4a: {  	v7 =	vor.u32 v7, v32;
	v6 =	vld.idx.msk [tilespmem:v10+s18+$0x0], $0xffff  }
0x4b: {  	v60 =	vor.u32 v12, v20  }
0x4c: {  	[tilespmem:v18+s19+$0x0] =	vst.idx.msk $0xffff, v19  }
0x4d: {  	[tilespmem:v58+s19+$0x0] =	vst.idx.msk $0xffff, v57;
	v63 =	vld.idx.msk [tilespmem:v16+s18+$0x0], $0xffff  }
0x4e: {  	v62 =	vor.u32 v5, v15;
	v61 =	vld.idx.msk [tilespmem:v14+s18+$0x0], $0xffff;
	[tilespmem:v25+s19+$0x0] =	vst.idx.msk $0xffff, v59  }
0x4f: {  	s20 =	sadd.s32 $0x1, s20;
	[tilespmem:v7+s19+$0x0] =	vst.idx.msk $0xffff, v6;
	v7 =	vld.idx.msk [tilespmem:v30+s18+$0x0], $0xffff  }
0x50: {  	v5 =	vor.u32 v5, v32;
	p1 =	sne.s32 s20, $0x10;
	[tilespmem:v29+s19+$0x0] =	vst.idx.msk $0xffff, v24;
	v6 =	vld.idx.msk [tilespmem:v60+s18+$0x0], $0xffff  }
.Ltmp1:
0x51: {  	[tilespmem:v13+s19+$0x0] =	vst.idx.msk $0xffff, v23;
	(pc) =	sbr.rel @p1 .LBB2_3-.Ltmp1, $4  }
0x52: {  	[tilespmem:v17+s19+$0x0] =	vst.idx.msk $0xffff, v63  }
0x53: {  	[tilespmem:v62+s19+$0x0] =	vst.idx.msk $0xffff, v61  }
0x54: {  	[tilespmem:v26+s19+$0x0] =	vst.idx.msk $0xffff, v7  }
0x55: {  	[tilespmem:v5+s19+$0x0] =	vst.idx.msk $0xffff, v6  }
0x56: {  	s17 =	sshll.u32 s17, $0x5  }
0x57: {  	p1 =	sne.s32 s16, $0xF5;
	s17 =	sor.u32 s5, s17  }
.Ltmp2:
0x58: {  	s17 =	smin.u32 s17, $0x1E83;
	(pc) =	sbr.rel @p1 .LBB2_2-.Ltmp2, $4  }
0x59: {  	s17 =	sshll.u32 s17, $0xA  }
0x5a: {  	s17 =	sadd.s32 s6, s17  }
0x5b: {  	[hbm4b:s17+s4] =	stream.linear.scatter [tilespmem:s19], [sflag:$0x2], $0x2000, $0x38;
	[tilespmem:$0x8000] =	vst v63  }
0x5c: {  	s17 =	smov.u32 s16  }
0x5d: {  	_ =	swait.ge [sflag:s13], $0x2000  }
0x5e: {  	[sflag:s13] =	ssyncset.done $0x0  }
0x5f: {  	[sflag:s13] =	ssyncadd.s32 $0xFFFFE000  }
0x60: {  	s15 =	sadd.s32 $0x1, s15;
	_ =	swait.ge [sflag:s13], $0x2000  }
0x61: {  	p1 =	sne.s32 s15, s9;
	[sflag:s13] =	ssyncset.done $0x0  }
.Ltmp3:
0x62: {  	s16 =	simm.s32 @!p0 $0x3;
	[sflag:s13] =	ssyncadd.s32 $0xFFFFE000;
	(pc) =	sbr.rel @p1 .LBB2_1-.Ltmp3, $4  }
0x63: {  	[hbm:s8], [sflag:s14] =	dma.local @!p0 [hbm:s2], $0x200  }
0x64: {  	_ =	swait.ge @!p0 [sflag:s16], $0x200  }
0x65: {  	[sflag:s16] =	ssyncset.done @!p0 $0x0  }
0x66: {  	[sflag:s16] =	ssyncadd.s32 @!p0 $0xFFFFFE00  }
0x67: {  	_ =	sfence.sel $0x180000  }
0x68: {  	[bflag:$0x0] =	sbarrier.arrive $0xFFFF  }
0x69: {  	p0 =	sne.s32 s3, $0x0;
	_ =	strace $0x90000047  }
0x6a: {  	s0 =	sadd.s32 @!p0 $0x100000, s0;
	[bflag:$0x2] =	sbarrier.arrive $0xFFFF  }
0x6b: {  	[sflag:s0] =	ssyncadd.tile.s32 @!p0 $0x1;
	_ =	shalt  }
.Lfunc_end2:
_tile_overlayer_lowered:
.L_overlay_start_2:
0x6c: {  	(tag) =	ssettag $0x2  }
0x6d: {  	s0 =	rddreg [dreg:$0x0];
	s2 =	stileid.u32  }
0x6e: {  	s1 =	rddreg [dreg:$0x1];
	p0 =	sne.s32 s2, $0x0  }
0x6f: {  	s3 =	rddreg [dreg:$0x2];
	[bflag:$0x3] =	sbarrier.arrive $0xFFFF;
	s2 =	simm.s32 @!p0 $0x1C03  }
0x70: {  	[timem:s3], [sflag:s2] =	dma.local @!p0 [hbm:s0], s1  }
0x71: {  	s0 =	simm.s32 @!p0 $0x3  }
0x72: {  	_ =	swait.ge @!p0 [sflag:s0], s1  }
0x73: {  	s1 =	ssub.s32 @!p0 $0x0, s1;
	[sflag:s0] =	ssyncset.done @!p0 $0x0  }
0x74: {  	[sflag:s0] =	ssyncadd.s32 @!p0 s1  }
0x75: {  	[bflag:$0x3] =	sbarrier.arrive $0xFFFF  }
0x76: {  	_ =	shalt  }

// kernel: kernel.7.cloned.1.call-start
scs
__scs_entry_jumppad:
0x0: {  	(pc) =	sbr.rel $0x88, $3  }
0x1: {  	(tag) =	ssettag $0x0;
	lr =	simm.s32 $0x1  }
0x2: {  	[smem:$0x3F9F] =	sst lr;
	_ =	strace $0xD0000000  }
0x3: {  	_ = 	snop  }
0x4: {  	_ = 	snop  }
0x5: {  	_ = 	snop  }
0x6: {  	_ = 	snop  }
0x7: {  	_ = 	snop  }
__scs_overlays_trampoline_lowered:
0x8: {  	[smem:$0x3FAE] =	sst s0  }
0x9: {  	[smem:$0x3FAF] =	sst s1  }
0xa: {  	[smem:$0x3FB0] =	sst s2  }
0xb: {  	[smem:$0x3FB1] =	sst s3  }
0xc: {  	[smem:$0x3FB2] =	sst s4  }
0xd: {  	[smem:$0x3FB3] =	sst s5  }
0xe: {  	[smem:$0x3FB4] =	sst s6  }
0xf: {  	[smem:$0x3FB5] =	sst s7  }
0x10: {  	[smem:$0x3FB6] =	sst s8  }
0x11: {  	[smem:$0x3FB7] =	sst s9;
	s0 =	simm.s32 @!p0 $0x0  }
0x12: {  	s1 =	sld [smem:$0x3F9D];
	s0 =	simm.s32 @p0 $0x1  }
0x13: {  	[smem:$0x3FB8] =	sst s0;
	s0 =	simm.s32 @!p1 $0x0  }
0x14: {  	s2 =	sld [smem:$0x3F9C];
	s0 =	simm.s32 @p1 $0x1  }
0x15: {  	[smem:$0x3FB9] =	sst s0;
	s0 =	simm.s32 @!p2 $0x0  }
0x16: {  	s3 =	sld [smem:$0x3FDB];
	s0 =	simm.s32 @p2 $0x1  }
0x17: {  	s4 =	simm.s32 $0x1BF5;
	[smem:$0x3FBB] =	sst s0  }
0x18: {  	s0 =	sld [smem:$0x3F9E];
	_ =	swait.ge [sflag:s4], $0x0  }
0x19: {  	s7 =	sld [smem:$0x3F9F]  }
0x1a: {  	s8 =	sadd.s32 $0xFFFFE003, lr  }
0x1b: {  	s9 =	sadd.s32 $0xFFFFFEF7, lr;
	s5 =	simm.s32 $0xFFFFFFFF;
	p2 =	slt.u32 s8, $0xFFFFF086  }
0x1c: {  	p1 =	slt.u32 s9, $0xF7A;
	s5 =	simm.s32 @!p2 $0x0  }
0x1d: {  	s5 =	simm.s32 @p1 $0x1;
	p0 =	seq.s32 s7, s2  }
0x1e: {  	s7 =	smul.u32 @!p0 $0xF7A, s2;
	p2 =	seq.s32 @!p0 s5, $0x0  }
0x1f: {  	s9 =	smul.u32 $0xF7A, s1;
	s8 =	simm.s32 @!p0 $0x1BF5;
	p2 =	por !p2, p0  }
0x20: {  	[sflag:s8] =	ssyncset.s32 @!p0 $0xFFFFF086;
	s6 =	sadd.s32 @!p0 s3, s7;
	s7 =	simm.s32 @!p0 $0x108  }
0x21: {  	s3 =	sadd.s32 s3, s9;
	s6 =	sadd.s32 @!p0 $0x88, s6;
	s7 =	simm.s32 @p2 $0x1082  }
0x22: {  	[simem:s7], [sflag:s8] =	dma.local @!p0 [hbm:s6], $0xF7A  }
0x23: {  	s9 =	sor.u32 $0xD0000000, s2;
	s6 =	simm.s32 $0x108;
	_ =	swait.ge @!p0 [sflag:s8], $0x0  }
0x24: {  	s3 =	sadd.s32 $0x88, s3;
	s6 =	simm.s32 @!p1 $0x1082;
	[sflag:s4] =	ssyncset.s32 $0xFFFFF086  }
0x25: {  	[simem:s6], [sflag:s4] =	dma.local [hbm:s3], $0xF7A  }
0x26: {  	[smem:$0x3F9F] =	sst s1;
	(tag) =	ssettag s2;
	_ =	strace s9  }
0x27: {  	s1 =	sld [smem:$0x3FAF]  }
0x28: {  	s2 =	sld [smem:$0x3FB0]  }
0x29: {  	s4 =	sld [smem:$0x3FB2]  }
0x2a: {  	p0 =	seq.s32 s5, $0x0;
	s5 =	sld [smem:$0x3FB3]  }
0x2b: {  	s6 =	sld [smem:$0x3FB4]  }
0x2c: {  	s7 =	sld [smem:$0x3FB5]  }
0x2d: {  	s3 =	simm.s32 $0x108;
	s8 =	sld [smem:$0x3FB6]  }
0x2e: {  	s3 =	simm.s32 @!p0 $0x1082;
	s9 =	sld [smem:$0x3FB7]  }
0x2f: {  	lr =	sadd.s32 s0, s3;
	s0 =	sld [smem:$0x3FAE]  }
0x30: {  	s3 =	sld [smem:$0x3FB1]  }
0x31: {  	[smem:$0x3FBA] =	sst s10  }
0x32: {  	s10 =	sld [smem:$0x3FB8];
	_ =	sdelay $0x3  }
0x33: {  	p0 =	seq.s32 s10, $0x1;
	s10 =	sld [smem:$0x3FBA];
	_ =	sdelay $0x3  }
0x34: {  	[smem:$0x3FBA] =	sst s10  }
0x35: {  	s10 =	sld [smem:$0x3FB9];
	_ =	sdelay $0x3  }
0x36: {  	p1 =	seq.s32 s10, $0x1;
	s10 =	sld [smem:$0x3FBA];
	_ =	sdelay $0x3  }
0x37: {  	[smem:$0x3FBA] =	sst s10  }
0x38: {  	s10 =	sld [smem:$0x3FBB]  }
0x39: {  	_ = 	snop;
	(pc) =	sbr.ind lr, $3  }
0x3a: {  	_ = 	snop  }
0x3b: {  	_ = 	snop  }
0x3c: {  	p2 =	seq.s32 s10, $0x1;
	s10 =	sld [smem:$0x3FBA]  }
0x3d: {  	_ =	shalt  }
0x3e: {  	_ =	shalt  }
0x3f: {  	_ =	shalt  }
0x40: {  	_ =	shalt  }
0x41: {  	_ =	shalt  }
0x42: {  	_ =	shalt  }
0x43: {  	_ =	shalt  }
0x44: {  	_ =	shalt  }
0x45: {  	_ =	shalt  }
0x46: {  	_ =	shalt  }
0x47: {  	_ =	shalt  }
0x48: {  	_ =	shalt  }
0x49: {  	_ =	shalt  }
0x4a: {  	_ =	shalt  }
0x4b: {  	_ =	shalt  }
0x4c: {  	_ =	shalt  }
0x4d: {  	_ =	shalt  }
0x4e: {  	_ =	shalt  }
0x4f: {  	_ =	shalt  }
0x50: {  	_ =	shalt  }
0x51: {  	_ =	shalt  }
0x52: {  	_ =	shalt  }
0x53: {  	_ =	shalt  }
0x54: {  	_ =	shalt  }
0x55: {  	_ =	shalt  }
0x56: {  	_ =	shalt  }
0x57: {  	_ =	shalt  }
0x58: {  	_ =	shalt  }
0x59: {  	_ =	shalt  }
0x5a: {  	_ =	shalt  }
0x5b: {  	_ =	shalt  }
0x5c: {  	_ =	shalt  }
0x5d: {  	_ =	shalt  }
0x5e: {  	_ =	shalt  }
0x5f: {  	_ =	shalt  }
0x60: {  	_ =	shalt  }
0x61: {  	_ =	shalt  }
0x62: {  	_ =	shalt  }
0x63: {  	_ =	shalt  }
0x64: {  	_ =	shalt  }
0x65: {  	_ =	shalt  }
0x66: {  	_ =	shalt  }
0x67: {  	_ =	shalt  }
0x68: {  	_ =	shalt  }
0x69: {  	_ =	shalt  }
0x6a: {  	_ =	shalt  }
0x6b: {  	_ =	shalt  }
0x6c: {  	_ =	shalt  }
0x6d: {  	_ =	shalt  }
0x6e: {  	_ =	shalt  }
0x6f: {  	_ =	shalt  }
0x70: {  	_ =	shalt  }
0x71: {  	_ =	shalt  }
0x72: {  	_ =	shalt  }
0x73: {  	_ =	shalt  }
0x74: {  	_ =	shalt  }
0x75: {  	_ =	shalt  }
0x76: {  	_ =	shalt  }
0x77: {  	_ =	shalt  }
0x78: {  	_ =	shalt  }
0x79: {  	_ =	shalt  }
0x7a: {  	_ =	shalt  }
0x7b: {  	_ =	shalt  }
0x7c: {  	_ =	shalt  }
0x7d: {  	_ =	shalt  }
0x7e: {  	_ =	shalt  }
0x7f: {  	_ =	shalt  }
0x80: {  	_ =	shalt  }
0x81: {  	_ =	shalt  }
0x82: {  	_ =	shalt  }
0x83: {  	_ =	shalt  }
0x84: {  	_ =	shalt  }
0x85: {  	_ =	shalt  }
0x86: {  	_ =	shalt  }
0x87: {  	_ =	shalt  }
.Lfunc_end0:
.L_simem_size_0:
called_computation.1_lowered:
.L_overlay_start_0:
0x88: {  	s2 =	sld [smem:$0x3FD9]  }
0x89: {  	s3 =	sld [smem:$0x3FFE];
	_ =	sdelay $0x1  }
0x8a: {  	s1 =	srdreg.scid  }
0x8b: {  	s0 =	sand.u32 $0x1, s1  }
0x8c: {  	s17 =	sshll.u32 s0, $0xA;
	s2 =	sadd.s32 s3, s2  }
0x8d: {  	s2 =	sadd.s32 s2, s17  }
0x8e: {  	[smem:$0x3FC6] =	sst s2  }
0x8f: {  	_ = 	snop  }
0x90: {  	s2 =	sld [smem:$0x3FD0];
	(tm) =	ssettm $0x1  }
0x91: {  	s18 =	sld [smem:$0x3FFB];
	_ =	sdelay $0x3  }
0x92: {  	_ =	strace s18  }
0x93: {  	s3 =	sld [smem:$0x3FFC];
	_ =	sdelay $0x3  }
0x94: {  	_ =	strace s3  }
0x95: {  	s3 =	sld [smem:$0x3FFD];
	_ =	sdelay $0x3  }
0x96: {  	_ =	strace s3  }
0x97: {  	_ =	strace $0x8FFFFFFF  }
0x98: {  	s19 =	sld [smem:$0x3FDB];
	_ =	sdelay $0x1  }
0x99: {  	s4 =	simm.s32 $_scs_section_size  }
0x9a: {  	s5 =	simm.s32 $_size__tile_overlayer_lowered;
	s6 =	simm.s32 $_tile_overlayer_lowered  }
0x9b: {  	s22 =	simm.s32 $0x1BFF;
	s21 =	sshll.u32 s6, $0x1;
	s3 =	sadd.s32 s4, s19  }
0x9c: {  	s7 =	simm.s32 $0x0;
	s20 =	sshll.u32 s5, $0x1;
	s5 =	sadd.s32 s21, s3  }
0x9d: {  	[timem:s7], [sflag:s22] =	dma.local [hbm:s5], s20  }
0x9e: {  	_ =	swait.ge [sflag:s22], s20  }
0x9f: {  	s4 =	ssub.s32 $0x0, s20;
	[sflag:s22] =	ssyncset.done $0x0  }
0xa0: {  	[sflag:s22] =	ssyncadd.s32 s4;
	_ =	sdelay $0x1  }
0xa1: {  	s23 =	simm.s32 $0x1B8B  }
0xa2: {  	_ =	swait.ge [sflag:s23], $0x1  }
0xa3: {  	[sflag:s23] =	ssyncset.done $0x0  }
0xa4: {  	s25 =	simm.s32 $0x1B8E;
	s24 =	sld [smem:$0x3FFE];
	[sflag:s23] =	ssyncadd.s32 $0xFFFFFFFF  }
0xa5: {  	s26 =	simm.s32 $execute0_lowered;
	[smem:$0x3FD2] =	sst s25  }
0xa6: {  	s5 =	sshll.u32 s26, $0x1;
	_ =	strace $0x80000049;
	[dreg:$0x1] =	wrdreg $0xFFFFFFFF  }
0xa7: {  	s28 =	simm.s32 $_size_execute0_lowered;
	s3 =	sadd.s32 s3, s5;
	[dreg:$0x0] =	wrdreg $0x0  }
0xa8: {  	s5 =	sshll.u32 s28, $0x1;
	[dreg:$0x2] =	wrdreg s3  }
0xa9: {  	[dreg:$0x3] =	wrdreg s5  }
0xaa: {  	[dreg:$0x4] =	wrdreg $0xC0  }
0xab: {  	_ =	task [dreg:s7], $0x5FFFF  }
0xac: {  	[dreg:$0x1] =	wrdreg $0xFFFFFFFF  }
0xad: {  	[dreg:$0x0] =	wrdreg $0x60  }
0xae: {  	[dreg:$0x2] =	wrdreg s24  }
0xaf: {  	[dreg:$0x3] =	wrdreg s2  }
0xb0: {  	[dreg:$0x4] =	wrdreg $0x9  }
0xb1: {  	_ =	task.clear_ibuf [dreg:s7], $0x5FFFF;
	_ =	strace $0x90000049  }
0xb2: {  	s29 =	simm.s32 $0x9;
	_ =	strace $0x8000004B  }
0xb3: {  	_ =	swait.ge [sflag:s29], $0x1  }
0xb4: {  	[sflag:s29] =	ssyncadd.s32 $0xFFFFFFFF  }
0xb5: {  	_ =	strace $0x9000004B  }
0xb6: {  	_ =	sfence  }
0xb7: {  	s30 =	sld [smem:$0x0];
	_ =	sdelay $0x2  }
0xb8: {  	s31 =	sshll.u32 s1, $0xD;
	s1 =	sshrl.u32 s1, $0x2  }
0xb9: {  	s3 =	sand.u32 $0x4000, s31;
	s1 =	sadd.s32 s1, s30  }
0xba: {  	s0 =	sor.u32 s3, s0;
	s1 =	sshll.u32 s1, $0x11  }
0xbb: {  	s0 =	sor.u32 s1, s0  }
0xbc: {  	s0 =	sadd.s32 $0x8F2B, s0  }
0xbd: {  	[sflag:s0] =	ssyncadd.remote.s32 $0x1  }
0xbe: {  	_ =	sfence.sel $0xFFFF  }
0xbf: {  	[dreg:$0x0] =	wrdreg $0xFFFFFFFF;
	(pc) =	sbr.abs _section_cstart, $3  }
0xc0: {  	[dreg:$0x1] =	wrdreg $0xFFFFFFFF  }
0xc1: {  	_ =	task.clear_ibuf [dreg:s7], $0x2FFFF;
	_ =	strace $0x9FFFFFFF  }
0xc2: {  	(tm) =	ssettm $0x7FFFFFFF  }
0xc3: {  	_ =	shalt  }
tec
execute0_lowered:
.L_overlay_start_1:
0x0: {  	(tag) =	ssettag $0x1  }
0x1: {  	s0 =	srdreg.scid;
	s2 =	stileid.u32  }
0x2: {  	v0 =	vlaneseq.u32;
	s0 =	sand.u32 $0x1, s0;
	s3 =	sshll.u32 s2, $0x1  }
0x3: {  	s1 =	rddreg [dreg:$0x0];
	v9 =	vmul.u32 $0x88, v0;
	s6 =	sor.u32 s0, s3;
	s3 =	simm.s32 $0x0  }
0x4: {  	[smem:$0x7FF] =	sst s3  }
0x5: {  	s2 =	rddreg [dreg:$0x1];
	v12 =	vadd.s32 $0x1980, v9;
	_ =	strace $0x8000004A;
	[tilespmem:$0x1FEB0] =	vst v9  }
0x6: {  	v13 =	vor.u32 $0x1, v9;
	[tilespmem:$0x1FEC0] =	vst v12  }
0x7: {  	v16 =	vadd.s32 $0x1101, v9;
	[tilespmem:$0x1FED0] =	vst v13  }
0x8: {  	v20 =	vor.u32 $0x2, v9;
	[tilespmem:$0x1FEE0] =	vst v16  }
0x9: {  	v22 =	vadd.s32 $0x1102, v9;
	[tilespmem:$0x1FEF0] =	vst v20  }
0xa: {  	v31 =	vadd.s32 $0x1982, v9;
	[tilespmem:$0x1FF00] =	vst v22  }
0xb: {  	v28 =	vor.u32 $0x3, v9;
	[tilespmem:$0x1FF10] =	vst v31  }
0xc: {  	v27 =	vadd.s32 $0x1983, v9;
	[tilespmem:$0x1FF20] =	vst v28  }
0xd: {  	v32 =	vor.u32 $0x4, v9;
	[tilespmem:$0x1FF30] =	vst v27  }
0xe: {  	v4 =	vadd.s32 $0x1984, v9;
	[tilespmem:$0x1FF40] =	vst v32  }
0xf: {  	v15 =	vor.u32 $0x5, v9;
	[tilespmem:$0x1FF50] =	vst v4  }
0x10: {  	v10 =	vadd.s32 $0x1985, v9;
	[tilespmem:$0x1FF60] =	vst v15  }
0x11: {  	s11 =	simm.s32 $0x3;
	v19 =	vor.u32 $0x6, v9;
	[tilespmem:$0x1FF70] =	vst v10  }
0x12: {  	s12 =	simm.s32 $0x80;
	s13 =	simm.s32 $0x6400;
	s15 =	simm.s32 $0x100;
	v6 =	vadd.s32 $0x1981, v9;
	[tilespmem:$0x1FF80] =	vst v19  }
0x13: {  	v1 =	vimm.s32 $0x0;
	s16 =	simm.s32 $0xA400;
	s17 =	simm.s32 $0x180;
	s18 =	simm.s32 $0xC400;
	v14 =	vadd.s32 $0x1986, v9;
	[tilespmem:$0x1FF90] =	vst v6  }
0x14: {  	vm0 =	vcmask $0x300;
	s19 =	simm.s32 $0x1;
	s20 =	simm.s32 $0xE400;
	s21 =	simm.s32 $0x2;
	v17 =	vadd.s32 $0x880, v9;
	v3 =	vor.u32 $0x7, v9;
	[tilespmem:$0x1FFA0] =	vst v14  }
.Ltmp0:
0x15: {  	s22 =	simm.s32 $0x10600;
	s23 =	simm.s32 $0x0;
	v0 =	vadd.s32 $0x1100, v9;
	v18 =	vadd.s32 $0x881, v9;
	v5 =	vadd.s32 $0x887, v9;
	[tilespmem:$0x1FFB0] =	vst v3;
	(pc) =	sbr.rel .LBB2_1-.Ltmp0, $4  }
0x16: {  	s0 =	ssub.s32 $0x2, s0;
	s8 =	sadd.s32 $0x10000, s2;
	s4 =	smul.u32 $0xC80, s6;
	v21 =	vadd.s32 $0x882, v9;
	v26 =	vadd.s32 $0x883, v9;
	v23 =	vadd.s32 $0x1107, v9;
	[tilespmem:$0x1FFC0] =	vst v5  }
0x17: {  	s9 =	sadd.s32 $0x18000, s2;
	s7 =	sshrl.u32 s0, $0x1;
	s6 =	sshll.u32 s6, $0x7;
	v25 =	vadd.s32 $0x1103, v9;
	v30 =	vadd.s32 $0x884, v9;
	v8 =	vadd.s32 $0x1987, v9;
	[tilespmem:$0x1FFD0] =	vst v23  }
0x18: {  	v29 =	vadd.s32 $0x1104, v9;
	v63 =	vadd.s32 $0x885, v9;
	v11 =	vadd.s32 $0x1106, v9;
	s0 =	ssub.s32 s0, s7;
	s7 =	sadd.s32 $0x8000, s2;
	[tilespmem:$0x1FFE0] =	vst v8;
	s5 =	sadd.s32 s4, s1  }
0x19: {  	v1 =	vsel vm0, $0x3, v1;
	v24 =	vadd.s32 $0x1105, v9;
	v7 =	vadd.s32 $0x886, v9;
	[tilespmem:$0x1FFF0] =	vst v11;
	s4 =	sadd.s32 $0xA00, s1;
	s10 =	smax.u32 s0, $0x1;
	s5 =	sadd.s32 $0x7A1C00, s5  }
.LBB2_24:
0x1a: {  	_ =	swait.ge [sflag:s21], $0x2000  }
0x1b: {  	[sflag:s21] =	ssyncset.done $0x0  }
0x1c: {  	[sflag:s21] =	ssyncadd.s32 $0xFFFFE000  }
0x1d: {  	_ =	swait.ge [sflag:s21], $0x2000  }
0x1e: {  	v9 =	vld [tilespmem:$0x1FEB0]  }
0x1f: {  	v12 =	vld [tilespmem:$0x1FEC0]  }
0x20: {  	v13 =	vld [tilespmem:$0x1FED0]  }
0x21: {  	v16 =	vld [tilespmem:$0x1FEE0]  }
0x22: {  	v20 =	vld [tilespmem:$0x1FEF0]  }
0x23: {  	v22 =	vld [tilespmem:$0x1FF00]  }
0x24: {  	v28 =	vld [tilespmem:$0x1FF20]  }
0x25: {  	s23 =	sadd.s32 $0x1, s23;
	v32 =	vld [tilespmem:$0x1FF40]  }
0x26: {  	p0 =	sne.s32 s23, s10;
	v4 =	vld [tilespmem:$0x1FF50]  }
.Ltmp1:
0x27: {  	v15 =	vld [tilespmem:$0x1FF60];
	(pc) =	sbr.rel @!p0 .LBB2_25-.Ltmp1, $4  }
0x28: {  	v19 =	vld [tilespmem:$0x1FF80]  }
0x29: {  	v3 =	vld [tilespmem:$0x1FFB0]  }
0x2a: {  	[sflag:s21] =	ssyncset.done $0x0;
	v5 =	vld [tilespmem:$0x1FFC0]  }
0x2b: {  	v24 =	vmov v29;
	v29 =	vmov v14;
	v25 =	vmov v10;
	v23 =	vld [tilespmem:$0x1FFD0];
	[sflag:s21] =	ssyncadd.s32 $0xFFFFE000  }
.LBB2_1:
0x2c: {  	[tilespmem:s3], [sflag:$0x3] =	stream.linear.gather [hbm4b:s5+s3], $0x6400, $0x38;
	[tilespmem:$0x12800] =	vst v63  }
0x2d: {  	_ =	swait.ge [sflag:s11], $0x6400  }
0x2e: {  	[sflag:s11] =	ssyncset.done $0x0  }
0x2f: {  	[sflag:s11] =	ssyncadd.s32 $0xFFFF9C00  }
0x30: {  	[tilespmem:s13], [sflag:$0x1] =	stream.indirect.gather [hbm4b:s4+s12], $0x40, s3, s12, $0xb8;
	[tilespmem:$0x12800] =	vst v63  }
0x31: {  	s0 =	simm.s32 $0x8400  }
0x32: {  	[tilespmem:s0], [sflag:$0x1] =	stream.indirect.gather [hbm4b:s4+s12], $0x40, s12, s12, $0xb8;
	[tilespmem:$0x12800] =	vst v63  }
0x33: {  	_ = 	snop  }
0x34: {  	[tilespmem:s16], [sflag:$0x1] =	stream.indirect.gather [hbm4b:s4+s12], $0x40, s15, s12, $0xb8;
	[tilespmem:$0x12800] =	vst v63  }
0x35: {  	s24 =	simm.s32 $0x0  }
0x36: {  	v10 =	vmov v25;
	v14 =	vmov v29;
	v29 =	vmov v24;
	[tilespmem:s18], [sflag:$0x1] =	stream.indirect.gather [hbm4b:s4+s12], $0x40, s17, s12, $0xb8;
	[tilespmem:$0x12800] =	vst v63  }
.LBB2_2:
0x37: {  	_ =	swait.ge [sflag:s19], $0x2000  }
0x38: {  	s0 =	simm.s32 $0x0;
	p0 =	seq.s32 s24, $0x0;
	s26 =	simm.s32 $0x1  }
0x39: {  	s1 =	simm.s32 $0x2;
	s25 =	simm.s32 $0x3;
	s30 =	simm.s32 $0x4;
	v33 =	vmov s0;
	v34 =	vmov s26  }
0x3a: {  	s31 =	simm.s32 $0x5;
	s14 =	simm.s32 $0x6;
	[sflag:s19] =	ssyncset.done $0x0;
	v35 =	vmov s1;
	v36 =	vmov s25;
	v37 =	vmov s30  }
0x3b: {  	s26 =	simm.s32 @!p0 $0x2;
	v38 =	vmov s31;
	v39 =	vmov s14;
	s25 =	simm.s32 $0x7;
	v33 =	vshrl.u32 v33, $0x3;
	[sflag:s19] =	ssyncadd.s32 $0xFFFFE000  }
0x3c: {  	v34 =	vshrl.u32 v34, $0x3;
	v40 =	vmov s25;
	v35 =	vshrl.u32 v35, $0x3;
	_ =	swait.ge @!p0 [sflag:s26], $0x2000  }
0x3d: {  	v36 =	vshrl.u32 v36, $0x3;
	v37 =	vshrl.u32 v37, $0x3;
	v40 =	vshrl.u32 v40, $0x3;
	[sflag:s26] =	ssyncset.done @!p0 $0x0  }
0x3e: {  	v38 =	vshrl.u32 v38, $0x3;
	v42 =	vshrl.u32 v39, $0x3;
	v40 =	vshll.u32 v40, v1;
	[sflag:s26] =	ssyncadd.s32 @!p0 $0xFFFFE000;
	s26 =	simm.s32 $0x6500  }
0x3f: {  	v33 =	vshll.u32 v33, v1;
	v34 =	vshll.u32 v34, v1;
	v24 =	vbroadcast v40, $0x0;
	v57 =	vld [tilespmem:s26+$0xC0]  }
0x40: {  	v35 =	vshll.u32 v35, v1;
	v36 =	vshll.u32 v36, v1;
	v6 =	vbroadcast v33, $0x0;
	v43 =	vld [tilespmem:s26+$0xFFFFFF00]  }
0x41: {  	v44 =	vshll.u32 v37, v1;
	v25 =	vbroadcast v34, $0x0;
	v45 =	vld [tilespmem:s26+$0xFFFFFF40];
	v46 =	vadd.s32 v3, v24  }
0x42: {  	v58 =	vshll.u32 v38, v1;
	v37 =	vbroadcast v35, $0x0;
	v59 =	vadd.s32 v9, v6;
	v47 =	vld [tilespmem:s26+$0xFFFFFF80]  }
0x43: {  	v42 =	vshll.u32 v42, v1;
	v36 =	vbroadcast v36, $0x0;
	v48 =	vadd.s32 v13, v25;
	v49 =	vld [tilespmem:s26+$0xFFFFFFC0]  }
0x44: {  	v35 =	vbroadcast v44, $0x0;
	v50 =	vadd.s32 v20, v37;
	v51 =	vld [tilespmem:s26+$0x0];
	v60 =	vmul.f32 $8.000000000e+00, v57  }
0x45: {  	v33 =	vbroadcast v58, $0x0;
	v52 =	vadd.s32 v28, v36;
	v53 =	vld [tilespmem:s26+$0x40];
	v43 =	vmul.f32 $8.000000000e+00, v43  }
0x46: {  	v34 =	vbroadcast v42, $0x0;
	v54 =	vadd.s32 v32, v35;
	v55 =	vld [tilespmem:s26+$0x80];
	v45 =	vmul.f32 $8.000000000e+00, v45;
	[tilespmem:v46+s20+$0x0] =	vst.idx.msk $0xffff, v60  }
0x47: {  	s30 =	simm.s32 $0x8;
	v62 =	vmul.f32 $8.000000000e+00, v47;
	[tilespmem:v59+s20+$0x0] =	vst.idx.msk $0xffff, v43;
	v43 =	vadd.s32 v15, v33;
	v44 =	vld [tilespmem:s26+$0xD0]  }
0x48: {  	v61 =	vmov s30;
	v47 =	vadd.s32 v19, v34;
	[tilespmem:v48+s20+$0x0] =	vst.idx.msk $0xffff, v45;
	v60 =	vmul.f32 $8.000000000e+00, v49;
	v32 =	vld [tilespmem:s26+$0xFFFFFF10]  }
0x49: {  	v42 =	vshrl.u32 v61, $0x3;
	v61 =	vmul.f32 $8.000000000e+00, v51;
	[tilespmem:v50+s20+$0x0] =	vst.idx.msk $0xffff, v62;
	v50 =	vadd.s32 v5, v24;
	v49 =	vld [tilespmem:s26+$0xFFFFFF50]  }
0x4a: {  	v56 =	vadd.s32 v17, v6;
	v62 =	vmul.f32 $8.000000000e+00, v53;
	v57 =	vld [tilespmem:s26+$0xFFFFFF90];
	[tilespmem:v52+s20+$0x0] =	vst.idx.msk $0xffff, v60  }
0x4b: {  	v38 =	vmul.f32 $8.000000000e+00, v55;
	v53 =	vadd.s32 v18, v25;
	[tilespmem:v54+s20+$0x0] =	vst.idx.msk $0xffff, v61;
	v58 =	vld [tilespmem:s26+$0xFFFFFFD0]  }
0x4c: {  	v55 =	vadd.s32 v21, v37;
	v59 =	vld [tilespmem:s26+$0x10];
	[tilespmem:v43+s20+$0x0] =	vst.idx.msk $0xffff, v62;
	v43 =	vmul.f32 $8.000000000e+00, v44  }
0x4d: {  	v46 =	vadd.s32 v26, v36;
	[tilespmem:v47+s20+$0x0] =	vst.idx.msk $0xffff, v38;
	v32 =	vmul.f32 $8.000000000e+00, v32;
	v60 =	vld [tilespmem:s26+$0x50]  }
0x4e: {  	v61 =	vld [tilespmem:s26+$0x90];
	v39 =	vmul.f32 $8.000000000e+00, v49;
	v49 =	vadd.s32 v30, v35;
	[tilespmem:v50+s20+$0x0] =	vst.idx.msk $0xffff, v43  }
0x4f: {  	v45 =	vadd.s32 v63, v33;
	[tilespmem:v56+s20+$0x0] =	vst.idx.msk $0xffff, v32;
	v32 =	vmul.f32 $8.000000000e+00, v57;
	v50 =	vld [tilespmem:s26+$0xE0]  }
0x50: {  	[tilespmem:v53+s20+$0x0] =	vst.idx.msk $0xffff, v39;
	v39 =	vmul.f32 $8.000000000e+00, v58;
	v53 =	vadd.s32 v7, v34;
	v56 =	vld [tilespmem:s26+$0xFFFFFF20]  }
0x51: {  	s31 =	simm.s32 $0x9;
	v43 =	vshll.u32 v42, v1;
	v42 =	vmul.f32 $8.000000000e+00, v59;
	v57 =	vld [tilespmem:s26+$0xFFFFFF60];
	[tilespmem:v55+s20+$0x0] =	vst.idx.msk $0xffff, v32;
	v55 =	vadd.s32 v23, v24  }
0x52: {  	s30 =	simm.s32 $0xD;
	v48 =	vmov s31;
	v58 =	vadd.s32 v0, v6;
	[tilespmem:v46+s20+$0x0] =	vst.idx.msk $0xffff, v39;
	v59 =	vld [tilespmem:s26+$0xFFFFFFA0];
	v46 =	vmul.f32 $8.000000000e+00, v60  }
0x53: {  	v62 =	vadd.s32 v16, v25;
	v44 =	vmov s30;
	v47 =	vmul.f32 $8.000000000e+00, v61;
	[tilespmem:v49+s20+$0x0] =	vst.idx.msk $0xffff, v42;
	v32 =	vmovc v63;
	v63 =	vld [tilespmem:s26+$0xFFFFFFE0]  }
0x54: {  	s31 =	simm.s32 $0xE;
	v61 =	vshrl.u32 v44, $0x3;
	v49 =	vadd.s32 v22, v37;
	[tilespmem:v45+s20+$0x0] =	vst.idx.msk $0xffff, v46;
	v44 =	vmul.f32 $8.000000000e+00, v50  }
0x55: {  	v38 =	vmov s31;
	v39 =	vld [tilespmem:s26+$0x20];
	[tilespmem:v53+s20+$0x0] =	vst.idx.msk $0xffff, v47;
	v50 =	vmul.f32 $8.000000000e+00, v56;
	v56 =	vadd.s32 v10, v36  }
0x56: {  	v42 =	vshrl.u32 v38, $0x3;
	v38 =	vbroadcast v43, $0x0;
	v40 =	vld [tilespmem:s26+$0x60];
	v43 =	vmul.f32 $8.000000000e+00, v57;
	[tilespmem:v55+s20+$0x0] =	vst.idx.msk $0xffff, v44  }
0x57: {  	s14 =	simm.s32 $0xB;
	v57 =	vadd.s32 v14, v35;
	v60 =	vld [tilespmem:s26+$0xA0];
	[tilespmem:v58+s20+$0x0] =	vst.idx.msk $0xffff, v50;
	v59 =	vmul.f32 $8.000000000e+00, v59  }
0x58: {  	v52 =	vmov s14;
	[tilespmem:v62+s20+$0x0] =	vst.idx.msk $0xffff, v43;
	v55 =	vld [tilespmem:s26+$0xF0];
	v62 =	vmul.f32 $8.000000000e+00, v63  }
0x59: {  	v52 =	vshrl.u32 v52, $0x3;
	v50 =	vld [tilespmem:s26+$0xFFFFFF30];
	[tilespmem:v49+s20+$0x0] =	vst.idx.msk $0xffff, v59  }
0x5a: {  	s1 =	simm.s32 $0xA;
	v45 =	vshll.u32 v52, v1;
	v52 =	vld [tilespmem:s26+$0xFFFFFF70];
	v63 =	vmul.f32 $8.000000000e+00, v39;
	[tilespmem:v56+s20+$0x0] =	vst.idx.msk $0xffff, v62  }
0x5b: {  	s25 =	simm.s32 $0xC;
	v51 =	vmov s1;
	v53 =	vadd.s32 v8, v24;
	v24 =	vmov v0;
	v0 =	vld [tilespmem:$0x1FF90]  }
0x5c: {  	v51 =	vshrl.u32 v51, $0x3;
	v54 =	vmov s25;
	v49 =	vld [tilespmem:s26+$0xFFFFFFB0];
	[tilespmem:v57+s20+$0x0] =	vst.idx.msk $0xffff, v63  }
0x5d: {  	v48 =	vshrl.u32 v48, $0x3;
	v41 =	vshrl.u32 v54, $0x3;
	v54 =	vadd.s32 v29, v33;
	v27 =	vld [tilespmem:$0x1FF30]  }
0x5e: {  	v47 =	vshll.u32 v48, v1;
	v44 =	vshll.u32 v51, v1;
	v51 =	vadd.s32 v11, v34;
	v56 =	vld [tilespmem:s26+$0xFFFFFFF0]  }
0x5f: {  	v46 =	vshll.u32 v41, v1;
	v48 =	vadd.s32 v12, v6;
	v43 =	vshll.u32 v61, v1;
	v6 =	vld [tilespmem:$0x1FFA0]  }
0x60: {  	s29 =	simm.s32 $0xF;
	s28 =	simm.s32 $0x10;
	s25 =	sshll.u32 s24, $0xB;
	v39 =	vmul.f32 $8.000000000e+00, v40;
	v40 =	vmul.f32 $8.000000000e+00, v60;
	v41 =	vadd.s32 v0, v25;
	v25 =	vld [tilespmem:$0x1FF70]  }
.LBB2_3:
0x61: {  	v57 =	vmov s29;
	v58 =	vld [tilespmem:s26+$0x30]  }
0x62: {  	v37 =	vadd.s32 v31, v37;
	v36 =	vadd.s32 v27, v36;
	v0 =	vld [tilespmem:$0x1FF40];
	[tilespmem:v54+s20+$0x0] =	vst.idx.msk $0xffff, v39;
	v60 =	vmul.f32 $8.000000000e+00, v55  }
0x63: {  	v35 =	vadd.s32 v4, v35;
	v61 =	vshrl.u32 v57, $0x3;
	[tilespmem:v51+s20+$0x0] =	vst.idx.msk $0xffff, v40;
	v62 =	vld [tilespmem:s26+$0x70];
	v50 =	vmul.f32 $8.000000000e+00, v50  }
0x64: {  	v39 =	vmov v38;
	v38 =	vshll.u32 v61, v1;
	v63 =	vmul.f32 $8.000000000e+00, v52;
	v52 =	vld [tilespmem:s26+$0xB0];
	s26 =	sadd.s32 $0x200, s26;
	[tilespmem:v53+s20+$0x0] =	vst.idx.msk $0xffff, v60  }
0x65: {  	v33 =	vadd.s32 v25, v33;
	v40 =	vbroadcast v38, $0x0;
	v54 =	vmul.f32 $8.000000000e+00, v49;
	[tilespmem:v48+s20+$0x0] =	vst.idx.msk $0xffff, v50;
	v53 =	vld [tilespmem:s26+$0xC0]  }
0x66: {  	v42 =	vshll.u32 v42, v1;
	v34 =	vadd.s32 v6, v34;
	v57 =	vmul.f32 $8.000000000e+00, v56;
	[tilespmem:v41+s20+$0x0] =	vst.idx.msk $0xffff, v63;
	v48 =	vld [tilespmem:s26+$0xFFFFFF00]  }
0x67: {  	v41 =	vbroadcast v47, $0x0;
	v47 =	vadd.s32 v3, v40;
	[tilespmem:v37+s20+$0x0] =	vst.idx.msk $0xffff, v54;
	v60 =	vmul.f32 $8.000000000e+00, v58;
	v59 =	vld [tilespmem:s26+$0xFFFFFF40]  }
0x68: {  	v51 =	vadd.s32 v9, v39;
	v37 =	vbroadcast v44, $0x0;
	[tilespmem:v36+s20+$0x0] =	vst.idx.msk $0xffff, v57;
	v61 =	vld [tilespmem:s26+$0xFFFFFF80];
	v62 =	vmul.f32 $8.000000000e+00, v62  }
0x69: {  	v36 =	vbroadcast v45, $0x0;
	v63 =	vld [tilespmem:s26+$0xFFFFFFC0];
	v49 =	vadd.s32 v13, v41;
	[tilespmem:v35+s20+$0x0] =	vst.idx.msk $0xffff, v60;
	v56 =	vmul.f32 $8.000000000e+00, v52  }
0x6a: {  	v45 =	vadd.s32 v20, v37;
	v35 =	vbroadcast v46, $0x0;
	v52 =	vld [tilespmem:s26+$0x0];
	[tilespmem:v33+s20+$0x0] =	vst.idx.msk $0xffff, v62;
	v57 =	vmul.f32 $8.000000000e+00, v53  }
0x6b: {  	v33 =	vbroadcast v43, $0x0;
	[tilespmem:v34+s20+$0x0] =	vst.idx.msk $0xffff, v56;
	v58 =	vmul.f32 $8.000000000e+00, v48;
	v48 =	vadd.s32 v28, v36;
	v53 =	vld [tilespmem:s26+$0x40]  }
0x6c: {  	v43 =	vadd.s32 v0, v35;
	v34 =	vbroadcast v42, $0x0;
	v59 =	vmul.f32 $8.000000000e+00, v59;
	v50 =	vld [tilespmem:s26+$0x80];
	[tilespmem:v47+s20+$0x0] =	vst.idx.msk $0xffff, v57  }
0x6d: {  	v62 =	vadd.s32 v15, v33;
	v61 =	vmul.f32 $8.000000000e+00, v61;
	[tilespmem:v51+s20+$0x0] =	vst.idx.msk $0xffff, v58;
	v47 =	vld [tilespmem:s26+$0xD0]  }
0x6e: {  	v60 =	vmov s28;
	v63 =	vmul.f32 $8.000000000e+00, v63;
	[tilespmem:v49+s20+$0x0] =	vst.idx.msk $0xffff, v59;
	v49 =	vadd.s32 v19, v34;
	v51 =	vld [tilespmem:s26+$0xFFFFFF10]  }
0x6f: {  	v42 =	vshrl.u32 v60, $0x3;
	[tilespmem:v45+s20+$0x0] =	vst.idx.msk $0xffff, v61;
	v60 =	vmul.f32 $8.000000000e+00, v52;
	v45 =	vadd.s32 v5, v40;
	v55 =	vld [tilespmem:s26+$0xFFFFFF50]  }
0x70: {  	v56 =	vadd.s32 v17, v39;
	v57 =	vld [tilespmem:s26+$0xFFFFFF90];
	[tilespmem:v48+s20+$0x0] =	vst.idx.msk $0xffff, v63;
	v61 =	vmul.f32 $8.000000000e+00, v53  }
0x71: {  	s0 =	sadd.s32 $0x1, s28;
	[tilespmem:v43+s20+$0x0] =	vst.idx.msk $0xffff, v60;
	v53 =	vadd.s32 v18, v41;
	v43 =	vmul.f32 $8.000000000e+00, v50;
	v58 =	vld [tilespmem:s26+$0xFFFFFFD0]  }
0x72: {  	s14 =	sadd.s32 $0x4, s28;
	v54 =	vmov s0;
	v50 =	vadd.s32 v21, v37;
	v59 =	vld [tilespmem:s26+$0x10];
	[tilespmem:v62+s20+$0x0] =	vst.idx.msk $0xffff, v61;
	v38 =	vmul.f32 $8.000000000e+00, v47  }
0x73: {  	v44 =	vmov s14;
	[tilespmem:v49+s20+$0x0] =	vst.idx.msk $0xffff, v43;
	v47 =	vmul.f32 $8.000000000e+00, v51;
	v51 =	vadd.s32 v26, v36;
	v60 =	vld [tilespmem:s26+$0x50]  }
0x74: {  	s30 =	sadd.s32 $0x5, s28;
	v54 =	vshrl.u32 v54, $0x3;
	v49 =	vmul.f32 $8.000000000e+00, v55;
	v55 =	vadd.s32 v30, v35;
	v61 =	vld [tilespmem:s26+$0x90];
	[tilespmem:v45+s20+$0x0] =	vst.idx.msk $0xffff, v38  }
0x75: {  	s31 =	sadd.s32 $0x2, s28;
	v46 =	vmov s30;
	v62 =	vmul.f32 $8.000000000e+00, v57;
	[tilespmem:v56+s20+$0x0] =	vst.idx.msk $0xffff, v47;
	v45 =	vadd.s32 v32, v33;
	v47 =	vld [tilespmem:s26+$0xE0]  }
0x76: {  	v52 =	vmov s31;
	[tilespmem:v53+s20+$0x0] =	vst.idx.msk $0xffff, v49;
	v53 =	vadd.s32 v7, v34;
	v56 =	vld [tilespmem:s26+$0xFFFFFF20];
	v63 =	vmul.f32 $8.000000000e+00, v58  }
0x77: {  	s1 =	sadd.s32 $0x3, s28;
	v38 =	vshll.u32 v42, v1;
	[tilespmem:v50+s20+$0x0] =	vst.idx.msk $0xffff, v62;
	v42 =	vmul.f32 $8.000000000e+00, v59;
	v50 =	vadd.s32 v23, v40;
	v57 =	vld [tilespmem:s26+$0xFFFFFF60]  }
0x78: {  	s31 =	sadd.s32 $0x6, s28;
	v48 =	vmov s1;
	v58 =	vadd.s32 v24, v39;
	v59 =	vld [tilespmem:s26+$0xFFFFFFA0];
	[tilespmem:v51+s20+$0x0] =	vst.idx.msk $0xffff, v63;
	v49 =	vmul.f32 $8.000000000e+00, v60  }
0x79: {  	v43 =	vmov s31;
	v60 =	vshrl.u32 v44, $0x3;
	[tilespmem:v55+s20+$0x0] =	vst.idx.msk $0xffff, v42;
	v44 =	vmul.f32 $8.000000000e+00, v61;
	v62 =	vld [tilespmem:s26+$0xFFFFFFE0]  }
0x7a: {  	v51 =	vadd.s32 v16, v41;
	v61 =	vshrl.u32 v46, $0x3;
	v63 =	vld [tilespmem:s26+$0x20];
	[tilespmem:v45+s20+$0x0] =	vst.idx.msk $0xffff, v49;
	v45 =	vmul.f32 $8.000000000e+00, v47  }
0x7b: {  	v46 =	vadd.s32 v22, v37;
	v42 =	vshrl.u32 v43, $0x3;
	[tilespmem:v53+s20+$0x0] =	vst.idx.msk $0xffff, v44;
	v43 =	vmul.f32 $8.000000000e+00, v56;
	v0 =	vld [tilespmem:s26+$0x60]  }
0x7c: {  	v52 =	vshrl.u32 v52, $0x3;
	v48 =	vshrl.u32 v48, $0x3;
	v56 =	vadd.s32 v10, v36;
	v2 =	vld [tilespmem:s26+$0xA0];
	[tilespmem:v50+s20+$0x0] =	vst.idx.msk $0xffff, v45  }
0x7d: {  	p1 =	slt.u32 s28, $0x78;
	v44 =	vshll.u32 v52, v1;
	v49 =	vmul.f32 $8.000000000e+00, v57;
	v57 =	vadd.s32 v14, v35;
	[tilespmem:v58+s20+$0x0] =	vst.idx.msk $0xffff, v43;
	v58 =	vld [tilespmem:$0x1FF90]  }
.Ltmp2:
0x7e: {  	v53 =	vadd.s32 v8, v40;
	v47 =	vshll.u32 v54, v1;
	v43 =	vmul.f32 $8.000000000e+00, v59;
	v55 =	vld [tilespmem:s26+$0xF0];
	(pc) =	sbr.rel @p1 .LBB2_3-.Ltmp2, $4  }
0x7f: {  	v54 =	vadd.s32 v29, v33;
	[tilespmem:v51+s20+$0x0] =	vst.idx.msk $0xffff, v49;
	v51 =	vadd.s32 v11, v34;
	v50 =	vld [tilespmem:s26+$0xFFFFFF30];
	v62 =	vmul.f32 $8.000000000e+00, v62  }
0x80: {  	v45 =	vshll.u32 v48, v1;
	v48 =	vadd.s32 v12, v39;
	v52 =	vld [tilespmem:s26+$0xFFFFFF70];
	v63 =	vmul.f32 $8.000000000e+00, v63;
	[tilespmem:v46+s20+$0x0] =	vst.idx.msk $0xffff, v43  }
0x81: {  	v38 =	vbroadcast v38, $0x0;
	v46 =	vshll.u32 v60, v1;
	v43 =	vshll.u32 v61, v1;
	v49 =	vld [tilespmem:s26+$0xFFFFFFB0];
	[tilespmem:v56+s20+$0x0] =	vst.idx.msk $0xffff, v62  }
0x82: {  	s29 =	sadd.s32 $0x7, s28;
	s28 =	sadd.s32 $0x8, s28;
	v39 =	vmul.f32 $8.000000000e+00, v0;
	[tilespmem:v57+s20+$0x0] =	vst.idx.msk $0xffff, v63;
	v40 =	vmul.f32 $8.000000000e+00, v2;
	v56 =	vld [tilespmem:s26+$0xFFFFFFF0];
	v41 =	vadd.s32 v58, v41  }
0x83: {  	_ =	sdelay $0x3  }
0x84: {  	v2 =	vadd.s32 v31, v37;
	v37 =	vld [tilespmem:s26+$0x30];
	v63 =	vmul.f32 $8.000000000e+00, v55;
	[tilespmem:v54+s20+$0x0] =	vst.idx.msk $0xffff, v39  }
0x85: {  	v36 =	vadd.s32 v27, v36;
	v50 =	vmul.f32 $8.000000000e+00, v50;
	[tilespmem:v51+s20+$0x0] =	vst.idx.msk $0xffff, v40;
	v54 =	vld [tilespmem:s26+$0x70]  }
0x86: {  	v35 =	vadd.s32 v4, v35;
	v57 =	vmul.f32 $8.000000000e+00, v52;
	v51 =	vld [tilespmem:s26+$0xB0];
	[tilespmem:v53+s20+$0x0] =	vst.idx.msk $0xffff, v63  }
0x87: {  	v33 =	vadd.s32 v25, v33;
	[tilespmem:v48+s20+$0x0] =	vst.idx.msk $0xffff, v50;
	v60 =	vmul.f32 $8.000000000e+00, v49  }
0x88: {  	v34 =	vadd.s32 v6, v34;
	[tilespmem:v41+s20+$0x0] =	vst.idx.msk $0xffff, v57;
	v62 =	vmul.f32 $8.000000000e+00, v56  }
0x89: {  	v0 =	vmov s29;
	[tilespmem:v2+s20+$0x0] =	vst.idx.msk $0xffff, v60;
	v2 =	vmul.f32 $8.000000000e+00, v37  }
0x8a: {  	s1 =	sadd.s32 $0x200, s26;
	v0 =	vshrl.u32 v0, $0x3;
	[tilespmem:v36+s20+$0x0] =	vst.idx.msk $0xffff, v62;
	v56 =	vmul.f32 $8.000000000e+00, v54  }
0x8b: {  	v59 =	vld [tilespmem:s1+$0xC0];
	v0 =	vshll.u32 v0, v1;
	[tilespmem:v35+s20+$0x0] =	vst.idx.msk $0xffff, v2;
	v2 =	vmul.f32 $8.000000000e+00, v51  }
0x8c: {  	v61 =	vld [tilespmem:s1+$0xFFFFFF00];
	v0 =	vbroadcast v0, $0x0;
	[tilespmem:v33+s20+$0x0] =	vst.idx.msk $0xffff, v56  }
0x8d: {  	v63 =	vld [tilespmem:s1+$0xFFFFFF40];
	[tilespmem:v34+s20+$0x0] =	vst.idx.msk $0xffff, v2  }
0x8e: {  	v47 =	vbroadcast v47, $0x0;
	v50 =	vadd.s32 v3, v0;
	v54 =	vld [tilespmem:$0x1FF40]  }
0x8f: {  	v44 =	vbroadcast v44, $0x0;
	v48 =	vld [tilespmem:s1+$0xFFFFFF80];
	v37 =	vadd.s32 v9, v38  }
0x90: {  	v42 =	vshll.u32 v42, v1;
	v45 =	vbroadcast v45, $0x0;
	v40 =	vadd.s32 v13, v47;
	v52 =	vld [tilespmem:s1+$0xFFFFFFC0]  }
0x91: {  	v46 =	vbroadcast v46, $0x0;
	v57 =	vld [tilespmem:s1+$0x0];
	v39 =	vmul.f32 $8.000000000e+00, v59;
	v35 =	vadd.s32 v20, v44  }
0x92: {  	v43 =	vbroadcast v43, $0x0;
	v60 =	vadd.s32 v28, v45;
	v59 =	vmul.f32 $8.000000000e+00, v61;
	v61 =	vld [tilespmem:s1+$0x40]  }
0x93: {  	v42 =	vbroadcast v42, $0x0;
	v2 =	vmul.f32 $8.000000000e+00, v63;
	v63 =	vld [tilespmem:s1+$0x80];
	[tilespmem:v50+s20+$0x0] =	vst.idx.msk $0xffff, v39;
	v62 =	vadd.s32 v54, v46  }
0x94: {  	v53 =	vmul.f32 $8.000000000e+00, v48;
	[tilespmem:v37+s20+$0x0] =	vst.idx.msk $0xffff, v59;
	v37 =	vadd.s32 v15, v43;
	v39 =	vld [tilespmem:s1+$0xD0]  }
0x95: {  	v56 =	vld [tilespmem:s1+$0xFFFFFF10];
	[tilespmem:v40+s20+$0x0] =	vst.idx.msk $0xffff, v2;
	v2 =	vmul.f32 $8.000000000e+00, v52;
	v40 =	vadd.s32 v19, v42  }
0x96: {  	v57 =	vmul.f32 $8.000000000e+00, v57;
	v50 =	vld [tilespmem:s1+$0xFFFFFF50];
	[tilespmem:v35+s20+$0x0] =	vst.idx.msk $0xffff, v53;
	v35 =	vadd.s32 v5, v0  }
0x97: {  	v51 =	vadd.s32 v17, v38;
	v59 =	vld [tilespmem:s1+$0xFFFFFF90];
	[tilespmem:v60+s20+$0x0] =	vst.idx.msk $0xffff, v2;
	v2 =	vmul.f32 $8.000000000e+00, v61  }
0x98: {  	v36 =	vadd.s32 v18, v47;
	v60 =	vld [tilespmem:s1+$0xFFFFFFD0];
	v61 =	vmul.f32 $8.000000000e+00, v63;
	[tilespmem:v62+s20+$0x0] =	vst.idx.msk $0xffff, v57  }
0x99: {  	[tilespmem:v37+s20+$0x0] =	vst.idx.msk $0xffff, v2;
	v2 =	vmul.f32 $8.000000000e+00, v39;
	v62 =	vadd.s32 v21, v44;
	v63 =	vld [tilespmem:s1+$0x10]  }
0x9a: {  	v56 =	vmul.f32 $8.000000000e+00, v56;
	v39 =	vadd.s32 v26, v45;
	v48 =	vld [tilespmem:s1+$0x50];
	[tilespmem:v40+s20+$0x0] =	vst.idx.msk $0xffff, v61  }
0x9b: {  	v40 =	vadd.s32 v30, v46;
	[tilespmem:v35+s20+$0x0] =	vst.idx.msk $0xffff, v2;
	v57 =	vmul.f32 $8.000000000e+00, v50;
	v50 =	vld [tilespmem:s1+$0x90]  }
0x9c: {  	[tilespmem:v51+s20+$0x0] =	vst.idx.msk $0xffff, v56;
	v2 =	vmul.f32 $8.000000000e+00, v59;
	v35 =	vadd.s32 v32, v43;
	v59 =	vld [tilespmem:s1+$0xE0]  }
0x9d: {  	v51 =	vld [tilespmem:s1+$0xFFFFFF20];
	v56 =	vmul.f32 $8.000000000e+00, v60;
	[tilespmem:v36+s20+$0x0] =	vst.idx.msk $0xffff, v57;
	v36 =	vadd.s32 v7, v42  }
0x9e: {  	v34 =	vadd.s32 v23, v0;
	v49 =	vld [tilespmem:s1+$0xFFFFFF60];
	[tilespmem:v62+s20+$0x0] =	vst.idx.msk $0xffff, v2;
	v2 =	vmul.f32 $8.000000000e+00, v63  }
0x9f: {  	v41 =	vadd.s32 v24, v38;
	[tilespmem:v39+s20+$0x0] =	vst.idx.msk $0xffff, v56;
	v57 =	vmul.f32 $8.000000000e+00, v48;
	v52 =	vld [tilespmem:s1+$0xFFFFFFA0]  }
0xa0: {  	v39 =	vadd.s32 v16, v47;
	v48 =	vld [tilespmem:s1+$0xFFFFFFE0];
	[tilespmem:v40+s20+$0x0] =	vst.idx.msk $0xffff, v2;
	v2 =	vmul.f32 $8.000000000e+00, v50  }
0xa1: {  	[tilespmem:v35+s20+$0x0] =	vst.idx.msk $0xffff, v57;
	v59 =	vmul.f32 $8.000000000e+00, v59;
	v40 =	vadd.s32 v22, v44;
	v50 =	vld [tilespmem:s1+$0x20]  }
0xa2: {  	v37 =	vadd.s32 v10, v45;
	v56 =	vmul.f32 $8.000000000e+00, v51;
	v57 =	vld [tilespmem:s1+$0x60];
	[tilespmem:v36+s20+$0x0] =	vst.idx.msk $0xffff, v2  }
0xa3: {  	[tilespmem:v34+s20+$0x0] =	vst.idx.msk $0xffff, v59;
	v2 =	vmul.f32 $8.000000000e+00, v49;
	v36 =	vadd.s32 v14, v46;
	v49 =	vld [tilespmem:s1+$0xA0]  }
0xa4: {  	[tilespmem:v41+s20+$0x0] =	vst.idx.msk $0xffff, v56;
	v34 =	vadd.s32 v29, v43;
	v35 =	vld [tilespmem:s1+$0xF0];
	v59 =	vmul.f32 $8.000000000e+00, v52  }
0xa5: {  	v41 =	vld [tilespmem:s1+$0xFFFFFF30];
	[tilespmem:v39+s20+$0x0] =	vst.idx.msk $0xffff, v2;
	v2 =	vmul.f32 $8.000000000e+00, v48;
	v39 =	vadd.s32 v11, v42  }
0xa6: {  	v0 =	vadd.s32 v8, v0;
	v52 =	vld [tilespmem:s1+$0xFFFFFF70];
	[tilespmem:v40+s20+$0x0] =	vst.idx.msk $0xffff, v59;
	v56 =	vmul.f32 $8.000000000e+00, v50  }
0xa7: {  	v38 =	vadd.s32 v12, v38;
	v40 =	vld [tilespmem:s1+$0xFFFFFFB0];
	[tilespmem:v37+s20+$0x0] =	vst.idx.msk $0xffff, v2;
	v2 =	vmul.f32 $8.000000000e+00, v57  }
0xa8: {  	v37 =	vadd.s32 v58, v47;
	v57 =	vld [tilespmem:s1+$0xFFFFFFF0];
	[tilespmem:v36+s20+$0x0] =	vst.idx.msk $0xffff, v56;
	v58 =	vmul.f32 $8.000000000e+00, v49  }
0xa9: {  	v55 =	vmov v27;
	v36 =	vadd.s32 v31, v44;
	[tilespmem:v34+s20+$0x0] =	vst.idx.msk $0xffff, v2;
	v2 =	vmul.f32 $8.000000000e+00, v35;
	v59 =	vld [tilespmem:s1+$0x30]  }
0xaa: {  	v50 =	vadd.s32 v55, v45;
	v49 =	vmul.f32 $8.000000000e+00, v41;
	v51 =	vld [tilespmem:s1+$0x70];
	[tilespmem:v39+s20+$0x0] =	vst.idx.msk $0xffff, v58  }
0xab: {  	v55 =	vadd.s32 v4, v46;
	v52 =	vmul.f32 $8.000000000e+00, v52;
	[tilespmem:v0+s20+$0x0] =	vst.idx.msk $0xffff, v2;
	v56 =	vld [tilespmem:s1+$0xB0]  }
0xac: {  	[tilespmem:v38+s20+$0x0] =	vst.idx.msk $0xffff, v49;
	v2 =	vadd.s32 v25, v43;
	v0 =	vmul.f32 $8.000000000e+00, v40  }
0xad: {  	v58 =	vadd.s32 v6, v42;
	[tilespmem:v37+s20+$0x0] =	vst.idx.msk $0xffff, v52;
	v57 =	vmul.f32 $8.000000000e+00, v57  }
0xae: {  	[tilespmem:v36+s20+$0x0] =	vst.idx.msk $0xffff, v0;
	v0 =	vmul.f32 $8.000000000e+00, v59  }
0xaf: {  	[tilespmem:v50+s20+$0x0] =	vst.idx.msk $0xffff, v57;
	v59 =	vmul.f32 $8.000000000e+00, v51  }
0xb0: {  	s0 =	sshll.u32 s24, $0x11;
	[tilespmem:v55+s20+$0x0] =	vst.idx.msk $0xffff, v0;
	v0 =	vmul.f32 $8.000000000e+00, v56  }
0xb1: {  	s26 =	sor.u32 s6, s0;
	[tilespmem:v2+s20+$0x0] =	vst.idx.msk $0xffff, v59  }
0xb2: {  	s0 =	sadd.s32 s2, s26;
	s1 =	simm.s32 $0xE400;
	[tilespmem:v58+s20+$0x0] =	vst.idx.msk $0xffff, v0  }
0xb3: {  	[hbm4b:s0+s3] =	stream.linear.scatter [tilespmem:s1], [sflag:$0x2], $0x80, $0x38;
	[tilespmem:$0x12800] =	vst v63  }
0xb4: {  	s14 =	simm.s32 $0xE488;
	s28 =	sadd.s32 $0x10, s0  }
0xb5: {  	[hbm4b:s28+s3] =	stream.linear.scatter [tilespmem:s14], [sflag:$0x2], $0x80, $0x38;
	[tilespmem:$0x12800] =	vst v63  }
0xb6: {  	s14 =	simm.s32 $0xE510;
	s28 =	sadd.s32 $0x20, s0  }
0xb7: {  	[hbm4b:s28+s3] =	stream.linear.scatter [tilespmem:s14], [sflag:$0x2], $0x80, $0x38;
	[tilespmem:$0x12800] =	vst v63  }
0xb8: {  	s14 =	simm.s32 $0xE598;
	s28 =	sadd.s32 $0x30, s0  }
0xb9: {  	[hbm4b:s28+s3] =	stream.linear.scatter [tilespmem:s14], [sflag:$0x2], $0x80, $0x38;
	[tilespmem:$0x12800] =	vst v63  }
0xba: {  	s14 =	simm.s32 $0xE620;
	s28 =	sadd.s32 $0x40, s0  }
0xbb: {  	[hbm4b:s28+s3] =	stream.linear.scatter [tilespmem:s14], [sflag:$0x2], $0x80, $0x38;
	[tilespmem:$0x12800] =	vst v63  }
0xbc: {  	s30 =	simm.s32 $0x2200;
	s14 =	simm.s32 $0xE6A8;
	s28 =	sadd.s32 $0x50, s0  }
0xbd: {  	v27 =	vmovc v17;
	v17 =	vmovc v18;
	v18 =	vmov v21;
	v53 =	vmov v7;
	v61 =	vmov v22;
	[hbm4b:s28+s3] =	stream.linear.scatter [tilespmem:s14], [sflag:$0x2], $0x80, $0x38;
	[tilespmem:$0x12800] =	vst v63  }
0xbe: {  	s31 =	simm.s32 $0xE7B8;
	v60 =	vmovc v16;
	v21 =	vmovc v10;
	v10 =	vmov v14;
	v62 =	vmov v23;
	v63 =	vmov v24;
	s14 =	simm.s32 $0xE730;
	s28 =	sadd.s32 $0x60, s0  }
0xbf: {  	v24 =	vmovc v28;
	v28 =	vmovc v54;
	v22 =	vmov v26;
	v26 =	vmov v30;
	v30 =	vmov v32;
	[hbm4b:s28+s3] =	stream.linear.scatter [tilespmem:s14], [sflag:$0x2], $0x80, $0x38;
	[tilespmem:$0x12800] =	vst v63  }
0xc0: {  	s29 =	sadd.s32 $0x1000, s0;
	v32 =	vmovc v15;
	v15 =	vmovc v19;
	v14 =	vmov v29;
	v11 =	vmov v27;
	s1 =	sadd.s32 $0x70, s0;
	v0 =	vmov v31;
	s28 =	simm.s32 $0x440  }
.LBB2_5:
0xc1: {  	[hbm4b:s1+s3] =	stream.linear.scatter [tilespmem:s31], [sflag:$0x2], $0x80, $0x38;
	[tilespmem:$0x12800] =	vst v63  }
0xc2: {  	s0 =	smov.u32 s28;
	s1 =	smov.u32 s30  }
0xc3: {  	s14 =	sadd.s32 $0x1100, s30;
	s28 =	sshra.s32 s1, $0x2;
	s1 =	sadd.s32 $0xE400, s0  }
0xc4: {  	[hbm4b:s29+s3] =	stream.linear.scatter [tilespmem:s1], [sflag:$0x2], $0x80, $0x38;
	[tilespmem:$0x12800] =	vst v63  }
0xc5: {  	p1 =	sne.s32 s30, $0x7700;
	s30 =	sadd.s32 $0x10, s29;
	s1 =	sadd.s32 $0xE488, s0  }
0xc6: {  	[hbm4b:s30+s3] =	stream.linear.scatter [tilespmem:s1], [sflag:$0x2], $0x80, $0x38;
	[tilespmem:$0x12800] =	vst v63  }
0xc7: {  	s1 =	sadd.s32 $0xE510, s0;
	s30 =	sadd.s32 $0x20, s29  }
0xc8: {  	[hbm4b:s30+s3] =	stream.linear.scatter [tilespmem:s1], [sflag:$0x2], $0x80, $0x38;
	[tilespmem:$0x12800] =	vst v63  }
0xc9: {  	s1 =	sadd.s32 $0xE598, s0;
	s30 =	sadd.s32 $0x30, s29  }
0xca: {  	[hbm4b:s30+s3] =	stream.linear.scatter [tilespmem:s1], [sflag:$0x2], $0x80, $0x38;
	[tilespmem:$0x12800] =	vst v63  }
0xcb: {  	s1 =	sadd.s32 $0xE620, s0;
	s30 =	sadd.s32 $0x40, s29  }
0xcc: {  	[hbm4b:s30+s3] =	stream.linear.scatter [tilespmem:s1], [sflag:$0x2], $0x80, $0x38;
	[tilespmem:$0x12800] =	vst v63  }
.Ltmp3:
0xcd: {  	s1 =	sadd.s32 $0xE6A8, s0;
	s30 =	sadd.s32 $0x50, s29;
	(pc) =	sbr.rel @p1 .LBB2_5-.Ltmp3, $4  }
0xce: {  	[hbm4b:s30+s3] =	stream.linear.scatter [tilespmem:s1], [sflag:$0x2], $0x80, $0x38;
	[tilespmem:$0x12800] =	vst v63  }
0xcf: {  	s31 =	sadd.s32 $0xE7B8, s0;
	s1 =	sadd.s32 $0xE730, s0;
	s30 =	sadd.s32 $0x60, s29  }
0xd0: {  	[hbm4b:s30+s3] =	stream.linear.scatter [tilespmem:s1], [sflag:$0x2], $0x80, $0x38;
	[tilespmem:$0x12800] =	vst v63  }
0xd1: {  	s1 =	sadd.s32 $0x70, s29;
	s29 =	sadd.s32 $0x1000, s29;
	s30 =	smov.u32 s14  }
0xd2: {  	[hbm4b:s1+s3] =	stream.linear.scatter [tilespmem:s31], [sflag:$0x2], $0x80, $0x38;
	[tilespmem:$0x12800] =	vst v63  }
0xd3: {  	s0 =	sadd.s32 $0xE400, s28  }
0xd4: {  	[hbm4b:s29+s3] =	stream.linear.scatter [tilespmem:s0], [sflag:$0x2], $0x80, $0x38;
	[tilespmem:$0x12800] =	vst v63  }
0xd5: {  	s30 =	sadd.s32 $0xE488, s28;
	s31 =	sadd.s32 $0x10, s29  }
0xd6: {  	[hbm4b:s31+s3] =	stream.linear.scatter [tilespmem:s30], [sflag:$0x2], $0x80, $0x38;
	[tilespmem:$0x12800] =	vst v63  }
0xd7: {  	s1 =	sadd.s32 $0xE510, s28;
	s14 =	sadd.s32 $0x20, s29  }
0xd8: {  	[hbm4b:s14+s3] =	stream.linear.scatter [tilespmem:s1], [sflag:$0x2], $0x80, $0x38;
	[tilespmem:$0x12800] =	vst v63  }
0xd9: {  	s30 =	sadd.s32 $0xE598, s28;
	s31 =	sadd.s32 $0x30, s29  }
0xda: {  	[hbm4b:s31+s3] =	stream.linear.scatter [tilespmem:s30], [sflag:$0x2], $0x80, $0x38;
	[tilespmem:$0x12800] =	vst v63  }
0xdb: {  	s1 =	sadd.s32 $0xE620, s28;
	s14 =	sadd.s32 $0x40, s29  }
0xdc: {  	[hbm4b:s14+s3] =	stream.linear.scatter [tilespmem:s1], [sflag:$0x2], $0x80, $0x38;
	[tilespmem:$0x12800] =	vst v63  }
0xdd: {  	p1 =	sne.s32 s24, $0x31;
	s30 =	sadd.s32 $0xE6A8, s28;
	s31 =	sadd.s32 $0x50, s29  }
0xde: {  	[hbm4b:s31+s3] =	stream.linear.scatter [tilespmem:s30], [sflag:$0x2], $0x80, $0x38;
	[tilespmem:$0x12800] =	vst v63  }
.Ltmp4:
0xdf: {  	_ = 	snop;
	(pc) =	sbr.rel @p1 .LBB2_8-.Ltmp4, $4  }
0xe0: {  	s1 =	sadd.s32 $0xE730, s28;
	s14 =	sadd.s32 $0x60, s29  }
0xe1: {  	[hbm4b:s14+s3] =	stream.linear.scatter [tilespmem:s1], [sflag:$0x2], $0x80, $0x38;
	[tilespmem:$0x12800] =	vst v63  }
0xe2: {  	s30 =	sadd.s32 $0xE7B8, s28;
	s31 =	sadd.s32 $0x70, s29  }
0xe3: {  	v31 =	vmov v0;
	[hbm4b:s31+s3] =	stream.linear.scatter [tilespmem:s30], [sflag:$0x2], $0x80, $0x38;
	[tilespmem:$0x12800] =	vst v63  }
.Ltmp5:
0xe4: {  	(pc) =	sbr.rel .LBB2_9-.Ltmp5, $4  }
0xe5: {  	_ = 	snop  }
0xe6: {  	_ =	swait.ge [sflag:s19], $0x2000  }
0xe7: {  	[sflag:s19] =	ssyncset.done $0x0  }
0xe8: {  	v25 =	vmov v10;
	v29 =	vmov v14;
	v7 =	vmov v53;
	[sflag:s19] =	ssyncadd.s32 $0xFFFFE000  }
.LBB2_8:
0xe9: {  	s0 =	sshrl.u32 s25, $0x2  }
.Ltmp6:
0xea: {  	s0 =	sadd.s32 $0x200, s0;
	(pc) =	sbr.rel @p0 .LBB2_10-.Ltmp6, $4  }
0xeb: {  	[tilespmem:s13], [sflag:$0x1] =	stream.indirect.gather [hbm4b:s4+s12], $0x40, s0, s12, $0xb8;
	[tilespmem:$0x12800] =	vst v63  }
0xec: {  	_ =	swait.ge [sflag:s19], $0x2000  }
0xed: {  	[sflag:s19] =	ssyncset.done $0x0  }
0xee: {  	v25 =	vmov v10;
	v29 =	vmov v14;
	v7 =	vmov v53;
	[sflag:s19] =	ssyncadd.s32 $0xFFFFE000  }
.LBB2_9:
0xef: {  	_ =	swait.ge [sflag:s21], $0x2000  }
0xf0: {  	[sflag:s21] =	ssyncset.done $0x0  }
0xf1: {  	[sflag:s21] =	ssyncadd.s32 $0xFFFFE000  }
.LBB2_10:
0xf2: {  	s0 =	simm.s32 $0x0;
	s31 =	simm.s32 $0x1  }
0xf3: {  	s1 =	simm.s32 $0x2;
	s14 =	simm.s32 $0x3;
	v0 =	vmov s0;
	v2 =	vmov s31  }
0xf4: {  	v33 =	vmov s1;
	v34 =	vmov s14;
	s1 =	simm.s32 $0x4;
	s14 =	simm.s32 $0x5;
	s31 =	simm.s32 $0x6;
	v0 =	vshrl.u32 v0, $0x3  }
0xf5: {  	v35 =	vmov s1;
	v36 =	vmov s14;
	v37 =	vmov s31  }
0xf6: {  	s14 =	simm.s32 $0x7;
	v2 =	vshrl.u32 v2, $0x3;
	v33 =	vshrl.u32 v33, $0x3;
	v34 =	vshrl.u32 v34, $0x3  }
0xf7: {  	v0 =	vshll.u32 v0, v1;
	v38 =	vmov s14;
	v35 =	vshrl.u32 v35, $0x3  }
0xf8: {  	s28 =	simm.s32 $0x85F0;
	v36 =	vshrl.u32 v36, $0x3;
	v42 =	vshrl.u32 v37, $0x3;
	v38 =	vshrl.u32 v38, $0x3  }
0xf9: {  	v58 =	vld [tilespmem:s28+$0xFFFFFE10];
	v2 =	vshll.u32 v2, v1;
	v39 =	vbroadcast v0, $0x0;
	v38 =	vshll.u32 v38, v1  }
0xfa: {  	v33 =	vshll.u32 v33, v1;
	v34 =	vshll.u32 v34, v1;
	v0 =	vld [tilespmem:s28+$0xFFFFFFD0];
	v41 =	vbroadcast v38, $0x0  }
0xfb: {  	v43 =	vld [tilespmem:s28+$0xFFFFFE50];
	v35 =	vshll.u32 v35, v1;
	v27 =	vbroadcast v2, $0x0;
	v45 =	vadd.s32 v9, v39  }
0xfc: {  	v46 =	vld [tilespmem:s28+$0xFFFFFE90];
	v44 =	vshll.u32 v36, v1;
	v37 =	vbroadcast v33, $0x0;
	v2 =	vadd.s32 v3, v41  }
0xfd: {  	v48 =	vld [tilespmem:s28+$0xFFFFFED0];
	v42 =	vshll.u32 v42, v1;
	v36 =	vbroadcast v34, $0x0;
	v47 =	vadd.s32 v13, v27  }
0xfe: {  	v50 =	vld [tilespmem:s28+$0xFFFFFF10];
	v35 =	vbroadcast v35, $0x0;
	v49 =	vadd.s32 v20, v37;
	v38 =	vmul.f32 $8.000000000e+00, v58  }
0xff: {  	v52 =	vld [tilespmem:s28+$0xFFFFFF50];
	v33 =	vbroadcast v44, $0x0;
	v51 =	vadd.s32 v24, v36;
	v0 =	vmul.f32 $8.000000000e+00, v0  }
0x100: {  	v53 =	vld [tilespmem:s28+$0xFFFFFF90];
	v34 =	vbroadcast v42, $0x0;
	v43 =	vmul.f32 $8.000000000e+00, v43;
	v44 =	vadd.s32 v28, v35;
	[tilespmem:v45+s22+$0x0] =	vst.idx.msk $0xffff, v38  }
0x101: {  	v38 =	vadd.s32 v32, v33;
	v45 =	vld [tilespmem:s28+$0xFFFFFE20];
	[tilespmem:v2+s22+$0x0] =	vst.idx.msk $0xffff, v0;
	v2 =	vmul.f32 $8.000000000e+00, v46  }
0x102: {  	v59 =	vmul.f32 $8.000000000e+00, v48;
	[tilespmem:v47+s22+$0x0] =	vst.idx.msk $0xffff, v43;
	v46 =	vadd.s32 v15, v34;
	v42 =	vld [tilespmem:s28+$0xFFFFFFE0]  }
0x103: {  	v54 =	vadd.s32 v11, v39;
	v48 =	vld [tilespmem:s28+$0xFFFFFE60];
	[tilespmem:v49+s22+$0x0] =	vst.idx.msk $0xffff, v2;
	v2 =	vmul.f32 $8.000000000e+00, v50  }
0x104: {  	[tilespmem:v51+s22+$0x0] =	vst.idx.msk $0xffff, v59;
	v43 =	vmul.f32 $8.000000000e+00, v52;
	v49 =	vadd.s32 v5, v41;
	v55 =	vld [tilespmem:s28+$0xFFFFFEA0]  }
0x105: {  	s31 =	simm.s32 $0x8;
	v52 =	vadd.s32 v17, v27;
	v56 =	vld [tilespmem:s28+$0xFFFFFEE0];
	[tilespmem:v44+s22+$0x0] =	vst.idx.msk $0xffff, v2;
	v2 =	vmul.f32 $8.000000000e+00, v53  }
0x106: {  	v0 =	vmov s31;
	[tilespmem:v38+s22+$0x0] =	vst.idx.msk $0xffff, v43;
	v53 =	vadd.s32 v18, v37;
	v43 =	vmul.f32 $8.000000000e+00, v45;
	v57 =	vld [tilespmem:s28+$0xFFFFFF20]  }
0x107: {  	s31 =	simm.s32 $0xB;
	v0 =	vshrl.u32 v0, $0x3;
	v45 =	vadd.s32 v22, v36;
	v58 =	vld [tilespmem:s28+$0xFFFFFF60];
	v38 =	vmul.f32 $8.000000000e+00, v42;
	[tilespmem:v46+s22+$0x0] =	vst.idx.msk $0xffff, v2  }
0x108: {  	s14 =	simm.s32 $0xA;
	v51 =	vmov s31;
	v46 =	vmul.f32 $8.000000000e+00, v48;
	v48 =	vadd.s32 v26, v35;
	[tilespmem:v54+s22+$0x0] =	vst.idx.msk $0xffff, v43;
	v59 =	vld [tilespmem:s28+$0xFFFFFFA0]  }
0x109: {  	v50 =	vmov s14;
	s14 =	simm.s32 $0xD;
	v43 =	vadd.s32 v30, v33;
	v54 =	vld [tilespmem:s28+$0xFFFFFE30];
	[tilespmem:v49+s22+$0x0] =	vst.idx.msk $0xffff, v38;
	v38 =	vmul.f32 $8.000000000e+00, v55  }
0x10a: {  	v40 =	vmul.f32 $8.000000000e+00, v56;
	v42 =	vmov s14;
	[tilespmem:v52+s22+$0x0] =	vst.idx.msk $0xffff, v46;
	v52 =	vadd.s32 v7, v34;
	v49 =	vld [tilespmem:s28+$0xFFFFFFF0]  }
0x10b: {  	s31 =	simm.s32 $0xE;
	v55 =	vld [tilespmem:s28+$0xFFFFFE70];
	[tilespmem:v53+s22+$0x0] =	vst.idx.msk $0xffff, v38;
	v38 =	vmul.f32 $8.000000000e+00, v57;
	v57 =	vshrl.u32 v51, $0x3;
	v51 =	vadd.s32 v63, v39  }
0x10c: {  	v2 =	vmov s31;
	[tilespmem:v45+s22+$0x0] =	vst.idx.msk $0xffff, v40;
	v40 =	vmul.f32 $8.000000000e+00, v58;
	v53 =	vadd.s32 v62, v41;
	v56 =	vld [tilespmem:s28+$0xFFFFFEB0]  }
0x10d: {  	v58 =	vadd.s32 v60, v27;
	[tilespmem:v48+s22+$0x0] =	vst.idx.msk $0xffff, v38;
	v38 =	vmul.f32 $8.000000000e+00, v59;
	v59 =	vshrl.u32 v42, $0x3  }
0x10e: {  	[tilespmem:v43+s22+$0x0] =	vst.idx.msk $0xffff, v40;
	v48 =	vadd.s32 v61, v37;
	v42 =	vshrl.u32 v2, $0x3;
	v2 =	vmul.f32 $8.000000000e+00, v54  }
0x10f: {  	v0 =	vshll.u32 v0, v1;
	v49 =	vmul.f32 $8.000000000e+00, v49;
	[tilespmem:v52+s22+$0x0] =	vst.idx.msk $0xffff, v38  }
0x110: {  	v38 =	vbroadcast v0, $0x0;
	v0 =	vmul.f32 $8.000000000e+00, v55;
	[tilespmem:v51+s22+$0x0] =	vst.idx.msk $0xffff, v2  }
0x111: {  	v12 =	vmov v13;
	v13 =	vmov v60;
	v60 =	vld [tilespmem:s28+$0xFFFFFEF0];
	[tilespmem:v53+s22+$0x0] =	vst.idx.msk $0xffff, v49;
	v2 =	vmul.f32 $8.000000000e+00, v56  }
0x112: {  	v23 =	vmov v62;
	v62 =	vld [tilespmem:s28+$0xFFFFFF70];
	[tilespmem:v58+s22+$0x0] =	vst.idx.msk $0xffff, v0  }
0x113: {  	v58 =	vld [tilespmem:$0x1FFF0];
	[tilespmem:v48+s22+$0x0] =	vst.idx.msk $0xffff, v2  }
0x114: {  	s1 =	simm.s32 $0x9;
	v54 =	vadd.s32 v21, v36;
	v4 =	vld [tilespmem:$0x1FFE0]  }
0x115: {  	v16 =	vmov v20;
	v20 =	vmov v61;
	v47 =	vmov s1;
	s1 =	simm.s32 $0xC;
	v61 =	vld [tilespmem:s28+$0xFFFFFF30]  }
0x116: {  	v50 =	vshrl.u32 v50, $0x3;
	v44 =	vmov s1;
	v40 =	vld [tilespmem:s28+$0xFFFFFFB0]  }
0x117: {  	v46 =	vshrl.u32 v44, $0x3;
	v44 =	vshll.u32 v50, v1;
	v50 =	vld [tilespmem:s28+$0xFFFFFE40];
	v0 =	vmul.f32 $8.000000000e+00, v60  }
0x118: {  	v10 =	vmov v11;
	v11 =	vmov v63;
	v63 =	vadd.s32 v25, v35;
	v56 =	vld [tilespmem:s28+$0x0]  }
0x119: {  	v53 =	vadd.s32 v4, v41;
	v4 =	vld [tilespmem:$0x1FEC0];
	[tilespmem:v54+s22+$0x0] =	vst.idx.msk $0xffff, v0  }
0x11a: {  	v0 =	vld [tilespmem:$0x1FF90]  }
0x11b: {  	v52 =	vld [tilespmem:s28+$0xFFFFFE80];
	v2 =	vmul.f32 $8.000000000e+00, v61  }
0x11c: {  	v49 =	vld [tilespmem:s28+$0xFFFFFEC0]  }
0x11d: {  	v54 =	vld [tilespmem:s28+$0xFFFFFF00];
	[tilespmem:v63+s22+$0x0] =	vst.idx.msk $0xffff, v2  }
0x11e: {  	v8 =	vmov v9;
	v47 =	vshrl.u32 v47, $0x3;
	v55 =	vadd.s32 v29, v33;
	v9 =	vld [tilespmem:$0x1FF30]  }
0x11f: {  	v19 =	vmovc v3;
	v47 =	vshll.u32 v47, v1;
	v51 =	vadd.s32 v58, v34;
	v41 =	vadd.s32 v0, v27;
	v27 =	vld [tilespmem:$0x1FF50]  }
0x120: {  	v14 =	vmovc v17;
	v46 =	vshll.u32 v46, v1;
	v45 =	vshll.u32 v57, v1;
	v43 =	vshll.u32 v59, v1;
	v6 =	vld [tilespmem:$0x1FF70]  }
0x121: {  	s30 =	simm.s32 $0xF;
	s29 =	simm.s32 $0x10;
	v40 =	vmul.f32 $8.000000000e+00, v40;
	v17 =	vld [tilespmem:$0x1FFA0];
	v48 =	vadd.s32 v4, v39;
	v39 =	vmul.f32 $8.000000000e+00, v62;
	v4 =	vmovc v7;
	v7 =	vmovc v58  }
.LBB2_11:
0x122: {  	v0 =	vmov s30  }
0x123: {  	v2 =	vadd.s32 v31, v37;
	v59 =	vld [tilespmem:s28+$0xFFFFFF40];
	v36 =	vadd.s32 v9, v36;
	[tilespmem:v55+s22+$0x0] =	vst.idx.msk $0xffff, v39;
	v62 =	vmul.f32 $8.000000000e+00, v56  }
0x124: {  	v35 =	vadd.s32 v27, v35;
	v0 =	vshrl.u32 v0, $0x3;
	[tilespmem:v51+s22+$0x0] =	vst.idx.msk $0xffff, v40;
	v63 =	vmul.f32 $8.000000000e+00, v50;
	v56 =	vld [tilespmem:s28+$0xFFFFFF80]  }
0x125: {  	v33 =	vadd.s32 v6, v33;
	v0 =	vshll.u32 v0, v1;
	v58 =	vld [tilespmem:s28+$0xFFFFFFC0];
	v57 =	vmul.f32 $8.000000000e+00, v52;
	s28 =	sadd.s32 $0x200, s28;
	[tilespmem:v53+s22+$0x0] =	vst.idx.msk $0xffff, v62  }
0x126: {  	v42 =	vshll.u32 v42, v1;
	v40 =	vbroadcast v0, $0x0;
	v0 =	vmul.f32 $8.000000000e+00, v49;
	[tilespmem:v48+s22+$0x0] =	vst.idx.msk $0xffff, v63;
	v53 =	vld [tilespmem:s28+$0xFFFFFFD0]  }
0x127: {  	v34 =	vadd.s32 v17, v34;
	v39 =	vmov v38;
	v60 =	vmul.f32 $8.000000000e+00, v54;
	[tilespmem:v41+s22+$0x0] =	vst.idx.msk $0xffff, v57;
	v38 =	vld [tilespmem:s28+$0xFFFFFE10]  }
0x128: {  	v61 =	vadd.s32 v19, v40;
	v41 =	vbroadcast v47, $0x0;
	[tilespmem:v2+s22+$0x0] =	vst.idx.msk $0xffff, v0;
	v0 =	vmul.f32 $8.000000000e+00, v59;
	v49 =	vld [tilespmem:s28+$0xFFFFFE50]  }
0x129: {  	v37 =	vbroadcast v44, $0x0;
	v2 =	vadd.s32 v8, v39;
	[tilespmem:v36+s22+$0x0] =	vst.idx.msk $0xffff, v60;
	v62 =	vld [tilespmem:s28+$0xFFFFFE90];
	v59 =	vmul.f32 $8.000000000e+00, v56  }
0x12a: {  	v36 =	vbroadcast v45, $0x0;
	v63 =	vld [tilespmem:s28+$0xFFFFFED0];
	v60 =	vadd.s32 v12, v41;
	[tilespmem:v35+s22+$0x0] =	vst.idx.msk $0xffff, v0;
	v0 =	vmul.f32 $8.000000000e+00, v58  }
0x12b: {  	v45 =	vadd.s32 v16, v37;
	v35 =	vbroadcast v46, $0x0;
	v56 =	vld [tilespmem:s28+$0xFFFFFF10];
	[tilespmem:v33+s22+$0x0] =	vst.idx.msk $0xffff, v59;
	v57 =	vmul.f32 $8.000000000e+00, v53  }
0x12c: {  	v58 =	vadd.s32 v24, v36;
	[tilespmem:v34+s22+$0x0] =	vst.idx.msk $0xffff, v0;
	v33 =	vbroadcast v43, $0x0;
	v38 =	vmul.f32 $8.000000000e+00, v38;
	v59 =	vld [tilespmem:s28+$0xFFFFFF50]  }
0x12d: {  	v34 =	vbroadcast v42, $0x0;
	v43 =	vadd.s32 v28, v35;
	v0 =	vmul.f32 $8.000000000e+00, v49;
	v49 =	vld [tilespmem:s28+$0xFFFFFF90];
	[tilespmem:v61+s22+$0x0] =	vst.idx.msk $0xffff, v57  }
0x12e: {  	[tilespmem:v2+s22+$0x0] =	vst.idx.msk $0xffff, v38;
	v2 =	vmul.f32 $8.000000000e+00, v62;
	v38 =	vadd.s32 v32, v33;
	v46 =	vld [tilespmem:s28+$0xFFFFFFE0]  }
0x12f: {  	[tilespmem:v60+s22+$0x0] =	vst.idx.msk $0xffff, v0;
	v0 =	vmul.f32 $8.000000000e+00, v63;
	v63 =	vadd.s32 v15, v34;
	v62 =	vld [tilespmem:s28+$0xFFFFFE20]  }
0x130: {  	v61 =	vmov s29;
	v60 =	vld [tilespmem:s28+$0xFFFFFE60];
	[tilespmem:v45+s22+$0x0] =	vst.idx.msk $0xffff, v2;
	v2 =	vmul.f32 $8.000000000e+00, v56;
	v45 =	vadd.s32 v5, v40  }
0x131: {  	v54 =	vadd.s32 v10, v39;
	v42 =	vshrl.u32 v61, $0x3;
	[tilespmem:v58+s22+$0x0] =	vst.idx.msk $0xffff, v0;
	v61 =	vld [tilespmem:s28+$0xFFFFFEA0];
	v0 =	vmul.f32 $8.000000000e+00, v59  }
0x132: {  	v53 =	vadd.s32 v14, v41;
	[tilespmem:v43+s22+$0x0] =	vst.idx.msk $0xffff, v2;
	v2 =	vmul.f32 $8.000000000e+00, v49  }
0x133: {  	v56 =	vld [tilespmem:s28+$0xFFFFFEE0];
	v49 =	vadd.s32 v18, v37;
	[tilespmem:v38+s22+$0x0] =	vst.idx.msk $0xffff, v0;
	v0 =	vmul.f32 $8.000000000e+00, v46  }
0x134: {  	v57 =	vld [tilespmem:s28+$0xFFFFFF20];
	v62 =	vmul.f32 $8.000000000e+00, v62;
	[tilespmem:v63+s22+$0x0] =	vst.idx.msk $0xffff, v2  }
0x135: {  	s31 =	sadd.s32 $0x3, s29;
	v47 =	vadd.s32 v22, v36;
	v58 =	vld [tilespmem:s28+$0xFFFFFF60];
	v63 =	vmul.f32 $8.000000000e+00, v60;
	[tilespmem:v45+s22+$0x0] =	vst.idx.msk $0xffff, v0  }
0x136: {  	s14 =	sadd.s32 $0x2, s29;
	v44 =	vmov s31;
	v60 =	vadd.s32 v26, v35;
	v59 =	vld [tilespmem:s28+$0xFFFFFFA0];
	[tilespmem:v54+s22+$0x0] =	vst.idx.msk $0xffff, v62;
	v61 =	vmul.f32 $8.000000000e+00, v61  }
0x137: {  	v52 =	vmov s14;
	s14 =	sadd.s32 $0x5, s29;
	v48 =	vadd.s32 v13, v41;
	v45 =	vadd.s32 v30, v33;
	[tilespmem:v53+s22+$0x0] =	vst.idx.msk $0xffff, v63;
	v54 =	vld [tilespmem:s28+$0xFFFFFE30]  }
0x138: {  	v38 =	vmov s14;
	v62 =	vmul.f32 $8.000000000e+00, v56;
	v53 =	vadd.s32 v4, v34;
	v55 =	vld [tilespmem:s28+$0xFFFFFE70];
	[tilespmem:v49+s22+$0x0] =	vst.idx.msk $0xffff, v61  }
0x139: {  	s31 =	sadd.s32 $0x6, s29;
	v63 =	vmul.f32 $8.000000000e+00, v57;
	v57 =	vshrl.u32 v44, $0x3;
	v44 =	vadd.s32 v11, v39;
	v56 =	vld [tilespmem:s28+$0xFFFFFEB0]  }
0x13a: {  	v2 =	vmov s31;
	v0 =	vshll.u32 v42, v1;
	v46 =	vld [tilespmem:s28+$0xFFFFFFF0];
	[tilespmem:v47+s22+$0x0] =	vst.idx.msk $0xffff, v62;
	v47 =	vmul.f32 $8.000000000e+00, v58  }
0x13b: {  	v42 =	vshrl.u32 v2, $0x3;
	v58 =	vld [tilespmem:s28+$0xFFFFFEF0];
	[tilespmem:v60+s22+$0x0] =	vst.idx.msk $0xffff, v63;
	v51 =	vmul.f32 $8.000000000e+00, v59;
	v60 =	vadd.s32 v20, v37  }
0x13c: {  	v49 =	vadd.s32 v23, v40;
	v59 =	vshrl.u32 v38, $0x3;
	v61 =	vld [tilespmem:s28+$0xFFFFFF30];
	[tilespmem:v45+s22+$0x0] =	vst.idx.msk $0xffff, v47;
	v2 =	vmul.f32 $8.000000000e+00, v54  }
0x13d: {  	v38 =	vbroadcast v0, $0x0;
	v54 =	vadd.s32 v21, v36;
	[tilespmem:v53+s22+$0x0] =	vst.idx.msk $0xffff, v51;
	v0 =	vmul.f32 $8.000000000e+00, v55  }
0x13e: {  	v62 =	vld [tilespmem:s28+$0xFFFFFF70];
	[tilespmem:v44+s22+$0x0] =	vst.idx.msk $0xffff, v2;
	v2 =	vmul.f32 $8.000000000e+00, v56  }
0x13f: {  	v45 =	vmul.f32 $8.000000000e+00, v46;
	v3 =	vld [tilespmem:s28+$0xFFFFFFB0];
	[tilespmem:v48+s22+$0x0] =	vst.idx.msk $0xffff, v0  }
0x140: {  	v0 =	vmul.f32 $8.000000000e+00, v58;
	[tilespmem:v60+s22+$0x0] =	vst.idx.msk $0xffff, v2;
	v60 =	vld [tilespmem:$0x1FFE0]  }
0x141: {  	s0 =	sadd.s32 $0x1, s29;
	s1 =	sadd.s32 $0x4, s29;
	[tilespmem:v49+s22+$0x0] =	vst.idx.msk $0xffff, v45;
	v2 =	vmul.f32 $8.000000000e+00, v61;
	v61 =	vld [tilespmem:$0x1FEC0]  }
0x142: {  	p0 =	slt.u32 s29, $0x78;
	v50 =	vmov s0;
	v43 =	vmov s1;
	v63 =	vadd.s32 v25, v35;
	[tilespmem:v54+s22+$0x0] =	vst.idx.msk $0xffff, v0;
	v0 =	vld [tilespmem:$0x1FF90]  }
.Ltmp7:
0x143: {  	v50 =	vshrl.u32 v50, $0x3;
	v52 =	vshrl.u32 v52, $0x3;
	v43 =	vshrl.u32 v43, $0x3;
	v56 =	vld [tilespmem:s28+$0x0];
	(pc) =	sbr.rel @p0 .LBB2_11-.Ltmp7, $4  }
0x144: {  	v47 =	vshll.u32 v50, v1;
	v55 =	vadd.s32 v29, v33;
	v51 =	vadd.s32 v7, v34;
	v50 =	vld [tilespmem:s28+$0xFFFFFE40]  }
0x145: {  	v46 =	vshll.u32 v43, v1;
	v43 =	vshll.u32 v59, v1;
	v44 =	vshll.u32 v52, v1;
	v52 =	vld [tilespmem:s28+$0xFFFFFE80]  }
0x146: {  	v45 =	vshll.u32 v57, v1;
	v49 =	vld [tilespmem:s28+$0xFFFFFEC0];
	v53 =	vadd.s32 v60, v40;
	v48 =	vadd.s32 v61, v39  }
0x147: {  	s30 =	sadd.s32 $0x7, s29;
	s29 =	sadd.s32 $0x8, s29;
	v54 =	vld [tilespmem:s28+$0xFFFFFF00];
	[tilespmem:v63+s22+$0x0] =	vst.idx.msk $0xffff, v2;
	v39 =	vmul.f32 $8.000000000e+00, v62;
	v40 =	vmul.f32 $8.000000000e+00, v3;
	v41 =	vadd.s32 v0, v41  }
0x148: {  	_ =	sdelay $0x3  }
0x149: {  	v0 =	vmov s30;
	v2 =	vadd.s32 v31, v37;
	v3 =	vld [tilespmem:s28+$0xFFFFFF40];
	v57 =	vmul.f32 $8.000000000e+00, v56;
	[tilespmem:v55+s22+$0x0] =	vst.idx.msk $0xffff, v39  }
0x14a: {  	v36 =	vadd.s32 v9, v36;
	v0 =	vshrl.u32 v0, $0x3;
	v58 =	vmul.f32 $8.000000000e+00, v50;
	[tilespmem:v51+s22+$0x0] =	vst.idx.msk $0xffff, v40;
	v59 =	vld [tilespmem:s28+$0xFFFFFF80]  }
0x14b: {  	v35 =	vadd.s32 v27, v35;
	v0 =	vshll.u32 v0, v1;
	v55 =	vmul.f32 $8.000000000e+00, v52;
	v51 =	vld [tilespmem:s28+$0xFFFFFFC0];
	[tilespmem:v53+s22+$0x0] =	vst.idx.msk $0xffff, v57;
	s28 =	sadd.s32 $0x200, s28  }
0x14c: {  	v33 =	vadd.s32 v6, v33;
	v37 =	vld [tilespmem:s28+$0xFFFFFFD0];
	v0 =	vbroadcast v0, $0x0;
	[tilespmem:v48+s22+$0x0] =	vst.idx.msk $0xffff, v58;
	v56 =	vmul.f32 $8.000000000e+00, v49  }
0x14d: {  	v42 =	vshll.u32 v42, v1;
	v34 =	vadd.s32 v17, v34;
	v48 =	vld [tilespmem:s28+$0xFFFFFE10];
	[tilespmem:v41+s22+$0x0] =	vst.idx.msk $0xffff, v55;
	v57 =	vmul.f32 $8.000000000e+00, v54  }
0x14e: {  	v47 =	vbroadcast v47, $0x0;
	v58 =	vld [tilespmem:s28+$0xFFFFFE50];
	v49 =	vadd.s32 v19, v0;
	[tilespmem:v2+s22+$0x0] =	vst.idx.msk $0xffff, v56;
	v2 =	vmul.f32 $8.000000000e+00, v3  }
0x14f: {  	v44 =	vbroadcast v44, $0x0;
	v39 =	vld [tilespmem:s28+$0xFFFFFE90];
	v3 =	vadd.s32 v8, v38;
	[tilespmem:v36+s22+$0x0] =	vst.idx.msk $0xffff, v57;
	v59 =	vmul.f32 $8.000000000e+00, v59  }
0x150: {  	v45 =	vbroadcast v45, $0x0;
	v60 =	vadd.s32 v12, v47;
	v61 =	vld [tilespmem:s28+$0xFFFFFED0];
	[tilespmem:v35+s22+$0x0] =	vst.idx.msk $0xffff, v2;
	v2 =	vmul.f32 $8.000000000e+00, v51  }
0x151: {  	v46 =	vbroadcast v46, $0x0;
	v35 =	vadd.s32 v16, v44;
	v51 =	vld [tilespmem:s28+$0xFFFFFF10];
	v37 =	vmul.f32 $8.000000000e+00, v37;
	[tilespmem:v33+s22+$0x0] =	vst.idx.msk $0xffff, v59  }
0x152: {  	v43 =	vbroadcast v43, $0x0;
	v36 =	vadd.s32 v24, v45;
	v63 =	vmul.f32 $8.000000000e+00, v48;
	v48 =	vld [tilespmem:s28+$0xFFFFFF50];
	[tilespmem:v34+s22+$0x0] =	vst.idx.msk $0xffff, v2  }
0x153: {  	v42 =	vbroadcast v42, $0x0;
	v41 =	vld [tilespmem:s28+$0xFFFFFF90];
	v2 =	vmul.f32 $8.000000000e+00, v58;
	v34 =	vadd.s32 v28, v46;
	[tilespmem:v49+s22+$0x0] =	vst.idx.msk $0xffff, v37  }
0x154: {  	v56 =	vadd.s32 v32, v43;
	[tilespmem:v3+s22+$0x0] =	vst.idx.msk $0xffff, v63;
	v3 =	vmul.f32 $8.000000000e+00, v39;
	v37 =	vld [tilespmem:s28+$0xFFFFFFE0]  }
0x155: {  	v40 =	vadd.s32 v15, v42;
	v57 =	vld [tilespmem:s28+$0xFFFFFE20];
	[tilespmem:v60+s22+$0x0] =	vst.idx.msk $0xffff, v2;
	v2 =	vmul.f32 $8.000000000e+00, v61  }
0x156: {  	v49 =	vld [tilespmem:s28+$0xFFFFFE60];
	[tilespmem:v35+s22+$0x0] =	vst.idx.msk $0xffff, v3;
	v3 =	vmul.f32 $8.000000000e+00, v51;
	v35 =	vadd.s32 v5, v0  }
0x157: {  	v50 =	vadd.s32 v10, v38;
	v51 =	vld [tilespmem:s28+$0xFFFFFEA0];
	[tilespmem:v36+s22+$0x0] =	vst.idx.msk $0xffff, v2;
	v2 =	vmul.f32 $8.000000000e+00, v48  }
0x158: {  	v36 =	vadd.s32 v14, v47;
	v61 =	vld [tilespmem:s28+$0xFFFFFEE0];
	[tilespmem:v34+s22+$0x0] =	vst.idx.msk $0xffff, v3;
	v3 =	vmul.f32 $8.000000000e+00, v41  }
0x159: {  	v34 =	vadd.s32 v18, v44;
	v41 =	vld [tilespmem:s28+$0xFFFFFF20];
	[tilespmem:v56+s22+$0x0] =	vst.idx.msk $0xffff, v2;
	v2 =	vmul.f32 $8.000000000e+00, v37  }
0x15a: {  	v63 =	vmul.f32 $8.000000000e+00, v57;
	v37 =	vadd.s32 v22, v45;
	v39 =	vld [tilespmem:s28+$0xFFFFFF60];
	[tilespmem:v40+s22+$0x0] =	vst.idx.msk $0xffff, v3  }
0x15b: {  	v40 =	vadd.s32 v26, v46;
	v3 =	vmul.f32 $8.000000000e+00, v49;
	v49 =	vld [tilespmem:s28+$0xFFFFFFA0];
	[tilespmem:v35+s22+$0x0] =	vst.idx.msk $0xffff, v2  }
0x15c: {  	v56 =	vadd.s32 v30, v43;
	[tilespmem:v50+s22+$0x0] =	vst.idx.msk $0xffff, v63;
	v2 =	vmul.f32 $8.000000000e+00, v51;
	v35 =	vld [tilespmem:s28+$0xFFFFFFF0]  }
0x15d: {  	v50 =	vld [tilespmem:s28+$0xFFFFFE30];
	[tilespmem:v36+s22+$0x0] =	vst.idx.msk $0xffff, v3;
	v3 =	vmul.f32 $8.000000000e+00, v61;
	v36 =	vadd.s32 v4, v42  }
0x15e: {  	v48 =	vld [tilespmem:s28+$0xFFFFFE70];
	[tilespmem:v34+s22+$0x0] =	vst.idx.msk $0xffff, v2;
	v2 =	vmul.f32 $8.000000000e+00, v41;
	v34 =	vadd.s32 v23, v0  }
0x15f: {  	v41 =	vadd.s32 v11, v38;
	v51 =	vld [tilespmem:s28+$0xFFFFFEB0];
	[tilespmem:v37+s22+$0x0] =	vst.idx.msk $0xffff, v3;
	v3 =	vmul.f32 $8.000000000e+00, v39  }
0x160: {  	v37 =	vadd.s32 v13, v47;
	[tilespmem:v40+s22+$0x0] =	vst.idx.msk $0xffff, v2;
	v2 =	vmul.f32 $8.000000000e+00, v49  }
0x161: {  	v40 =	vadd.s32 v20, v44;
	[tilespmem:v56+s22+$0x0] =	vst.idx.msk $0xffff, v3;
	v3 =	vmul.f32 $8.000000000e+00, v35  }
0x162: {  	v56 =	vmul.f32 $8.000000000e+00, v50;
	[tilespmem:v36+s22+$0x0] =	vst.idx.msk $0xffff, v2  }
0x163: {  	v2 =	vmul.f32 $8.000000000e+00, v48;
	[tilespmem:v34+s22+$0x0] =	vst.idx.msk $0xffff, v3  }
0x164: {  	[tilespmem:v41+s22+$0x0] =	vst.idx.msk $0xffff, v56;
	v3 =	vmul.f32 $8.000000000e+00, v51  }
0x165: {  	[tilespmem:v37+s22+$0x0] =	vst.idx.msk $0xffff, v2  }
0x166: {  	[tilespmem:v40+s22+$0x0] =	vst.idx.msk $0xffff, v3  }
0x167: {  	v61 =	vmov v4;
	v4 =	vld [tilespmem:$0x1FFE0];
	_ =	sdelay $0x1  }
0x168: {  	v39 =	vld [tilespmem:s28+$0xFFFFFEF0];
	_ =	sdelay $0x1  }
0x169: {  	v35 =	vadd.s32 v21, v45  }
0x16a: {  	v0 =	vadd.s32 v4, v0;
	v4 =	vld [tilespmem:$0x1FEC0];
	_ =	sdelay $0x1  }
0x16b: {  	v49 =	vld [tilespmem:s28+$0xFFFFFF30];
	v2 =	vmul.f32 $8.000000000e+00, v39  }
0x16c: {  	v54 =	vmov v16;
	v16 =	vmov v20;
	v63 =	vld [tilespmem:s28+$0xFFFFFF70]  }
0x16d: {  	v33 =	vadd.s32 v29, v43;
	v20 =	vmov v25;
	v36 =	vadd.s32 v25, v46;
	v48 =	vld [tilespmem:s28+$0xFFFFFFB0];
	[tilespmem:v35+s22+$0x0] =	vst.idx.msk $0xffff, v2  }
0x16e: {  	v25 =	vmovc v29;
	v29 =	vmovc v7;
	v51 =	vadd.s32 v7, v42;
	v7 =	vmov v4;
	v38 =	vadd.s32 v4, v38;
	v4 =	vld [tilespmem:$0x1FF90]  }
0x16f: {  	v34 =	vld [tilespmem:s28+$0x0]  }
0x170: {  	v41 =	vld [tilespmem:s28+$0xFFFFFE40]  }
0x171: {  	v56 =	vld [tilespmem:s28+$0xFFFFFE80];
	v3 =	vmul.f32 $8.000000000e+00, v49  }
0x172: {  	v40 =	vld [tilespmem:s28+$0xFFFFFEC0];
	v2 =	vmul.f32 $8.000000000e+00, v63  }
0x173: {  	v63 =	vld [tilespmem:s28+$0xFFFFFF00];
	[tilespmem:v36+s22+$0x0] =	vst.idx.msk $0xffff, v3;
	v3 =	vmul.f32 $8.000000000e+00, v48;
	v35 =	vadd.s32 v4, v47  }
0x174: {  	v36 =	vadd.s32 v31, v44;
	[tilespmem:v33+s22+$0x0] =	vst.idx.msk $0xffff, v2;
	v2 =	vmul.f32 $8.000000000e+00, v34;
	v44 =	vld [tilespmem:s28+$0xFFFFFF40]  }
0x175: {  	v49 =	vadd.s32 v9, v45;
	v48 =	vmul.f32 $8.000000000e+00, v41;
	v50 =	vld [tilespmem:s28+$0xFFFFFF80];
	[tilespmem:v51+s22+$0x0] =	vst.idx.msk $0xffff, v3  }
0x176: {  	v3 =	vmul.f32 $8.000000000e+00, v56;
	v51 =	vadd.s32 v27, v46;
	[tilespmem:v0+s22+$0x0] =	vst.idx.msk $0xffff, v2;
	v56 =	vld [tilespmem:s28+$0xFFFFFFC0]  }
0x177: {  	v0 =	vmul.f32 $8.000000000e+00, v40;
	v2 =	vadd.s32 v6, v43;
	[tilespmem:v38+s22+$0x0] =	vst.idx.msk $0xffff, v48  }
0x178: {  	[tilespmem:v35+s22+$0x0] =	vst.idx.msk $0xffff, v3;
	v3 =	vmul.f32 $8.000000000e+00, v63;
	v63 =	vadd.s32 v17, v42  }
0x179: {  	[tilespmem:v36+s22+$0x0] =	vst.idx.msk $0xffff, v0;
	v0 =	vmul.f32 $8.000000000e+00, v44  }
0x17a: {  	[tilespmem:v49+s22+$0x0] =	vst.idx.msk $0xffff, v3;
	v3 =	vmul.f32 $8.000000000e+00, v50  }
0x17b: {  	[tilespmem:v51+s22+$0x0] =	vst.idx.msk $0xffff, v0;
	v0 =	vmul.f32 $8.000000000e+00, v56  }
0x17c: {  	[tilespmem:v2+s22+$0x0] =	vst.idx.msk $0xffff, v3  }
0x17d: {  	s0 =	sadd.s32 s26, s7;
	s1 =	simm.s32 $0x10600;
	[tilespmem:v63+s22+$0x0] =	vst.idx.msk $0xffff, v0  }
0x17e: {  	[hbm4b:s0+s3] =	stream.linear.scatter [tilespmem:s1], [sflag:$0x2], $0x80, $0x38;
	[tilespmem:$0x12800] =	vst v63  }
0x17f: {  	s14 =	sadd.s32 $0x10, s0;
	s1 =	simm.s32 $0x10688  }
0x180: {  	[hbm4b:s14+s3] =	stream.linear.scatter [tilespmem:s1], [sflag:$0x2], $0x80, $0x38;
	[tilespmem:$0x12800] =	vst v63  }
0x181: {  	s1 =	simm.s32 $0x10710;
	s14 =	sadd.s32 $0x20, s0  }
0x182: {  	[hbm4b:s14+s3] =	stream.linear.scatter [tilespmem:s1], [sflag:$0x2], $0x80, $0x38;
	[tilespmem:$0x12800] =	vst v63  }
0x183: {  	s1 =	simm.s32 $0x10798;
	s14 =	sadd.s32 $0x30, s0  }
0x184: {  	[hbm4b:s14+s3] =	stream.linear.scatter [tilespmem:s1], [sflag:$0x2], $0x80, $0x38;
	[tilespmem:$0x12800] =	vst v63  }
0x185: {  	s1 =	simm.s32 $0x10820;
	s14 =	sadd.s32 $0x40, s0  }
0x186: {  	[hbm4b:s14+s3] =	stream.linear.scatter [tilespmem:s1], [sflag:$0x2], $0x80, $0x38;
	[tilespmem:$0x12800] =	vst v63  }
0x187: {  	s30 =	simm.s32 $0x2200;
	s1 =	simm.s32 $0x108A8;
	s14 =	sadd.s32 $0x50, s0  }
0x188: {  	v62 =	vmov v19;
	v52 =	vmov v8;
	[hbm4b:s14+s3] =	stream.linear.scatter [tilespmem:s1], [sflag:$0x2], $0x80, $0x38;
	[tilespmem:$0x12800] =	vst v63  }
0x189: {  	s31 =	simm.s32 $0x109B8;
	v53 =	vmovc v10;
	v10 =	vmovc v14;
	v8 =	vmov v12;
	v12 =	vmov v13;
	v55 =	vmov v24;
	s1 =	simm.s32 $0x10930;
	s14 =	sadd.s32 $0x60, s0  }
0x18a: {  	v24 =	vmovc v26;
	v58 =	vmovc v28;
	v28 =	vmov v30;
	v59 =	vmov v32;
	v60 =	vmov v15;
	[hbm4b:s14+s3] =	stream.linear.scatter [tilespmem:s1], [sflag:$0x2], $0x80, $0x38;
	[tilespmem:$0x12800] =	vst v63  }
0x18b: {  	s29 =	sadd.s32 $0x1000, s0;
	v15 =	vmovc v18;
	v5 =	vmovc v11;
	v18 =	vmov v21;
	v57 =	vmov v22;
	v9 =	vmov v23;
	s28 =	simm.s32 $0x440;
	s1 =	sadd.s32 $0x70, s0  }
.LBB2_13:
0x18c: {  	[hbm4b:s1+s3] =	stream.linear.scatter [tilespmem:s31], [sflag:$0x2], $0x80, $0x38;
	[tilespmem:$0x12800] =	vst v63  }
0x18d: {  	s0 =	smov.u32 s28;
	s1 =	smov.u32 s30  }
0x18e: {  	s14 =	sadd.s32 $0x1100, s30;
	s28 =	sshra.s32 s1, $0x2;
	s1 =	sadd.s32 $0x10600, s0  }
0x18f: {  	[hbm4b:s29+s3] =	stream.linear.scatter [tilespmem:s1], [sflag:$0x2], $0x80, $0x38;
	[tilespmem:$0x12800] =	vst v63  }
0x190: {  	p0 =	sne.s32 s30, $0x7700;
	s30 =	sadd.s32 $0x10, s29;
	s1 =	sadd.s32 $0x10688, s0  }
0x191: {  	[hbm4b:s30+s3] =	stream.linear.scatter [tilespmem:s1], [sflag:$0x2], $0x80, $0x38;
	[tilespmem:$0x12800] =	vst v63  }
0x192: {  	s1 =	sadd.s32 $0x10710, s0;
	s30 =	sadd.s32 $0x20, s29  }
0x193: {  	[hbm4b:s30+s3] =	stream.linear.scatter [tilespmem:s1], [sflag:$0x2], $0x80, $0x38;
	[tilespmem:$0x12800] =	vst v63  }
0x194: {  	s1 =	sadd.s32 $0x10798, s0;
	s30 =	sadd.s32 $0x30, s29  }
0x195: {  	[hbm4b:s30+s3] =	stream.linear.scatter [tilespmem:s1], [sflag:$0x2], $0x80, $0x38;
	[tilespmem:$0x12800] =	vst v63  }
0x196: {  	s1 =	sadd.s32 $0x10820, s0;
	s30 =	sadd.s32 $0x40, s29  }
0x197: {  	[hbm4b:s30+s3] =	stream.linear.scatter [tilespmem:s1], [sflag:$0x2], $0x80, $0x38;
	[tilespmem:$0x12800] =	vst v63  }
.Ltmp8:
0x198: {  	s1 =	sadd.s32 $0x108A8, s0;
	s30 =	sadd.s32 $0x50, s29;
	(pc) =	sbr.rel @p0 .LBB2_13-.Ltmp8, $4  }
0x199: {  	[hbm4b:s30+s3] =	stream.linear.scatter [tilespmem:s1], [sflag:$0x2], $0x80, $0x38;
	[tilespmem:$0x12800] =	vst v63  }
0x19a: {  	s31 =	sadd.s32 $0x109B8, s0;
	s1 =	sadd.s32 $0x10930, s0;
	s30 =	sadd.s32 $0x60, s29  }
0x19b: {  	[hbm4b:s30+s3] =	stream.linear.scatter [tilespmem:s1], [sflag:$0x2], $0x80, $0x38;
	[tilespmem:$0x12800] =	vst v63  }
0x19c: {  	s1 =	sadd.s32 $0x70, s29;
	s29 =	sadd.s32 $0x1000, s29;
	s30 =	smov.u32 s14  }
0x19d: {  	[hbm4b:s1+s3] =	stream.linear.scatter [tilespmem:s31], [sflag:$0x2], $0x80, $0x38;
	[tilespmem:$0x12800] =	vst v63  }
0x19e: {  	s0 =	sadd.s32 $0x10600, s28  }
0x19f: {  	[hbm4b:s29+s3] =	stream.linear.scatter [tilespmem:s0], [sflag:$0x2], $0x80, $0x38;
	[tilespmem:$0x12800] =	vst v63  }
0x1a0: {  	s1 =	sadd.s32 $0x10688, s28;
	s14 =	sadd.s32 $0x10, s29  }
0x1a1: {  	[hbm4b:s14+s3] =	stream.linear.scatter [tilespmem:s1], [sflag:$0x2], $0x80, $0x38;
	[tilespmem:$0x12800] =	vst v63  }
0x1a2: {  	s1 =	sadd.s32 $0x10710, s28;
	s14 =	sadd.s32 $0x20, s29  }
0x1a3: {  	[hbm4b:s14+s3] =	stream.linear.scatter [tilespmem:s1], [sflag:$0x2], $0x80, $0x38;
	[tilespmem:$0x12800] =	vst v63  }
0x1a4: {  	s1 =	sadd.s32 $0x10798, s28;
	s14 =	sadd.s32 $0x30, s29  }
0x1a5: {  	[hbm4b:s14+s3] =	stream.linear.scatter [tilespmem:s1], [sflag:$0x2], $0x80, $0x38;
	[tilespmem:$0x12800] =	vst v63  }
0x1a6: {  	s1 =	sadd.s32 $0x10820, s28;
	s14 =	sadd.s32 $0x40, s29  }
0x1a7: {  	[hbm4b:s14+s3] =	stream.linear.scatter [tilespmem:s1], [sflag:$0x2], $0x80, $0x38;
	[tilespmem:$0x12800] =	vst v63  }
0x1a8: {  	s1 =	sadd.s32 $0x108A8, s28;
	s14 =	sadd.s32 $0x50, s29  }
0x1a9: {  	[hbm4b:s14+s3] =	stream.linear.scatter [tilespmem:s1], [sflag:$0x2], $0x80, $0x38;
	[tilespmem:$0x12800] =	vst v63  }
0x1aa: {  	p0 =	seq.s32 s24, $0x31;
	s1 =	sadd.s32 $0x10930, s28;
	s14 =	sadd.s32 $0x60, s29  }
0x1ab: {  	[hbm4b:s14+s3] =	stream.linear.scatter [tilespmem:s1], [sflag:$0x2], $0x80, $0x38;
	[tilespmem:$0x12800] =	vst v63  }
0x1ac: {  	s1 =	sadd.s32 $0x109B8, s28;
	s14 =	sadd.s32 $0x70, s29;
	s28 =	sshrl.u32 @!p0 s25, $0x2  }
0x1ad: {  	[hbm4b:s14+s3] =	stream.linear.scatter [tilespmem:s1], [sflag:$0x2], $0x80, $0x38;
	[tilespmem:$0x12800] =	vst v63  }
0x1ae: {  	s0 =	sadd.s32 @!p0 $0x280, s28;
	s1 =	simm.s32 @!p0 $0x80;
	s14 =	simm.s32 @!p0 $0x8400  }
0x1af: {  	[tilespmem:s14], [sflag:$0x1] =	stream.indirect.gather @!p0 [hbm4b:s4+s1], $0x40, s0, s1, $0xb8;
	[tilespmem:$0x12800] =	vst v63  }
0x1b0: {  	s1 =	simm.s32 $0x2;
	_ =	swait.ge [sflag:s19], $0x2000  }
0x1b1: {  	v3 =	vmov s1;
	s1 =	simm.s32 $0x5;
	[sflag:s19] =	ssyncset.done $0x0  }
0x1b2: {  	s14 =	simm.s32 $0x0;
	v35 =	vmov s1;
	s1 =	simm.s32 $0x7;
	[sflag:s19] =	ssyncadd.s32 $0xFFFFE000  }
0x1b3: {  	v0 =	vmov s14;
	v37 =	vmov s1;
	_ =	swait.ge [sflag:s21], $0x2000  }
0x1b4: {  	s0 =	simm.s32 $0x1;
	v0 =	vshrl.u32 v0, $0x3;
	v37 =	vshrl.u32 v37, $0x3;
	[sflag:s21] =	ssyncset.done $0x0  }
0x1b5: {  	s29 =	simm.s32 $0xA5F0;
	v2 =	vmov s0;
	v0 =	vshll.u32 v0, v1;
	v37 =	vshll.u32 v37, v1;
	[sflag:s21] =	ssyncadd.s32 $0xFFFFE000  }
0x1b6: {  	v2 =	vshrl.u32 v2, $0x3;
	v39 =	vbroadcast v0, $0x0;
	v41 =	vbroadcast v37, $0x0;
	v0 =	vld [tilespmem:s29+$0xFFFFFFD0]  }
0x1b7: {  	v3 =	vshrl.u32 v3, $0x3;
	v2 =	vshll.u32 v2, v1;
	v38 =	vld [tilespmem:s29+$0xFFFFFE10]  }
0x1b8: {  	s14 =	simm.s32 $0x3;
	v3 =	vshll.u32 v3, v1;
	v21 =	vbroadcast v2, $0x0;
	v42 =	vld [tilespmem:s29+$0xFFFFFE50];
	v2 =	vadd.s32 v62, v41  }
0x1b9: {  	s0 =	simm.s32 $0x4;
	v33 =	vmov s14;
	s14 =	simm.s32 $0x6;
	v44 =	vadd.s32 v52, v39;
	v37 =	vbroadcast v3, $0x0;
	v45 =	vld [tilespmem:s29+$0xFFFFFE90]  }
0x1ba: {  	v34 =	vmov s0;
	v36 =	vmov s14;
	v46 =	vadd.s32 v8, v21  }
0x1bb: {  	v33 =	vshrl.u32 v33, $0x3;
	v48 =	vadd.s32 v54, v37;
	v0 =	vmul.f32 $8.000000000e+00, v0  }
0x1bc: {  	v34 =	vshrl.u32 v34, $0x3;
	v35 =	vshrl.u32 v35, $0x3;
	v38 =	vmul.f32 $8.000000000e+00, v38  }
0x1bd: {  	v36 =	vshrl.u32 v36, $0x3;
	v34 =	vshll.u32 v34, v1;
	v47 =	vld [tilespmem:s29+$0xFFFFFED0];
	v42 =	vmul.f32 $8.000000000e+00, v42;
	[tilespmem:v2+s20+$0x0] =	vst.idx.msk $0xffff, v0  }
0x1be: {  	v43 =	vshll.u32 v35, v1;
	v35 =	vbroadcast v34, $0x0;
	v49 =	vld [tilespmem:s29+$0xFFFFFF10];
	[tilespmem:v44+s20+$0x0] =	vst.idx.msk $0xffff, v38;
	v2 =	vmul.f32 $8.000000000e+00, v45  }
0x1bf: {  	v33 =	vshll.u32 v33, v1;
	v3 =	vshll.u32 v36, v1;
	v51 =	vld [tilespmem:s29+$0xFFFFFF50];
	[tilespmem:v46+s20+$0x0] =	vst.idx.msk $0xffff, v42  }
0x1c0: {  	v22 =	vmovc v58;
	v36 =	vbroadcast v33, $0x0;
	v33 =	vbroadcast v43, $0x0;
	v43 =	vadd.s32 v58, v35;
	v58 =	vld [tilespmem:s29+$0xFFFFFF90];
	[tilespmem:v48+s20+$0x0] =	vst.idx.msk $0xffff, v2  }
0x1c1: {  	v34 =	vbroadcast v3, $0x0;
	v6 =	vld [tilespmem:$0x1FFC0]  }
0x1c2: {  	v50 =	vadd.s32 v55, v36  }
0x1c3: {  	v32 =	vmov v62;
	v30 =	vmov v60;
	v60 =	vadd.s32 v60, v34;
	v62 =	vld [tilespmem:s29+$0xFFFFFE60]  }
0x1c4: {  	v3 =	vadd.s32 v59, v33;
	v38 =	vld [tilespmem:s29+$0xFFFFFFE0];
	v2 =	vmul.f32 $8.000000000e+00, v49  }
0x1c5: {  	v26 =	vmovc v59;
	v59 =	vmul.f32 $8.000000000e+00, v47;
	v63 =	vmul.f32 $8.000000000e+00, v51;
	v51 =	vadd.s32 v10, v21;
	v44 =	vld [tilespmem:s29+$0xFFFFFE20]  }
0x1c6: {  	[tilespmem:v43+s20+$0x0] =	vst.idx.msk $0xffff, v2;
	v2 =	vmul.f32 $8.000000000e+00, v58;
	v48 =	vadd.s32 v6, v41  }
0x1c7: {  	v14 =	vmov v54;
	v54 =	vld [tilespmem:s29+$0xFFFFFEA0];
	[tilespmem:v50+s20+$0x0] =	vst.idx.msk $0xffff, v59;
	v6 =	vmov v53;
	v53 =	vadd.s32 v53, v39  }
0x1c8: {  	v13 =	vmov v55;
	s14 =	simm.s32 $0x8;
	v55 =	vld [tilespmem:s29+$0xFFFFFEE0];
	[tilespmem:v60+s20+$0x0] =	vst.idx.msk $0xffff, v2;
	v60 =	vmul.f32 $8.000000000e+00, v62  }
0x1c9: {  	v4 =	vmovc v52;
	s1 =	simm.s32 $0x9;
	v52 =	vadd.s32 v15, v37;
	v0 =	vmov s14;
	[tilespmem:v3+s20+$0x0] =	vst.idx.msk $0xffff, v63;
	v56 =	vld [tilespmem:s29+$0xFFFFFF20];
	v3 =	vmul.f32 $8.000000000e+00, v38  }
0x1ca: {  	v19 =	vmovc v57;
	v46 =	vmov s1;
	v42 =	vmul.f32 $8.000000000e+00, v44;
	v44 =	vadd.s32 v57, v36;
	v57 =	vld [tilespmem:s29+$0xFFFFFF60];
	[tilespmem:v51+s20+$0x0] =	vst.idx.msk $0xffff, v60  }
0x1cb: {  	s14 =	simm.s32 $0xA;
	v45 =	vadd.s32 v12, v21;
	v0 =	vshrl.u32 v0, $0x3;
	v62 =	vadd.s32 v24, v35;
	v63 =	vld [tilespmem:s29+$0xFFFFFFA0];
	[tilespmem:v48+s20+$0x0] =	vst.idx.msk $0xffff, v3  }
0x1cc: {  	v49 =	vmov s14;
	[tilespmem:v53+s20+$0x0] =	vst.idx.msk $0xffff, v42;
	v3 =	vmul.f32 $8.000000000e+00, v54;
	v42 =	vadd.s32 v28, v33;
	v54 =	vld [tilespmem:s29+$0xFFFFFE70]  }
0x1cd: {  	s1 =	simm.s32 $0xB;
	s14 =	simm.s32 $0xC;
	v0 =	vshll.u32 v0, v1;
	v51 =	vadd.s32 v61, v34;
	v40 =	vmul.f32 $8.000000000e+00, v55;
	v48 =	vld [tilespmem:s29+$0xFFFFFFF0]  }
0x1ce: {  	v50 =	vmov s1;
	v43 =	vmov s14;
	v53 =	vld [tilespmem:s29+$0xFFFFFE30];
	[tilespmem:v52+s20+$0x0] =	vst.idx.msk $0xffff, v3;
	v3 =	vmul.f32 $8.000000000e+00, v56  }
0x1cf: {  	s1 =	simm.s32 $0xD;
	v59 =	vshrl.u32 v50, $0x3;
	[tilespmem:v44+s20+$0x0] =	vst.idx.msk $0xffff, v40;
	v44 =	vmul.f32 $8.000000000e+00, v57;
	v52 =	vadd.s32 v9, v41  }
0x1d0: {  	v50 =	vadd.s32 v5, v39;
	v38 =	vmov s1;
	v55 =	vld [tilespmem:s29+$0xFFFFFEB0];
	[tilespmem:v62+s20+$0x0] =	vst.idx.msk $0xffff, v3;
	v3 =	vmul.f32 $8.000000000e+00, v63  }
0x1d1: {  	s14 =	simm.s32 $0xE;
	v58 =	vshrl.u32 v38, $0x3;
	v38 =	vbroadcast v0, $0x0;
	v57 =	vld [tilespmem:s29+$0xFFFFFEF0];
	[tilespmem:v42+s20+$0x0] =	vst.idx.msk $0xffff, v44;
	v0 =	vmul.f32 $8.000000000e+00, v54  }
0x1d2: {  	v31 =	vmovc v61;
	v2 =	vmov s14;
	v60 =	vadd.s32 v16, v37;
	v61 =	vld [tilespmem:s29+$0xFFFFFF30];
	v56 =	vmul.f32 $8.000000000e+00, v48;
	[tilespmem:v51+s20+$0x0] =	vst.idx.msk $0xffff, v3  }
0x1d3: {  	v42 =	vshrl.u32 v2, $0x3;
	v2 =	vmul.f32 $8.000000000e+00, v53;
	v63 =	vld [tilespmem:s29+$0xFFFFFF70];
	[tilespmem:v45+s20+$0x0] =	vst.idx.msk $0xffff, v0  }
0x1d4: {  	v62 =	vadd.s32 v18, v36;
	v40 =	vld [tilespmem:s29+$0xFFFFFFB0];
	[tilespmem:v52+s20+$0x0] =	vst.idx.msk $0xffff, v56  }
0x1d5: {  	[tilespmem:v50+s20+$0x0] =	vst.idx.msk $0xffff, v2;
	v2 =	vmul.f32 $8.000000000e+00, v55;
	v52 =	vld [tilespmem:s29+$0xFFFFFE80]  }
0x1d6: {  	v3 =	vadd.s32 v20, v35;
	v56 =	vld [tilespmem:s29+$0x0]  }
0x1d7: {  	v11 =	vmov v10;
	v0 =	vmul.f32 $8.000000000e+00, v57;
	v50 =	vld [tilespmem:s29+$0xFFFFFE40];
	[tilespmem:v60+s20+$0x0] =	vst.idx.msk $0xffff, v2  }
0x1d8: {  	v10 =	vmovc v18;
	v49 =	vshrl.u32 v49, $0x3;
	v18 =	vmovc v25;
	v55 =	vadd.s32 v25, v33;
	v25 =	vmov v9;
	v9 =	vld [tilespmem:$0x1FFE0]  }
0x1d9: {  	v44 =	vshll.u32 v49, v1;
	v2 =	vmul.f32 $8.000000000e+00, v61;
	v49 =	vld [tilespmem:s29+$0xFFFFFEC0];
	[tilespmem:v62+s20+$0x0] =	vst.idx.msk $0xffff, v0  }
0x1da: {  	v17 =	vmov v20;
	v20 =	vld [tilespmem:$0x1FF90]  }
0x1db: {  	v54 =	vld [tilespmem:s29+$0xFFFFFF00];
	[tilespmem:v3+s20+$0x0] =	vst.idx.msk $0xffff, v2  }
0x1dc: {  	v46 =	vshrl.u32 v46, $0x3;
	v43 =	vshrl.u32 v43, $0x3;
	v51 =	vadd.s32 v29, v34;
	v29 =	vld [tilespmem:$0x1FF10]  }
0x1dd: {  	v23 =	vmovc v24;
	v27 =	vmovc v28;
	v47 =	vshll.u32 v46, v1;
	v46 =	vshll.u32 v43, v1;
	v24 =	vmov v17;
	v17 =	vld [tilespmem:$0x1FF50]  }
0x1de: {  	v43 =	vshll.u32 v58, v1;
	v28 =	vmovc v18;
	v48 =	vadd.s32 v7, v39;
	v53 =	vadd.s32 v9, v41;
	v9 =	vld [tilespmem:$0x1FF30]  }
0x1df: {  	v7 =	vmovc v6;
	v6 =	vmovc v4;
	v45 =	vshll.u32 v59, v1;
	v18 =	vmov v13;
	v39 =	vmul.f32 $8.000000000e+00, v63;
	v13 =	vld [tilespmem:$0x1FF70]  }
0x1e0: {  	s31 =	simm.s32 $0xF;
	s30 =	simm.s32 $0x10;
	v40 =	vmul.f32 $8.000000000e+00, v40;
	v41 =	vadd.s32 v20, v21;
	v20 =	vmovc v10;
	v10 =	vmovc v8;
	v8 =	vmov v5;
	v21 =	vld [tilespmem:$0x1FFA0]  }
.LBB2_15:
0x1e1: {  	_ = 	snop  }
0x1e2: {  	v0 =	vmov s31;
	v3 =	vld [tilespmem:s29+$0xFFFFFF40]  }
0x1e3: {  	v2 =	vadd.s32 v29, v37;
	v36 =	vadd.s32 v9, v36;
	v4 =	vld [tilespmem:$0x1FFC0];
	[tilespmem:v55+s20+$0x0] =	vst.idx.msk $0xffff, v39;
	v63 =	vmul.f32 $8.000000000e+00, v56  }
0x1e4: {  	v35 =	vadd.s32 v17, v35;
	v0 =	vshrl.u32 v0, $0x3;
	[tilespmem:v51+s20+$0x0] =	vst.idx.msk $0xffff, v40;
	v57 =	vld [tilespmem:s29+$0xFFFFFF80];
	v56 =	vmul.f32 $8.000000000e+00, v50  }
0x1e5: {  	v33 =	vadd.s32 v13, v33;
	v0 =	vshll.u32 v0, v1;
	v59 =	vld [tilespmem:s29+$0xFFFFFFC0];
	s29 =	sadd.s32 $0x200, s29;
	v58 =	vmul.f32 $8.000000000e+00, v52;
	[tilespmem:v53+s20+$0x0] =	vst.idx.msk $0xffff, v63  }
0x1e6: {  	v42 =	vshll.u32 v42, v1;
	v40 =	vbroadcast v0, $0x0;
	v0 =	vmul.f32 $8.000000000e+00, v49;
	[tilespmem:v48+s20+$0x0] =	vst.idx.msk $0xffff, v56;
	v53 =	vld [tilespmem:s29+$0xFFFFFFD0]  }
0x1e7: {  	v34 =	vadd.s32 v21, v34;
	v39 =	vmov v38;
	v61 =	vmul.f32 $8.000000000e+00, v54;
	[tilespmem:v41+s20+$0x0] =	vst.idx.msk $0xffff, v58;
	v38 =	vld [tilespmem:s29+$0xFFFFFE10]  }
0x1e8: {  	v41 =	vbroadcast v47, $0x0;
	v63 =	vadd.s32 v32, v40;
	[tilespmem:v2+s20+$0x0] =	vst.idx.msk $0xffff, v0;
	v0 =	vmul.f32 $8.000000000e+00, v3;
	v62 =	vld [tilespmem:s29+$0xFFFFFE50]  }
0x1e9: {  	v37 =	vbroadcast v44, $0x0;
	v2 =	vadd.s32 v6, v39;
	[tilespmem:v36+s20+$0x0] =	vst.idx.msk $0xffff, v61;
	v3 =	vld [tilespmem:s29+$0xFFFFFE90];
	v60 =	vmul.f32 $8.000000000e+00, v57  }
0x1ea: {  	v36 =	vbroadcast v45, $0x0;
	v61 =	vld [tilespmem:s29+$0xFFFFFED0];
	v48 =	vadd.s32 v10, v41;
	[tilespmem:v35+s20+$0x0] =	vst.idx.msk $0xffff, v0;
	v0 =	vmul.f32 $8.000000000e+00, v59  }
0x1eb: {  	v45 =	vadd.s32 v14, v37;
	v35 =	vbroadcast v46, $0x0;
	v51 =	vld [tilespmem:s29+$0xFFFFFF10];
	[tilespmem:v33+s20+$0x0] =	vst.idx.msk $0xffff, v60;
	v56 =	vmul.f32 $8.000000000e+00, v53  }
0x1ec: {  	v44 =	vadd.s32 v18, v36;
	v33 =	vbroadcast v43, $0x0;
	v57 =	vld [tilespmem:s29+$0xFFFFFF50];
	[tilespmem:v34+s20+$0x0] =	vst.idx.msk $0xffff, v0;
	v38 =	vmul.f32 $8.000000000e+00, v38  }
0x1ed: {  	v58 =	vadd.s32 v22, v35;
	v34 =	vbroadcast v42, $0x0;
	v59 =	vld [tilespmem:s29+$0xFFFFFF90];
	v0 =	vmul.f32 $8.000000000e+00, v62;
	[tilespmem:v63+s20+$0x0] =	vst.idx.msk $0xffff, v56  }
0x1ee: {  	[tilespmem:v2+s20+$0x0] =	vst.idx.msk $0xffff, v38;
	v2 =	vmul.f32 $8.000000000e+00, v3;
	v3 =	vadd.s32 v26, v33;
	v63 =	vld [tilespmem:s29+$0xFFFFFFE0]  }
0x1ef: {  	v47 =	vadd.s32 v30, v34;
	[tilespmem:v48+s20+$0x0] =	vst.idx.msk $0xffff, v0;
	v0 =	vmul.f32 $8.000000000e+00, v61;
	v60 =	vld [tilespmem:s29+$0xFFFFFE20]  }
0x1f0: {  	v61 =	vld [tilespmem:s29+$0xFFFFFE60];
	[tilespmem:v45+s20+$0x0] =	vst.idx.msk $0xffff, v2;
	v2 =	vmul.f32 $8.000000000e+00, v51;
	v45 =	vadd.s32 v4, v40  }
0x1f1: {  	v62 =	vmov s30;
	v53 =	vadd.s32 v7, v39;
	[tilespmem:v44+s20+$0x0] =	vst.idx.msk $0xffff, v0;
	v0 =	vmul.f32 $8.000000000e+00, v57  }
0x1f2: {  	v52 =	vadd.s32 v11, v41;
	v42 =	vshrl.u32 v62, $0x3;
	v62 =	vld [tilespmem:s29+$0xFFFFFEA0];
	[tilespmem:v58+s20+$0x0] =	vst.idx.msk $0xffff, v2;
	v2 =	vmul.f32 $8.000000000e+00, v59  }
0x1f3: {  	v55 =	vld [tilespmem:s29+$0xFFFFFEE0];
	[tilespmem:v3+s20+$0x0] =	vst.idx.msk $0xffff, v0;
	v0 =	vmul.f32 $8.000000000e+00, v63  }
0x1f4: {  	v49 =	vadd.s32 v15, v37;
	v56 =	vld [tilespmem:s29+$0xFFFFFF20];
	v63 =	vmul.f32 $8.000000000e+00, v60;
	[tilespmem:v47+s20+$0x0] =	vst.idx.msk $0xffff, v2  }
0x1f5: {  	s14 =	sadd.s32 $0x2, s30;
	v60 =	vadd.s32 v19, v36;
	v57 =	vld [tilespmem:s29+$0xFFFFFF60];
	v61 =	vmul.f32 $8.000000000e+00, v61;
	[tilespmem:v45+s20+$0x0] =	vst.idx.msk $0xffff, v0  }
0x1f6: {  	v50 =	vadd.s32 v23, v35;
	v51 =	vmov s14;
	v58 =	vld [tilespmem:s29+$0xFFFFFFA0];
	[tilespmem:v53+s20+$0x0] =	vst.idx.msk $0xffff, v63  }
0x1f7: {  	s1 =	sadd.s32 $0x3, s30;
	v0 =	vshll.u32 v42, v1;
	v62 =	vmul.f32 $8.000000000e+00, v62;
	v42 =	vadd.s32 v27, v33;
	[tilespmem:v52+s20+$0x0] =	vst.idx.msk $0xffff, v61;
	v53 =	vld [tilespmem:s29+$0xFFFFFE30]  }
0x1f8: {  	v44 =	vmov s1;
	v63 =	vmul.f32 $8.000000000e+00, v55;
	v52 =	vadd.s32 v31, v34;
	v54 =	vld [tilespmem:s29+$0xFFFFFE70]  }
0x1f9: {  	s14 =	sadd.s32 $0x4, s30;
	v59 =	vshrl.u32 v44, $0x3;
	v44 =	vadd.s32 v8, v39;
	v45 =	vld [tilespmem:s29+$0xFFFFFFF0];
	[tilespmem:v49+s20+$0x0] =	vst.idx.msk $0xffff, v62;
	v38 =	vmul.f32 $8.000000000e+00, v56  }
0x1fa: {  	v43 =	vmov s14;
	s14 =	sadd.s32 $0x6, s30;
	v55 =	vld [tilespmem:s29+$0xFFFFFEB0];
	[tilespmem:v60+s20+$0x0] =	vst.idx.msk $0xffff, v63;
	v46 =	vmul.f32 $8.000000000e+00, v57;
	v57 =	vadd.s32 v12, v41  }
0x1fb: {  	v2 =	vmov s14;
	v49 =	vadd.s32 v25, v40;
	v60 =	vld [tilespmem:s29+$0xFFFFFEF0];
	[tilespmem:v50+s20+$0x0] =	vst.idx.msk $0xffff, v38;
	v50 =	vmul.f32 $8.000000000e+00, v58  }
0x1fc: {  	v58 =	vadd.s32 v16, v37;
	v61 =	vld [tilespmem:s29+$0xFFFFFF30];
	[tilespmem:v42+s20+$0x0] =	vst.idx.msk $0xffff, v46;
	v42 =	vshrl.u32 v2, $0x3;
	v2 =	vmul.f32 $8.000000000e+00, v53  }
0x1fd: {  	v62 =	vadd.s32 v20, v36;
	v38 =	vbroadcast v0, $0x0;
	v63 =	vld [tilespmem:s29+$0xFFFFFF70];
	[tilespmem:v52+s20+$0x0] =	vst.idx.msk $0xffff, v50;
	v0 =	vmul.f32 $8.000000000e+00, v54  }
0x1fe: {  	v45 =	vmul.f32 $8.000000000e+00, v45;
	v5 =	vld [tilespmem:s29+$0xFFFFFFB0];
	[tilespmem:v44+s20+$0x0] =	vst.idx.msk $0xffff, v2  }
0x1ff: {  	v2 =	vmul.f32 $8.000000000e+00, v55;
	[tilespmem:v57+s20+$0x0] =	vst.idx.msk $0xffff, v0;
	v57 =	vld [tilespmem:$0x1FFF0]  }
0x200: {  	s0 =	sadd.s32 $0x1, s30;
	[tilespmem:v49+s20+$0x0] =	vst.idx.msk $0xffff, v45;
	v0 =	vmul.f32 $8.000000000e+00, v60;
	v60 =	vld [tilespmem:$0x1FFE0]  }
0x201: {  	v48 =	vmov s0;
	s1 =	sadd.s32 $0x5, s30;
	[tilespmem:v58+s20+$0x0] =	vst.idx.msk $0xffff, v2;
	v2 =	vmul.f32 $8.000000000e+00, v61;
	v61 =	vld [tilespmem:$0x1FEC0]  }
0x202: {  	p1 =	slt.u32 s30, $0x78;
	v48 =	vshrl.u32 v48, $0x3;
	v4 =	vadd.s32 v24, v35;
	v3 =	vmov s1;
	[tilespmem:v62+s20+$0x0] =	vst.idx.msk $0xffff, v0;
	v0 =	vld [tilespmem:$0x1FF90]  }
.Ltmp9:
0x203: {  	v51 =	vshrl.u32 v51, $0x3;
	v43 =	vshrl.u32 v43, $0x3;
	v3 =	vshrl.u32 v3, $0x3;
	v56 =	vld [tilespmem:s29+$0x0];
	(pc) =	sbr.rel @p1 .LBB2_15-.Ltmp9, $4  }
0x204: {  	v47 =	vshll.u32 v48, v1;
	v46 =	vshll.u32 v43, v1;
	v43 =	vshll.u32 v3, v1;
	v50 =	vld [tilespmem:s29+$0xFFFFFE40]  }
0x205: {  	v55 =	vadd.s32 v28, v33;
	v44 =	vshll.u32 v51, v1;
	v45 =	vshll.u32 v59, v1;
	v52 =	vld [tilespmem:s29+$0xFFFFFE80]  }
0x206: {  	v49 =	vld [tilespmem:s29+$0xFFFFFEC0];
	v51 =	vadd.s32 v57, v34;
	v53 =	vadd.s32 v60, v40;
	v40 =	vmul.f32 $8.000000000e+00, v5  }
0x207: {  	s31 =	sadd.s32 $0x7, s30;
	s30 =	sadd.s32 $0x8, s30;
	v54 =	vld [tilespmem:s29+$0xFFFFFF00];
	[tilespmem:v4+s20+$0x0] =	vst.idx.msk $0xffff, v2;
	v48 =	vadd.s32 v61, v39;
	v39 =	vmul.f32 $8.000000000e+00, v63;
	v41 =	vadd.s32 v0, v41  }
0x208: {  	_ =	sdelay $0x3  }
0x209: {  	v0 =	vmov s31;
	v2 =	vadd.s32 v29, v37;
	v3 =	vld [tilespmem:s29+$0xFFFFFF40];
	v4 =	vmul.f32 $8.000000000e+00, v56;
	[tilespmem:v55+s20+$0x0] =	vst.idx.msk $0xffff, v39  }
0x20a: {  	v36 =	vadd.s32 v9, v36;
	[tilespmem:v51+s20+$0x0] =	vst.idx.msk $0xffff, v40;
	v0 =	vshrl.u32 v0, $0x3;
	v5 =	vmul.f32 $8.000000000e+00, v50;
	v55 =	vld [tilespmem:s29+$0xFFFFFF80]  }
0x20b: {  	v35 =	vadd.s32 v17, v35;
	v40 =	vld [tilespmem:s29+$0xFFFFFFC0];
	v0 =	vshll.u32 v0, v1;
	v56 =	vmul.f32 $8.000000000e+00, v52;
	[tilespmem:v53+s20+$0x0] =	vst.idx.msk $0xffff, v4;
	s29 =	sadd.s32 $0x200, s29  }
0x20c: {  	v33 =	vadd.s32 v13, v33;
	v57 =	vld [tilespmem:s29+$0xFFFFFFD0];
	v0 =	vbroadcast v0, $0x0;
	[tilespmem:v48+s20+$0x0] =	vst.idx.msk $0xffff, v5;
	v58 =	vmul.f32 $8.000000000e+00, v49  }
0x20d: {  	v34 =	vadd.s32 v21, v34;
	v59 =	vld [tilespmem:s29+$0xFFFFFE10];
	[tilespmem:v41+s20+$0x0] =	vst.idx.msk $0xffff, v56;
	v60 =	vmul.f32 $8.000000000e+00, v54  }
0x20e: {  	v47 =	vbroadcast v47, $0x0;
	v61 =	vld [tilespmem:s29+$0xFFFFFE50];
	v62 =	vadd.s32 v32, v0;
	[tilespmem:v2+s20+$0x0] =	vst.idx.msk $0xffff, v58;
	v2 =	vmul.f32 $8.000000000e+00, v3  }
0x20f: {  	v44 =	vbroadcast v44, $0x0;
	v63 =	vld [tilespmem:s29+$0xFFFFFE90];
	v3 =	vadd.s32 v6, v38;
	[tilespmem:v36+s20+$0x0] =	vst.idx.msk $0xffff, v60;
	v51 =	vmul.f32 $8.000000000e+00, v55  }
0x210: {  	v52 =	vadd.s32 v10, v47;
	[tilespmem:v35+s20+$0x0] =	vst.idx.msk $0xffff, v2;
	v2 =	vmul.f32 $8.000000000e+00, v40  }
0x211: {  	v54 =	vadd.s32 v14, v44;
	v4 =	vmul.f32 $8.000000000e+00, v57;
	[tilespmem:v33+s20+$0x0] =	vst.idx.msk $0xffff, v51  }
0x212: {  	v59 =	vmul.f32 $8.000000000e+00, v59;
	[tilespmem:v34+s20+$0x0] =	vst.idx.msk $0xffff, v2  }
0x213: {  	v45 =	vbroadcast v45, $0x0;
	v53 =	vld [tilespmem:s29+$0xFFFFFED0];
	v2 =	vmul.f32 $8.000000000e+00, v61;
	[tilespmem:v62+s20+$0x0] =	vst.idx.msk $0xffff, v4  }
0x214: {  	v56 =	vld [tilespmem:s29+$0xFFFFFF90];
	[tilespmem:v3+s20+$0x0] =	vst.idx.msk $0xffff, v59;
	v3 =	vmul.f32 $8.000000000e+00, v63  }
0x215: {  	v46 =	vbroadcast v46, $0x0;
	v60 =	vadd.s32 v18, v45;
	v55 =	vld [tilespmem:s29+$0xFFFFFF10];
	[tilespmem:v52+s20+$0x0] =	vst.idx.msk $0xffff, v2  }
0x216: {  	v42 =	vshll.u32 v42, v1;
	v43 =	vbroadcast v43, $0x0;
	v18 =	vld [tilespmem:s29+$0xFFFFFF50];
	[tilespmem:v54+s20+$0x0] =	vst.idx.msk $0xffff, v3  }
0x217: {  	v42 =	vbroadcast v42, $0x0;
	v22 =	vadd.s32 v22, v46;
	v62 =	vld [tilespmem:$0x1FFC0]  }
0x218: {  	v57 =	vadd.s32 v26, v43;
	v33 =	vld [tilespmem:s29+$0xFFFFFE20];
	v2 =	vmul.f32 $8.000000000e+00, v53  }
0x219: {  	v59 =	vadd.s32 v30, v42;
	v61 =	vld [tilespmem:s29+$0xFFFFFE60]  }
0x21a: {  	v63 =	vadd.s32 v7, v38;
	v58 =	vld [tilespmem:s29+$0xFFFFFFE0];
	v3 =	vmul.f32 $8.000000000e+00, v55;
	[tilespmem:v60+s20+$0x0] =	vst.idx.msk $0xffff, v2  }
0x21b: {  	v53 =	vmov v11;
	v11 =	vadd.s32 v11, v47;
	v2 =	vmul.f32 $8.000000000e+00, v18;
	v18 =	vld [tilespmem:s29+$0xFFFFFEE0]  }
0x21c: {  	v10 =	vld [tilespmem:s29+$0xFFFFFEA0];
	[tilespmem:v22+s20+$0x0] =	vst.idx.msk $0xffff, v3;
	v3 =	vmul.f32 $8.000000000e+00, v56;
	v35 =	vadd.s32 v62, v0  }
0x21d: {  	v52 =	vadd.s32 v19, v45;
	[tilespmem:v57+s20+$0x0] =	vst.idx.msk $0xffff, v2;
	v50 =	vmul.f32 $8.000000000e+00, v33  }
0x21e: {  	v22 =	vadd.s32 v15, v44;
	v60 =	vld [tilespmem:s29+$0xFFFFFF60];
	[tilespmem:v59+s20+$0x0] =	vst.idx.msk $0xffff, v3;
	v3 =	vmul.f32 $8.000000000e+00, v61  }
0x21f: {  	v30 =	vld [tilespmem:s29+$0xFFFFFF20];
	v2 =	vmul.f32 $8.000000000e+00, v58;
	[tilespmem:v63+s20+$0x0] =	vst.idx.msk $0xffff, v50  }
0x220: {  	v63 =	vadd.s32 v27, v43;
	v40 =	vld [tilespmem:s29+$0xFFFFFE30];
	[tilespmem:v11+s20+$0x0] =	vst.idx.msk $0xffff, v3;
	v3 =	vmul.f32 $8.000000000e+00, v18  }
0x221: {  	v61 =	vadd.s32 v23, v46;
	v62 =	vld [tilespmem:s29+$0xFFFFFFA0];
	[tilespmem:v35+s20+$0x0] =	vst.idx.msk $0xffff, v2;
	v2 =	vmul.f32 $8.000000000e+00, v10  }
0x222: {  	v57 =	vmov v8;
	v8 =	vadd.s32 v8, v38;
	[tilespmem:v52+s20+$0x0] =	vst.idx.msk $0xffff, v3;
	v35 =	vld [tilespmem:s29+$0xFFFFFFF0]  }
0x223: {  	v55 =	vld [tilespmem:s29+$0xFFFFFE70];
	v3 =	vmul.f32 $8.000000000e+00, v60;
	v10 =	vadd.s32 v31, v42;
	[tilespmem:v22+s20+$0x0] =	vst.idx.msk $0xffff, v2  }
0x224: {  	v34 =	vadd.s32 v25, v0;
	v2 =	vmul.f32 $8.000000000e+00, v30;
	v11 =	vld [tilespmem:s29+$0xFFFFFEB0]  }
0x225: {  	v18 =	vadd.s32 v12, v47;
	[tilespmem:v63+s20+$0x0] =	vst.idx.msk $0xffff, v3;
	v30 =	vmul.f32 $8.000000000e+00, v40  }
0x226: {  	v54 =	vmovc v15;
	v15 =	vmov v19;
	v19 =	vld [tilespmem:s29+$0xFFFFFEF0];
	v22 =	vadd.s32 v16, v44;
	[tilespmem:v61+s20+$0x0] =	vst.idx.msk $0xffff, v2;
	v2 =	vmul.f32 $8.000000000e+00, v62  }
0x227: {  	[tilespmem:v8+s20+$0x0] =	vst.idx.msk $0xffff, v30;
	v3 =	vmul.f32 $8.000000000e+00, v35  }
0x228: {  	v59 =	vmov v31;
	v31 =	vadd.s32 v20, v45;
	v52 =	vld [tilespmem:s29+$0xFFFFFF70];
	[tilespmem:v10+s20+$0x0] =	vst.idx.msk $0xffff, v2;
	v2 =	vmul.f32 $8.000000000e+00, v55  }
0x229: {  	v56 =	vmov v23;
	v23 =	vld [tilespmem:s29+$0xFFFFFF30];
	[tilespmem:v34+s20+$0x0] =	vst.idx.msk $0xffff, v3;
	v3 =	vmul.f32 $8.000000000e+00, v11  }
0x22a: {  	v10 =	vld [tilespmem:s29+$0xFFFFFFB0];
	[tilespmem:v18+s20+$0x0] =	vst.idx.msk $0xffff, v2  }
0x22b: {  	v2 =	vmul.f32 $8.000000000e+00, v19;
	v5 =	vld [tilespmem:$0x1FFF0];
	[tilespmem:v22+s20+$0x0] =	vst.idx.msk $0xffff, v3  }
0x22c: {  	v19 =	vld [tilespmem:$0x1FFE0]  }
0x22d: {  	v60 =	vmov v20;
	v20 =	vld [tilespmem:$0x1FEC0];
	[tilespmem:v31+s20+$0x0] =	vst.idx.msk $0xffff, v2  }
0x22e: {  	v63 =	vmov v28;
	v55 =	vadd.s32 v24, v46;
	v11 =	vadd.s32 v28, v43;
	v28 =	vld [tilespmem:$0x1FF90]  }
0x22f: {  	v34 =	vld [tilespmem:s29+$0x0]  }
0x230: {  	v41 =	vld [tilespmem:s29+$0xFFFFFE40];
	v25 =	vmov v5;
	v5 =	vadd.s32 v5, v42  }
0x231: {  	v18 =	vld [tilespmem:s29+$0xFFFFFE80];
	v3 =	vmul.f32 $8.000000000e+00, v23;
	v0 =	vadd.s32 v19, v0  }
0x232: {  	v23 =	vld [tilespmem:s29+$0xFFFFFEC0];
	v2 =	vmul.f32 $8.000000000e+00, v52;
	v22 =	vadd.s32 v20, v38  }
0x233: {  	v31 =	vld [tilespmem:s29+$0xFFFFFF00];
	[tilespmem:v55+s20+$0x0] =	vst.idx.msk $0xffff, v3;
	v3 =	vmul.f32 $8.000000000e+00, v10;
	v30 =	vadd.s32 v28, v47  }
0x234: {  	v44 =	vadd.s32 v29, v44;
	[tilespmem:v11+s20+$0x0] =	vst.idx.msk $0xffff, v2;
	v2 =	vmul.f32 $8.000000000e+00, v34;
	v47 =	vld [tilespmem:s29+$0xFFFFFF40]  }
0x235: {  	v49 =	vadd.s32 v9, v45;
	v48 =	vmul.f32 $8.000000000e+00, v41;
	v50 =	vld [tilespmem:s29+$0xFFFFFF80];
	[tilespmem:v5+s20+$0x0] =	vst.idx.msk $0xffff, v3  }
0x236: {  	v52 =	vadd.s32 v17, v46;
	v3 =	vmul.f32 $8.000000000e+00, v18;
	v55 =	vld [tilespmem:s29+$0xFFFFFFC0];
	[tilespmem:v0+s20+$0x0] =	vst.idx.msk $0xffff, v2  }
0x237: {  	[tilespmem:v22+s20+$0x0] =	vst.idx.msk $0xffff, v48;
	v0 =	vmul.f32 $8.000000000e+00, v23;
	v2 =	vadd.s32 v13, v43  }
0x238: {  	v61 =	vadd.s32 v21, v42;
	[tilespmem:v30+s20+$0x0] =	vst.idx.msk $0xffff, v3;
	v3 =	vmul.f32 $8.000000000e+00, v31  }
0x239: {  	[tilespmem:v44+s20+$0x0] =	vst.idx.msk $0xffff, v0;
	v0 =	vmul.f32 $8.000000000e+00, v47  }
0x23a: {  	[tilespmem:v49+s20+$0x0] =	vst.idx.msk $0xffff, v3;
	v3 =	vmul.f32 $8.000000000e+00, v50  }
0x23b: {  	[tilespmem:v52+s20+$0x0] =	vst.idx.msk $0xffff, v0;
	v0 =	vmul.f32 $8.000000000e+00, v55  }
0x23c: {  	[tilespmem:v2+s20+$0x0] =	vst.idx.msk $0xffff, v3  }
0x23d: {  	s14 =	sadd.s32 s26, s8;
	s0 =	simm.s32 $0xE400;
	[tilespmem:v61+s20+$0x0] =	vst.idx.msk $0xffff, v0  }
0x23e: {  	[hbm4b:s14+s3] =	stream.linear.scatter [tilespmem:s0], [sflag:$0x2], $0x80, $0x38;
	[tilespmem:$0x12800] =	vst v63  }
0x23f: {  	s1 =	sadd.s32 $0x10, s14;
	s0 =	simm.s32 $0xE488  }
0x240: {  	[hbm4b:s1+s3] =	stream.linear.scatter [tilespmem:s0], [sflag:$0x2], $0x80, $0x38;
	[tilespmem:$0x12800] =	vst v63  }
0x241: {  	s0 =	simm.s32 $0xE510;
	s1 =	sadd.s32 $0x20, s14  }
0x242: {  	[hbm4b:s1+s3] =	stream.linear.scatter [tilespmem:s0], [sflag:$0x2], $0x80, $0x38;
	[tilespmem:$0x12800] =	vst v63  }
0x243: {  	s0 =	simm.s32 $0xE598;
	s1 =	sadd.s32 $0x30, s14  }
0x244: {  	[hbm4b:s1+s3] =	stream.linear.scatter [tilespmem:s0], [sflag:$0x2], $0x80, $0x38;
	[tilespmem:$0x12800] =	vst v63  }
0x245: {  	s0 =	simm.s32 $0xE620;
	s1 =	sadd.s32 $0x40, s14  }
0x246: {  	[hbm4b:s1+s3] =	stream.linear.scatter [tilespmem:s0], [sflag:$0x2], $0x80, $0x38;
	[tilespmem:$0x12800] =	vst v63  }
0x247: {  	s31 =	simm.s32 $0x2200;
	s0 =	simm.s32 $0xE6A8;
	s1 =	sadd.s32 $0x50, s14  }
0x248: {  	[hbm4b:s1+s3] =	stream.linear.scatter [tilespmem:s0], [sflag:$0x2], $0x80, $0x38;
	[tilespmem:$0x12800] =	vst v63  }
0x249: {  	s30 =	sadd.s32 $0x1000, s14;
	s0 =	simm.s32 $0xE730;
	s1 =	sadd.s32 $0x60, s14  }
0x24a: {  	[hbm4b:s1+s3] =	stream.linear.scatter [tilespmem:s0], [sflag:$0x2], $0x80, $0x38;
	[tilespmem:$0x12800] =	vst v63  }
0x24b: {  	v51 =	vmov v7;
	v58 =	vmov v27;
	v62 =	vmov v24;
	s29 =	simm.s32 $0x440;
	s1 =	simm.s32 $0xE7B8;
	s0 =	sadd.s32 $0x70, s14  }
.LBB2_17:
0x24c: {  	[hbm4b:s0+s3] =	stream.linear.scatter [tilespmem:s1], [sflag:$0x2], $0x80, $0x38;
	[tilespmem:$0x12800] =	vst v63  }
0x24d: {  	s0 =	smov.u32 s29;
	s1 =	smov.u32 s31  }
0x24e: {  	s14 =	sadd.s32 $0x1100, s31;
	s29 =	sshra.s32 s1, $0x2;
	s1 =	sadd.s32 $0xE400, s0  }
0x24f: {  	[hbm4b:s30+s3] =	stream.linear.scatter [tilespmem:s1], [sflag:$0x2], $0x80, $0x38;
	[tilespmem:$0x12800] =	vst v63  }
0x250: {  	p1 =	sne.s32 s31, $0x7700;
	s31 =	sadd.s32 $0x10, s30;
	s1 =	sadd.s32 $0xE488, s0  }
0x251: {  	[hbm4b:s31+s3] =	stream.linear.scatter [tilespmem:s1], [sflag:$0x2], $0x80, $0x38;
	[tilespmem:$0x12800] =	vst v63  }
0x252: {  	s1 =	sadd.s32 $0xE510, s0;
	s31 =	sadd.s32 $0x20, s30  }
0x253: {  	[hbm4b:s31+s3] =	stream.linear.scatter [tilespmem:s1], [sflag:$0x2], $0x80, $0x38;
	[tilespmem:$0x12800] =	vst v63  }
0x254: {  	s1 =	sadd.s32 $0xE598, s0;
	s31 =	sadd.s32 $0x30, s30  }
0x255: {  	[hbm4b:s31+s3] =	stream.linear.scatter [tilespmem:s1], [sflag:$0x2], $0x80, $0x38;
	[tilespmem:$0x12800] =	vst v63  }
0x256: {  	s1 =	sadd.s32 $0xE620, s0;
	s31 =	sadd.s32 $0x40, s30  }
0x257: {  	[hbm4b:s31+s3] =	stream.linear.scatter [tilespmem:s1], [sflag:$0x2], $0x80, $0x38;
	[tilespmem:$0x12800] =	vst v63  }
0x258: {  	s1 =	sadd.s32 $0xE6A8, s0;
	s31 =	sadd.s32 $0x50, s30  }
0x259: {  	[hbm4b:s31+s3] =	stream.linear.scatter [tilespmem:s1], [sflag:$0x2], $0x80, $0x38;
	[tilespmem:$0x12800] =	vst v63  }
.Ltmp10:
0x25a: {  	_ = 	snop;
	(pc) =	sbr.rel @p1 .LBB2_17-.Ltmp10, $4  }
0x25b: {  	s1 =	sadd.s32 $0xE730, s0;
	s31 =	sadd.s32 $0x60, s30  }
0x25c: {  	[hbm4b:s31+s3] =	stream.linear.scatter [tilespmem:s1], [sflag:$0x2], $0x80, $0x38;
	[tilespmem:$0x12800] =	vst v63  }
0x25d: {  	s1 =	sadd.s32 $0xE7B8, s0  }
0x25e: {  	s0 =	sadd.s32 $0x70, s30;
	s30 =	sadd.s32 $0x1000, s30;
	s31 =	smov.u32 s14  }
0x25f: {  	[hbm4b:s0+s3] =	stream.linear.scatter [tilespmem:s1], [sflag:$0x2], $0x80, $0x38;
	[tilespmem:$0x12800] =	vst v63  }
0x260: {  	s1 =	sadd.s32 $0xE400, s29  }
0x261: {  	[hbm4b:s30+s3] =	stream.linear.scatter [tilespmem:s1], [sflag:$0x2], $0x80, $0x38;
	[tilespmem:$0x12800] =	vst v63  }
0x262: {  	s14 =	sadd.s32 $0xE488, s29;
	s31 =	sadd.s32 $0x10, s30  }
0x263: {  	[hbm4b:s31+s3] =	stream.linear.scatter [tilespmem:s14], [sflag:$0x2], $0x80, $0x38;
	[tilespmem:$0x12800] =	vst v63  }
0x264: {  	s14 =	sadd.s32 $0xE510, s29;
	s31 =	sadd.s32 $0x20, s30  }
0x265: {  	[hbm4b:s31+s3] =	stream.linear.scatter [tilespmem:s14], [sflag:$0x2], $0x80, $0x38;
	[tilespmem:$0x12800] =	vst v63  }
0x266: {  	s14 =	sadd.s32 $0xE598, s29;
	s31 =	sadd.s32 $0x30, s30  }
0x267: {  	[hbm4b:s31+s3] =	stream.linear.scatter [tilespmem:s14], [sflag:$0x2], $0x80, $0x38;
	[tilespmem:$0x12800] =	vst v63  }
0x268: {  	s14 =	sadd.s32 $0xE620, s29;
	s31 =	sadd.s32 $0x40, s30  }
0x269: {  	[hbm4b:s31+s3] =	stream.linear.scatter [tilespmem:s14], [sflag:$0x2], $0x80, $0x38;
	[tilespmem:$0x12800] =	vst v63  }
0x26a: {  	s14 =	sadd.s32 $0xE6A8, s29;
	s31 =	sadd.s32 $0x50, s30  }
0x26b: {  	[hbm4b:s31+s3] =	stream.linear.scatter [tilespmem:s14], [sflag:$0x2], $0x80, $0x38;
	[tilespmem:$0x12800] =	vst v63  }
0x26c: {  	s14 =	sadd.s32 $0xE730, s29;
	s31 =	sadd.s32 $0x60, s30  }
0x26d: {  	[hbm4b:s31+s3] =	stream.linear.scatter [tilespmem:s14], [sflag:$0x2], $0x80, $0x38;
	[tilespmem:$0x12800] =	vst v63  }
0x26e: {  	s1 =	sadd.s32 $0xE7B8, s29;
	s14 =	sadd.s32 $0x70, s30  }
0x26f: {  	[hbm4b:s14+s3] =	stream.linear.scatter [tilespmem:s1], [sflag:$0x2], $0x80, $0x38;
	[tilespmem:$0x12800] =	vst v63  }
0x270: {  	s0 =	sadd.s32 @!p0 $0x300, s28;
	s1 =	simm.s32 @!p0 $0x80;
	s14 =	simm.s32 @!p0 $0xA400  }
0x271: {  	[tilespmem:s14], [sflag:$0x1] =	stream.indirect.gather @!p0 [hbm4b:s4+s1], $0x40, s0, s1, $0xb8;
	[tilespmem:$0x12800] =	vst v63  }
0x272: {  	_ =	swait.ge [sflag:s19], $0x2000  }
0x273: {  	[sflag:s19] =	ssyncset.done $0x0  }
0x274: {  	[sflag:s19] =	ssyncadd.s32 $0xFFFFE000  }
0x275: {  	s31 =	simm.s32 $0x0;
	s14 =	simm.s32 $0x2;
	_ =	swait.ge [sflag:s21], $0x2000  }
0x276: {  	v0 =	vmov s31;
	v3 =	vmov s14;
	s14 =	simm.s32 $0x5;
	v23 =	vld [tilespmem:$0x1FFB0]  }
0x277: {  	s31 =	simm.s32 $0x3;
	v0 =	vshrl.u32 v0, $0x3;
	v33 =	vmov s14;
	s14 =	simm.s32 $0x7;
	v27 =	vld [tilespmem:$0x1FEB0]  }
0x278: {  	v4 =	vmov s31;
	v0 =	vshll.u32 v0, v1;
	v35 =	vmov s14;
	[sflag:s21] =	ssyncset.done $0x0;
	v32 =	vld [tilespmem:$0x1FED0]  }
0x279: {  	s28 =	simm.s32 $0xC5F0;
	v4 =	vshrl.u32 v4, $0x3;
	s1 =	simm.s32 $0x1;
	v39 =	vbroadcast v0, $0x0;
	v35 =	vshrl.u32 v35, $0x3;
	v6 =	vld [tilespmem:$0x1FF20];
	[sflag:s21] =	ssyncadd.s32 $0xFFFFE000  }
0x27a: {  	v4 =	vshll.u32 v4, v1;
	v2 =	vmov s1;
	v35 =	vshll.u32 v35, v1;
	v0 =	vld [tilespmem:s28+$0xFFFFFFD0]  }
0x27b: {  	s1 =	simm.s32 $0x4;
	v36 =	vbroadcast v4, $0x0;
	v2 =	vshrl.u32 v2, $0x3;
	v41 =	vbroadcast v35, $0x0;
	v38 =	vld [tilespmem:s28+$0xFFFFFE10]  }
0x27c: {  	v5 =	vmov s1;
	v3 =	vshrl.u32 v3, $0x3;
	v2 =	vshll.u32 v2, v1;
	v4 =	vld [tilespmem:$0x1FEF0]  }
0x27d: {  	v5 =	vshrl.u32 v5, $0x3;
	v40 =	vbroadcast v2, $0x0;
	v42 =	vld [tilespmem:s28+$0xFFFFFE50];
	v2 =	vadd.s32 v23, v41  }
0x27e: {  	v3 =	vshll.u32 v3, v1;
	v5 =	vshll.u32 v5, v1;
	v43 =	vadd.s32 v27, v39  }
0x27f: {  	v37 =	vbroadcast v3, $0x0;
	v35 =	vbroadcast v5, $0x0;
	v44 =	vld [tilespmem:s28+$0xFFFFFE90];
	v45 =	vadd.s32 v32, v40  }
0x280: {  	s31 =	simm.s32 $0x6;
	v0 =	vmul.f32 $8.000000000e+00, v0;
	v5 =	vmul.f32 $8.000000000e+00, v38;
	v38 =	vadd.s32 v6, v36;
	v6 =	vld [tilespmem:$0x1FF40]  }
0x281: {  	v34 =	vmov s31;
	v4 =	vadd.s32 v4, v37  }
0x282: {  	v34 =	vshrl.u32 v34, $0x3;
	v46 =	vld [tilespmem:s28+$0xFFFFFED0];
	v42 =	vmul.f32 $8.000000000e+00, v42;
	[tilespmem:v2+s22+$0x0] =	vst.idx.msk $0xffff, v0  }
0x283: {  	v3 =	vshll.u32 v34, v1;
	v47 =	vld [tilespmem:s28+$0xFFFFFF10];
	[tilespmem:v43+s22+$0x0] =	vst.idx.msk $0xffff, v5  }
0x284: {  	v34 =	vbroadcast v3, $0x0;
	v2 =	vmul.f32 $8.000000000e+00, v44;
	v3 =	vld [tilespmem:$0x1FF60];
	[tilespmem:v45+s22+$0x0] =	vst.idx.msk $0xffff, v42  }
0x285: {  	v33 =	vshrl.u32 v33, $0x3;
	v49 =	vadd.s32 v6, v35;
	v6 =	vld [tilespmem:$0x1FF80]  }
0x286: {  	v33 =	vshll.u32 v33, v1;
	v48 =	vld [tilespmem:s28+$0xFFFFFF50];
	[tilespmem:v4+s22+$0x0] =	vst.idx.msk $0xffff, v2  }
0x287: {  	v33 =	vbroadcast v33, $0x0;
	v19 =	vld [tilespmem:$0x1FFC0]  }
0x288: {  	v50 =	vld [tilespmem:s28+$0xFFFFFF90]  }
0x289: {  	v43 =	vld [tilespmem:s28+$0xFFFFFE20];
	v3 =	vadd.s32 v3, v33  }
0x28a: {  	v61 =	vmul.f32 $8.000000000e+00, v46;
	v5 =	vld [tilespmem:s28+$0xFFFFFFE0];
	v44 =	vadd.s32 v6, v34  }
0x28b: {  	v46 =	vld [tilespmem:s28+$0xFFFFFE60];
	v2 =	vmul.f32 $8.000000000e+00, v47;
	v6 =	vmov v51;
	v51 =	vadd.s32 v51, v39  }
0x28c: {  	v52 =	vld [tilespmem:s28+$0xFFFFFEA0];
	[tilespmem:v38+s22+$0x0] =	vst.idx.msk $0xffff, v61;
	v61 =	vmul.f32 $8.000000000e+00, v48;
	v4 =	vadd.s32 v19, v41  }
0x28d: {  	v18 =	vmov v53;
	v48 =	vadd.s32 v53, v40;
	v53 =	vld [tilespmem:s28+$0xFFFFFEE0];
	[tilespmem:v49+s22+$0x0] =	vst.idx.msk $0xffff, v2;
	v2 =	vmul.f32 $8.000000000e+00, v50  }
0x28e: {  	v10 =	vmov v54;
	v38 =	vmul.f32 $8.000000000e+00, v43;
	v50 =	vadd.s32 v54, v37;
	v54 =	vld [tilespmem:s28+$0xFFFFFF20];
	[tilespmem:v3+s22+$0x0] =	vst.idx.msk $0xffff, v61  }
0x28f: {  	v43 =	vadd.s32 v15, v36;
	v3 =	vmul.f32 $8.000000000e+00, v5;
	[tilespmem:v44+s22+$0x0] =	vst.idx.msk $0xffff, v2  }
0x290: {  	v61 =	vmul.f32 $8.000000000e+00, v46;
	v46 =	vadd.s32 v56, v35;
	[tilespmem:v51+s22+$0x0] =	vst.idx.msk $0xffff, v38  }
0x291: {  	v55 =	vld [tilespmem:s28+$0xFFFFFF60];
	[tilespmem:v4+s22+$0x0] =	vst.idx.msk $0xffff, v3;
	v3 =	vmul.f32 $8.000000000e+00, v52  }
0x292: {  	v30 =	vmov v56;
	v56 =	vld [tilespmem:s28+$0xFFFFFFA0];
	[tilespmem:v48+s22+$0x0] =	vst.idx.msk $0xffff, v61;
	v61 =	vmul.f32 $8.000000000e+00, v53  }
0x293: {  	s31 =	simm.s32 $0x8;
	v51 =	vld [tilespmem:s28+$0xFFFFFE30];
	[tilespmem:v50+s22+$0x0] =	vst.idx.msk $0xffff, v3;
	v3 =	vmul.f32 $8.000000000e+00, v54  }
0x294: {  	v0 =	vmov s31;
	v17 =	vld [tilespmem:$0x1FFD0];
	[tilespmem:v43+s22+$0x0] =	vst.idx.msk $0xffff, v61  }
0x295: {  	s1 =	simm.s32 $0x9;
	s31 =	simm.s32 $0xB;
	v0 =	vshrl.u32 v0, $0x3;
	v22 =	vld [tilespmem:$0x1FEE0];
	[tilespmem:v46+s22+$0x0] =	vst.idx.msk $0xffff, v3  }
0x296: {  	s14 =	simm.s32 $0xA;
	v45 =	vmov s1;
	v42 =	vmov s31;
	s1 =	simm.s32 $0xC;
	v4 =	vadd.s32 v58, v33;
	v20 =	vld [tilespmem:$0x1FF00]  }
0x297: {  	s31 =	simm.s32 $0xE;
	v47 =	vmov s14;
	v49 =	vmov s1;
	v48 =	vadd.s32 v59, v34;
	v38 =	vld [tilespmem:s28+$0xFFFFFFF0]  }
0x298: {  	v2 =	vmov s31;
	v52 =	vshrl.u32 v47, $0x3;
	v47 =	vld [tilespmem:s28+$0xFFFFFE70];
	v54 =	vadd.s32 v57, v39  }
0x299: {  	v13 =	vmovc v57;
	v53 =	vshrl.u32 v42, $0x3;
	v57 =	vld [tilespmem:s28+$0xFFFFFEB0];
	v61 =	vmul.f32 $8.000000000e+00, v55;
	v50 =	vadd.s32 v17, v41  }
0x29a: {  	v28 =	vmovc v58;
	v43 =	vshrl.u32 v49, $0x3;
	v58 =	vld [tilespmem:s28+$0xFFFFFEF0];
	v3 =	vmul.f32 $8.000000000e+00, v56;
	v49 =	vadd.s32 v22, v40  }
0x29b: {  	v8 =	vmovc v59;
	v42 =	vshrl.u32 v2, $0x3;
	v59 =	vld [tilespmem:s28+$0xFFFFFF30];
	v2 =	vmul.f32 $8.000000000e+00, v51;
	[tilespmem:v4+s22+$0x0] =	vst.idx.msk $0xffff, v61;
	v46 =	vadd.s32 v20, v37  }
0x29c: {  	v0 =	vshll.u32 v0, v1;
	v4 =	vmul.f32 $8.000000000e+00, v38;
	v61 =	vld [tilespmem:s28+$0xFFFFFF70];
	[tilespmem:v48+s22+$0x0] =	vst.idx.msk $0xffff, v3  }
0x29d: {  	v14 =	vmovc v62;
	v38 =	vbroadcast v0, $0x0;
	v0 =	vmul.f32 $8.000000000e+00, v47;
	v3 =	vadd.s32 v62, v35;
	[tilespmem:v54+s22+$0x0] =	vst.idx.msk $0xffff, v2;
	v62 =	vld [tilespmem:s28+$0xFFFFFFB0]  }
0x29e: {  	v12 =	vmov v60;
	v60 =	vadd.s32 v60, v36;
	v2 =	vmul.f32 $8.000000000e+00, v57;
	[tilespmem:v50+s22+$0x0] =	vst.idx.msk $0xffff, v4;
	v50 =	vld [tilespmem:s28+$0xFFFFFE40]  }
0x29f: {  	v56 =	vld [tilespmem:s28+$0x0];
	[tilespmem:v49+s22+$0x0] =	vst.idx.msk $0xffff, v0  }
0x2a0: {  	v44 =	vshll.u32 v52, v1;
	v52 =	vld [tilespmem:s28+$0xFFFFFE80];
	[tilespmem:v46+s22+$0x0] =	vst.idx.msk $0xffff, v2  }
0x2a1: {  	v0 =	vmul.f32 $8.000000000e+00, v58;
	v4 =	vld [tilespmem:$0x1FFE0]  }
0x2a2: {  	v24 =	vld [tilespmem:$0x1FEC0]  }
0x2a3: {  	v2 =	vmul.f32 $8.000000000e+00, v59;
	v49 =	vld [tilespmem:s28+$0xFFFFFEC0];
	[tilespmem:v60+s22+$0x0] =	vst.idx.msk $0xffff, v0  }
0x2a4: {  	v0 =	vld [tilespmem:$0x1FF90]  }
0x2a5: {  	s14 =	simm.s32 $0xD;
	v54 =	vld [tilespmem:s28+$0xFFFFFF00];
	[tilespmem:v3+s22+$0x0] =	vst.idx.msk $0xffff, v2  }
0x2a6: {  	v45 =	vshrl.u32 v45, $0x3;
	v5 =	vmov s14;
	v26 =	vld [tilespmem:$0x1FF10]  }
0x2a7: {  	v5 =	vshrl.u32 v5, $0x3;
	v55 =	vadd.s32 v63, v33;
	v51 =	vadd.s32 v25, v34;
	v21 =	vld [tilespmem:$0x1FF30]  }
0x2a8: {  	v47 =	vshll.u32 v45, v1;
	v45 =	vshll.u32 v53, v1;
	v46 =	vshll.u32 v43, v1;
	v31 =	vld [tilespmem:$0x1FF50]  }
0x2a9: {  	v11 =	vmovc v63;
	v43 =	vshll.u32 v5, v1;
	v29 =	vld [tilespmem:$0x1FF70];
	v53 =	vadd.s32 v4, v41;
	v48 =	vadd.s32 v24, v39  }
0x2aa: {  	s29 =	simm.s32 $0x10;
	s30 =	simm.s32 $0xF;
	v7 =	vld [tilespmem:$0x1FFA0];
	v16 =	vmovc v4;
	v39 =	vmul.f32 $8.000000000e+00, v61;
	v9 =	vmovc v0;
	v41 =	vadd.s32 v0, v40;
	v40 =	vmul.f32 $8.000000000e+00, v62  }
.LBB2_19:
0x2ab: {  	_ = 	snop  }
0x2ac: {  	v0 =	vmov s30;
	v2 =	vadd.s32 v26, v37;
	v3 =	vld [tilespmem:s28+$0xFFFFFF40]  }
0x2ad: {  	v62 =	vld [tilespmem:$0x1FF20];
	[tilespmem:v55+s22+$0x0] =	vst.idx.msk $0xffff, v39;
	v0 =	vshrl.u32 v0, $0x3;
	v5 =	vmul.f32 $8.000000000e+00, v50  }
0x2ae: {  	[tilespmem:v51+s22+$0x0] =	vst.idx.msk $0xffff, v40;
	v55 =	vld [tilespmem:s28+$0xFFFFFF80];
	v0 =	vshll.u32 v0, v1;
	v4 =	vmul.f32 $8.000000000e+00, v56  }
0x2af: {  	v36 =	vadd.s32 v21, v36;
	v57 =	vld [tilespmem:s28+$0xFFFFFFC0];
	s28 =	sadd.s32 $0x200, s28;
	v40 =	vbroadcast v0, $0x0;
	v0 =	vmul.f32 $8.000000000e+00, v49;
	[tilespmem:v48+s22+$0x0] =	vst.idx.msk $0xffff, v5  }
0x2b0: {  	[tilespmem:v53+s22+$0x0] =	vst.idx.msk $0xffff, v4;
	v5 =	vadd.s32 v29, v33;
	v58 =	vld [tilespmem:s28+$0xFFFFFE10]  }
0x2b1: {  	v35 =	vadd.s32 v31, v35;
	v39 =	vmov v38;
	v56 =	vmul.f32 $8.000000000e+00, v52;
	[tilespmem:v2+s22+$0x0] =	vst.idx.msk $0xffff, v0;
	v4 =	vld [tilespmem:s28+$0xFFFFFFD0]  }
0x2b2: {  	v59 =	vmul.f32 $8.000000000e+00, v54;
	v0 =	vmul.f32 $8.000000000e+00, v3;
	v2 =	vadd.s32 v27, v39;
	v3 =	vld [tilespmem:s28+$0xFFFFFE90]  }
0x2b3: {  	v61 =	vadd.s32 v23, v40;
	[tilespmem:v41+s22+$0x0] =	vst.idx.msk $0xffff, v56;
	v53 =	vld [tilespmem:$0x1FEF0];
	v38 =	vmul.f32 $8.000000000e+00, v55  }
0x2b4: {  	[tilespmem:v36+s22+$0x0] =	vst.idx.msk $0xffff, v59;
	v60 =	vld [tilespmem:s28+$0xFFFFFE50]  }
0x2b5: {  	v34 =	vadd.s32 v7, v34;
	v41 =	vbroadcast v47, $0x0;
	v48 =	vld [tilespmem:s28+$0xFFFFFED0];
	[tilespmem:v5+s22+$0x0] =	vst.idx.msk $0xffff, v38;
	v5 =	vmul.f32 $8.000000000e+00, v58  }
0x2b6: {  	[tilespmem:v35+s22+$0x0] =	vst.idx.msk $0xffff, v0;
	v0 =	vmul.f32 $8.000000000e+00, v57;
	v57 =	vld [tilespmem:$0x1FF40];
	v4 =	vmul.f32 $8.000000000e+00, v4  }
0x2b7: {  	v37 =	vbroadcast v44, $0x0;
	[tilespmem:v2+s22+$0x0] =	vst.idx.msk $0xffff, v5;
	v2 =	vmul.f32 $8.000000000e+00, v3;
	v3 =	vld [tilespmem:$0x1FF60]  }
0x2b8: {  	v36 =	vbroadcast v45, $0x0;
	v52 =	vadd.s32 v32, v41;
	[tilespmem:v61+s22+$0x0] =	vst.idx.msk $0xffff, v4;
	v61 =	vld [tilespmem:$0x1FF80]  }
0x2b9: {  	v35 =	vbroadcast v46, $0x0;
	v55 =	vld [tilespmem:s28+$0xFFFFFF10];
	v54 =	vadd.s32 v53, v37  }
0x2ba: {  	v42 =	vshll.u32 v42, v1;
	v33 =	vbroadcast v43, $0x0;
	v63 =	vadd.s32 v62, v36;
	[tilespmem:v34+s22+$0x0] =	vst.idx.msk $0xffff, v0;
	v56 =	vld [tilespmem:s28+$0xFFFFFF50]  }
0x2bb: {  	s14 =	sadd.s32 $0x2, s29;
	v34 =	vbroadcast v42, $0x0;
	v59 =	vld [tilespmem:s28+$0xFFFFFF90];
	v0 =	vmul.f32 $8.000000000e+00, v60;
	v58 =	vadd.s32 v57, v35  }
0x2bc: {  	v51 =	vadd.s32 v6, v39;
	v50 =	vmov s14;
	v5 =	vld [tilespmem:s28+$0xFFFFFFE0];
	v3 =	vadd.s32 v3, v33  }
0x2bd: {  	v49 =	vadd.s32 v10, v37;
	[tilespmem:v52+s22+$0x0] =	vst.idx.msk $0xffff, v0;
	v0 =	vmul.f32 $8.000000000e+00, v48;
	v60 =	vld [tilespmem:s28+$0xFFFFFE20];
	v44 =	vadd.s32 v61, v34  }
0x2be: {  	s0 =	sadd.s32 $0x1, s29;
	s1 =	sadd.s32 $0x4, s29;
	v50 =	vshrl.u32 v50, $0x3;
	v45 =	vadd.s32 v19, v40;
	v62 =	vld [tilespmem:s28+$0xFFFFFE60];
	[tilespmem:v54+s22+$0x0] =	vst.idx.msk $0xffff, v2;
	v2 =	vmul.f32 $8.000000000e+00, v55  }
0x2bf: {  	v47 =	vmov s0;
	v43 =	vmov s1;
	[tilespmem:v63+s22+$0x0] =	vst.idx.msk $0xffff, v0;
	v52 =	vld [tilespmem:s28+$0xFFFFFEA0];
	v0 =	vmul.f32 $8.000000000e+00, v56  }
0x2c0: {  	v47 =	vshrl.u32 v47, $0x3;
	v46 =	vadd.s32 v18, v41;
	v63 =	vld [tilespmem:s28+$0xFFFFFEE0];
	[tilespmem:v58+s22+$0x0] =	vst.idx.msk $0xffff, v2;
	v2 =	vmul.f32 $8.000000000e+00, v59  }
0x2c1: {  	v43 =	vshrl.u32 v43, $0x3;
	v47 =	vshll.u32 v47, v1;
	v54 =	vld [tilespmem:s28+$0xFFFFFF20];
	[tilespmem:v3+s22+$0x0] =	vst.idx.msk $0xffff, v0;
	v0 =	vmul.f32 $8.000000000e+00, v5  }
0x2c2: {  	v42 =	vadd.s32 v15, v36;
	v4 =	vmov s29;
	v5 =	vmul.f32 $8.000000000e+00, v60;
	[tilespmem:v44+s22+$0x0] =	vst.idx.msk $0xffff, v2;
	v55 =	vld [tilespmem:s28+$0xFFFFFF60]  }
0x2c3: {  	v4 =	vshrl.u32 v4, $0x3;
	v61 =	vadd.s32 v30, v35;
	v60 =	vmul.f32 $8.000000000e+00, v62;
	v62 =	vld [tilespmem:s28+$0xFFFFFFA0];
	[tilespmem:v45+s22+$0x0] =	vst.idx.msk $0xffff, v0  }
0x2c4: {  	s31 =	sadd.s32 $0x3, s29;
	v0 =	vshll.u32 v4, v1;
	[tilespmem:v51+s22+$0x0] =	vst.idx.msk $0xffff, v5;
	v4 =	vmul.f32 $8.000000000e+00, v52;
	v5 =	vadd.s32 v28, v33;
	v45 =	vld [tilespmem:s28+$0xFFFFFFF0]  }
0x2c5: {  	v38 =	vmov s31;
	v63 =	vmul.f32 $8.000000000e+00, v63;
	[tilespmem:v46+s22+$0x0] =	vst.idx.msk $0xffff, v60;
	v46 =	vadd.s32 v8, v34;
	v51 =	vld [tilespmem:s28+$0xFFFFFE30]  }
0x2c6: {  	v53 =	vshrl.u32 v38, $0x3;
	v52 =	vld [tilespmem:s28+$0xFFFFFE70];
	[tilespmem:v49+s22+$0x0] =	vst.idx.msk $0xffff, v4;
	v4 =	vmul.f32 $8.000000000e+00, v54;
	v49 =	vadd.s32 v17, v40  }
0x2c7: {  	v48 =	vadd.s32 v20, v37;
	[tilespmem:v42+s22+$0x0] =	vst.idx.msk $0xffff, v63;
	v54 =	vadd.s32 v13, v39;
	v57 =	vld [tilespmem:s28+$0xFFFFFEB0];
	v55 =	vmul.f32 $8.000000000e+00, v55  }
0x2c8: {  	s14 =	sadd.s32 $0x5, s29;
	s31 =	sadd.s32 $0x6, s29;
	v58 =	vadd.s32 v22, v41;
	v41 =	vadd.s32 v9, v41;
	v59 =	vld [tilespmem:s28+$0xFFFFFEF0];
	[tilespmem:v61+s22+$0x0] =	vst.idx.msk $0xffff, v4;
	v4 =	vmul.f32 $8.000000000e+00, v62  }
0x2c9: {  	v3 =	vmov s14;
	v2 =	vmov s31;
	v60 =	vld [tilespmem:s28+$0xFFFFFF30];
	[tilespmem:v5+s22+$0x0] =	vst.idx.msk $0xffff, v55;
	v5 =	vmul.f32 $8.000000000e+00, v45  }
0x2ca: {  	v42 =	vshrl.u32 v2, $0x3;
	v61 =	vadd.s32 v12, v36;
	v2 =	vmul.f32 $8.000000000e+00, v51;
	[tilespmem:v46+s22+$0x0] =	vst.idx.msk $0xffff, v4;
	v62 =	vld [tilespmem:s28+$0xFFFFFF70]  }
0x2cb: {  	p1 =	slt.u32 s29, $0x78;
	v38 =	vbroadcast v0, $0x0;
	v0 =	vmul.f32 $8.000000000e+00, v52;
	v4 =	vadd.s32 v14, v35;
	v63 =	vld [tilespmem:s28+$0xFFFFFFB0];
	[tilespmem:v49+s22+$0x0] =	vst.idx.msk $0xffff, v5  }
.Ltmp11:
0x2cc: {  	v44 =	vshll.u32 v50, v1;
	v3 =	vshrl.u32 v3, $0x3;
	[tilespmem:v54+s22+$0x0] =	vst.idx.msk $0xffff, v2;
	v2 =	vmul.f32 $8.000000000e+00, v57;
	v56 =	vld [tilespmem:s28+$0x0];
	(pc) =	sbr.rel @p1 .LBB2_19-.Ltmp11, $4  }
0x2cd: {  	v55 =	vadd.s32 v11, v33;
	v51 =	vadd.s32 v25, v34;
	[tilespmem:v58+s22+$0x0] =	vst.idx.msk $0xffff, v0;
	v0 =	vmul.f32 $8.000000000e+00, v59;
	v50 =	vld [tilespmem:s28+$0xFFFFFE40]  }
0x2ce: {  	v45 =	vshll.u32 v53, v1;
	v53 =	vadd.s32 v16, v40;
	v52 =	vld [tilespmem:s28+$0xFFFFFE80];
	[tilespmem:v48+s22+$0x0] =	vst.idx.msk $0xffff, v2;
	v2 =	vmul.f32 $8.000000000e+00, v60  }
0x2cf: {  	v46 =	vshll.u32 v43, v1;
	v43 =	vshll.u32 v3, v1;
	[tilespmem:v61+s22+$0x0] =	vst.idx.msk $0xffff, v0;
	v49 =	vld [tilespmem:s28+$0xFFFFFEC0]  }
0x2d0: {  	s30 =	sadd.s32 $0x7, s29;
	s29 =	sadd.s32 $0x8, s29;
	v48 =	vadd.s32 v24, v39;
	v54 =	vld [tilespmem:s28+$0xFFFFFF00];
	v39 =	vmul.f32 $8.000000000e+00, v62;
	[tilespmem:v4+s22+$0x0] =	vst.idx.msk $0xffff, v2;
	v40 =	vmul.f32 $8.000000000e+00, v63  }
0x2d1: {  	_ =	sdelay $0x3  }
0x2d2: {  	v2 =	vadd.s32 v26, v37;
	v3 =	vld [tilespmem:s28+$0xFFFFFF40];
	v4 =	vmul.f32 $8.000000000e+00, v56;
	[tilespmem:v55+s22+$0x0] =	vst.idx.msk $0xffff, v39  }
0x2d3: {  	v36 =	vadd.s32 v21, v36;
	v5 =	vmul.f32 $8.000000000e+00, v50;
	[tilespmem:v51+s22+$0x0] =	vst.idx.msk $0xffff, v40  }
0x2d4: {  	v35 =	vadd.s32 v31, v35;
	v59 =	vmul.f32 $8.000000000e+00, v52;
	[tilespmem:v53+s22+$0x0] =	vst.idx.msk $0xffff, v4  }
0x2d5: {  	v0 =	vmov s30;
	[tilespmem:v48+s22+$0x0] =	vst.idx.msk $0xffff, v5;
	v5 =	vmul.f32 $8.000000000e+00, v49  }
0x2d6: {  	v0 =	vshrl.u32 v0, $0x3;
	[tilespmem:v41+s22+$0x0] =	vst.idx.msk $0xffff, v59;
	v61 =	vmul.f32 $8.000000000e+00, v54  }
0x2d7: {  	v58 =	vld [tilespmem:s28+$0xFFFFFF80];
	v0 =	vshll.u32 v0, v1;
	[tilespmem:v2+s22+$0x0] =	vst.idx.msk $0xffff, v5;
	v2 =	vmul.f32 $8.000000000e+00, v3  }
0x2d8: {  	v0 =	vbroadcast v0, $0x0;
	[tilespmem:v36+s22+$0x0] =	vst.idx.msk $0xffff, v61  }
0x2d9: {  	v33 =	vadd.s32 v29, v33;
	[tilespmem:v35+s22+$0x0] =	vst.idx.msk $0xffff, v2  }
0x2da: {  	v63 =	vadd.s32 v23, v0;
	v23 =	vld [tilespmem:$0x1FEF0];
	_ =	sdelay $0x1  }
0x2db: {  	v40 =	vld [tilespmem:s28+$0xFFFFFFC0];
	v52 =	vmul.f32 $8.000000000e+00, v58  }
0x2dc: {  	v44 =	vbroadcast v44, $0x0;
	s28 =	sadd.s32 $0x200, s28  }
0x2dd: {  	v34 =	vadd.s32 v7, v34;
	v4 =	vld [tilespmem:s28+$0xFFFFFFD0];
	[tilespmem:v33+s22+$0x0] =	vst.idx.msk $0xffff, v52  }
0x2de: {  	v55 =	vadd.s32 v23, v44;
	v23 =	vld [tilespmem:$0x1FF20]  }
0x2df: {  	v60 =	vld [tilespmem:s28+$0xFFFFFE10]  }
0x2e0: {  	v47 =	vbroadcast v47, $0x0;
	v62 =	vld [tilespmem:s28+$0xFFFFFE50];
	v2 =	vmul.f32 $8.000000000e+00, v40  }
0x2e1: {  	v45 =	vbroadcast v45, $0x0;
	v3 =	vadd.s32 v27, v38  }
0x2e2: {  	v53 =	vadd.s32 v32, v47;
	[tilespmem:v34+s22+$0x0] =	vst.idx.msk $0xffff, v2  }
0x2e3: {  	v4 =	vmul.f32 $8.000000000e+00, v4;
	v59 =	vadd.s32 v23, v45;
	v23 =	vld [tilespmem:$0x1FF40]  }
0x2e4: {  	v58 =	vmul.f32 $8.000000000e+00, v60  }
0x2e5: {  	v54 =	vld [tilespmem:s28+$0xFFFFFED0];
	v2 =	vmul.f32 $8.000000000e+00, v62;
	[tilespmem:v63+s22+$0x0] =	vst.idx.msk $0xffff, v4  }
0x2e6: {  	v46 =	vbroadcast v46, $0x0;
	v5 =	vld [tilespmem:s28+$0xFFFFFE90];
	[tilespmem:v3+s22+$0x0] =	vst.idx.msk $0xffff, v58  }
0x2e7: {  	v4 =	vld [tilespmem:$0x1FF60];
	[tilespmem:v53+s22+$0x0] =	vst.idx.msk $0xffff, v2  }
0x2e8: {  	v61 =	vadd.s32 v23, v46;
	v23 =	vld [tilespmem:$0x1FF80]  }
0x2e9: {  	v56 =	vld [tilespmem:s28+$0xFFFFFF10]  }
0x2ea: {  	v42 =	vshll.u32 v42, v1;
	v43 =	vbroadcast v43, $0x0;
	v60 =	vld [tilespmem:s28+$0xFFFFFF50]  }
0x2eb: {  	v42 =	vbroadcast v42, $0x0;
	v62 =	vld [tilespmem:s28+$0xFFFFFF90]  }
0x2ec: {  	v3 =	vmul.f32 $8.000000000e+00, v5;
	v5 =	vld [tilespmem:s28+$0xFFFFFFE0];
	v4 =	vadd.s32 v4, v43  }
0x2ed: {  	v33 =	vld [tilespmem:s28+$0xFFFFFE20];
	v2 =	vmul.f32 $8.000000000e+00, v54;
	v63 =	vadd.s32 v23, v42  }
0x2ee: {  	v53 =	vadd.s32 v19, v0;
	v52 =	vld [tilespmem:s28+$0xFFFFFE60];
	[tilespmem:v55+s22+$0x0] =	vst.idx.msk $0xffff, v3;
	v3 =	vmul.f32 $8.000000000e+00, v56  }
0x2ef: {  	v54 =	vadd.s32 v6, v38;
	[tilespmem:v59+s22+$0x0] =	vst.idx.msk $0xffff, v2;
	v2 =	vmul.f32 $8.000000000e+00, v60;
	v55 =	vld [tilespmem:s28+$0xFFFFFEA0]  }
0x2f0: {  	v56 =	vadd.s32 v18, v47;
	v58 =	vld [tilespmem:s28+$0xFFFFFEE0];
	[tilespmem:v61+s22+$0x0] =	vst.idx.msk $0xffff, v3;
	v3 =	vmul.f32 $8.000000000e+00, v62  }
0x2f1: {  	v59 =	vadd.s32 v10, v44;
	v60 =	vld [tilespmem:s28+$0xFFFFFF20];
	[tilespmem:v4+s22+$0x0] =	vst.idx.msk $0xffff, v2;
	v2 =	vmul.f32 $8.000000000e+00, v5  }
0x2f2: {  	v4 =	vmul.f32 $8.000000000e+00, v33;
	v5 =	vadd.s32 v15, v45;
	v61 =	vld [tilespmem:s28+$0xFFFFFF60];
	[tilespmem:v63+s22+$0x0] =	vst.idx.msk $0xffff, v3  }
0x2f3: {  	v62 =	vadd.s32 v30, v46;
	[tilespmem:v53+s22+$0x0] =	vst.idx.msk $0xffff, v2;
	v3 =	vmul.f32 $8.000000000e+00, v52;
	v63 =	vld [tilespmem:s28+$0xFFFFFFA0]  }
0x2f4: {  	[tilespmem:v54+s22+$0x0] =	vst.idx.msk $0xffff, v4;
	v2 =	vmul.f32 $8.000000000e+00, v55;
	v4 =	vadd.s32 v28, v43;
	v35 =	vld [tilespmem:s28+$0xFFFFFFF0]  }
0x2f5: {  	v40 =	vld [tilespmem:s28+$0xFFFFFE30];
	v52 =	vadd.s32 v8, v42;
	[tilespmem:v56+s22+$0x0] =	vst.idx.msk $0xffff, v3;
	v3 =	vmul.f32 $8.000000000e+00, v58  }
0x2f6: {  	v54 =	vadd.s32 v17, v0;
	[tilespmem:v59+s22+$0x0] =	vst.idx.msk $0xffff, v2;
	v2 =	vmul.f32 $8.000000000e+00, v60;
	v53 =	vld [tilespmem:s28+$0xFFFFFE70]  }
0x2f7: {  	v55 =	vadd.s32 v13, v38;
	v56 =	vld [tilespmem:s28+$0xFFFFFEB0];
	[tilespmem:v5+s22+$0x0] =	vst.idx.msk $0xffff, v3;
	v3 =	vmul.f32 $8.000000000e+00, v61  }
0x2f8: {  	[tilespmem:v62+s22+$0x0] =	vst.idx.msk $0xffff, v2;
	v5 =	vadd.s32 v22, v47;
	v58 =	vld [tilespmem:s28+$0xFFFFFEF0];
	v2 =	vmul.f32 $8.000000000e+00, v63  }
0x2f9: {  	v59 =	vadd.s32 v20, v44;
	v60 =	vld [tilespmem:s28+$0xFFFFFF30];
	[tilespmem:v4+s22+$0x0] =	vst.idx.msk $0xffff, v3;
	v3 =	vmul.f32 $8.000000000e+00, v35  }
0x2fa: {  	v61 =	vadd.s32 v12, v45;
	v4 =	vmul.f32 $8.000000000e+00, v40;
	v62 =	vld [tilespmem:s28+$0xFFFFFF70];
	[tilespmem:v52+s22+$0x0] =	vst.idx.msk $0xffff, v2  }
0x2fb: {  	v63 =	vadd.s32 v14, v46;
	v2 =	vmul.f32 $8.000000000e+00, v53;
	[tilespmem:v54+s22+$0x0] =	vst.idx.msk $0xffff, v3;
	v52 =	vld [tilespmem:s28+$0xFFFFFFB0]  }
0x2fc: {  	[tilespmem:v55+s22+$0x0] =	vst.idx.msk $0xffff, v4;
	v3 =	vmul.f32 $8.000000000e+00, v56;
	v4 =	vadd.s32 v11, v43;
	v34 =	vld [tilespmem:s28+$0x0]  }
0x2fd: {  	v41 =	vld [tilespmem:s28+$0xFFFFFE40];
	[tilespmem:v5+s22+$0x0] =	vst.idx.msk $0xffff, v2;
	v2 =	vmul.f32 $8.000000000e+00, v58;
	v5 =	vadd.s32 v25, v42  }
0x2fe: {  	v0 =	vadd.s32 v16, v0;
	[tilespmem:v59+s22+$0x0] =	vst.idx.msk $0xffff, v3;
	v3 =	vmul.f32 $8.000000000e+00, v60;
	v53 =	vld [tilespmem:s28+$0xFFFFFE80]  }
0x2ff: {  	v54 =	vadd.s32 v24, v38;
	v55 =	vld [tilespmem:s28+$0xFFFFFEC0];
	[tilespmem:v61+s22+$0x0] =	vst.idx.msk $0xffff, v2;
	v2 =	vmul.f32 $8.000000000e+00, v62  }
0x300: {  	v57 =	vmov v26;
	v56 =	vadd.s32 v9, v47;
	[tilespmem:v63+s22+$0x0] =	vst.idx.msk $0xffff, v3;
	v58 =	vld [tilespmem:s28+$0xFFFFFF00];
	v3 =	vmul.f32 $8.000000000e+00, v52  }
0x301: {  	v59 =	vadd.s32 v57, v44;
	v60 =	vld [tilespmem:s28+$0xFFFFFF40];
	[tilespmem:v4+s22+$0x0] =	vst.idx.msk $0xffff, v2;
	v2 =	vmul.f32 $8.000000000e+00, v34  }
0x302: {  	v61 =	vadd.s32 v21, v45;
	v4 =	vmul.f32 $8.000000000e+00, v41;
	v62 =	vld [tilespmem:s28+$0xFFFFFF80];
	[tilespmem:v5+s22+$0x0] =	vst.idx.msk $0xffff, v3  }
0x303: {  	v3 =	vmul.f32 $8.000000000e+00, v53;
	v5 =	vadd.s32 v31, v46;
	[tilespmem:v0+s22+$0x0] =	vst.idx.msk $0xffff, v2;
	v63 =	vld [tilespmem:s28+$0xFFFFFFC0]  }
0x304: {  	[tilespmem:v54+s22+$0x0] =	vst.idx.msk $0xffff, v4;
	v0 =	vmul.f32 $8.000000000e+00, v55;
	v2 =	vadd.s32 v29, v43  }
0x305: {  	v4 =	vadd.s32 v7, v42;
	[tilespmem:v56+s22+$0x0] =	vst.idx.msk $0xffff, v3;
	v3 =	vmul.f32 $8.000000000e+00, v58  }
0x306: {  	[tilespmem:v59+s22+$0x0] =	vst.idx.msk $0xffff, v0;
	v0 =	vmul.f32 $8.000000000e+00, v60  }
0x307: {  	[tilespmem:v61+s22+$0x0] =	vst.idx.msk $0xffff, v3;
	v3 =	vmul.f32 $8.000000000e+00, v62  }
0x308: {  	[tilespmem:v5+s22+$0x0] =	vst.idx.msk $0xffff, v0;
	v0 =	vmul.f32 $8.000000000e+00, v63  }
0x309: {  	[tilespmem:v2+s22+$0x0] =	vst.idx.msk $0xffff, v3  }
0x30a: {  	s14 =	sadd.s32 s26, s9;
	s0 =	simm.s32 $0x10600;
	[tilespmem:v4+s22+$0x0] =	vst.idx.msk $0xffff, v0  }
0x30b: {  	[hbm4b:s14+s3] =	stream.linear.scatter [tilespmem:s0], [sflag:$0x2], $0x80, $0x38;
	[tilespmem:$0x12800] =	vst v63  }
0x30c: {  	s26 =	simm.s32 $0x10688;
	s1 =	sadd.s32 $0x10, s14  }
0x30d: {  	[hbm4b:s1+s3] =	stream.linear.scatter [tilespmem:s26], [sflag:$0x2], $0x80, $0x38;
	[tilespmem:$0x12800] =	vst v63  }
0x30e: {  	s30 =	simm.s32 $0x10710;
	s29 =	simm.s32 $0x2200;
	s31 =	sadd.s32 $0x20, s14  }
0x30f: {  	[hbm4b:s31+s3] =	stream.linear.scatter [tilespmem:s30], [sflag:$0x2], $0x80, $0x38;
	[tilespmem:$0x12800] =	vst v63  }
0x310: {  	s28 =	sadd.s32 $0x1000, s14;
	s1 =	simm.s32 $0x10798;
	s26 =	sadd.s32 $0x30, s14  }
0x311: {  	[hbm4b:s26+s3] =	stream.linear.scatter [tilespmem:s1], [sflag:$0x2], $0x80, $0x38;
	[tilespmem:$0x12800] =	vst v63  }
0x312: {  	s0 =	sadd.s32 $0x70, s14;
	s30 =	simm.s32 $0x10820;
	s31 =	sadd.s32 $0x40, s14  }
0x313: {  	[hbm4b:s31+s3] =	stream.linear.scatter [tilespmem:s30], [sflag:$0x2], $0x80, $0x38;
	[tilespmem:$0x12800] =	vst v63  }
0x314: {  	s1 =	simm.s32 $0x108A8;
	s26 =	sadd.s32 $0x50, s14;
	s30 =	simm.s32 $0x10930  }
0x315: {  	v26 =	vmov v15;
	[hbm4b:s26+s3] =	stream.linear.scatter [tilespmem:s1], [sflag:$0x2], $0x80, $0x38;
	[tilespmem:$0x12800] =	vst v63  }
0x316: {  	v17 =	vmovc v6;
	v21 =	vmovc v10;
	v10 =	vmov v12;
	v31 =	vmov v57;
	v29 =	vmov v11;
	s31 =	sadd.s32 $0x60, s14;
	s26 =	simm.s32 $0x440;
	s1 =	simm.s32 $0x109B8  }
0x317: {  	v7 =	vmovc v8;
	v11 =	vmovc v25;
	v8 =	vmov v16;
	v63 =	vmov v28;
	v0 =	vmov v13;
	[hbm4b:s31+s3] =	stream.linear.scatter [tilespmem:s30], [sflag:$0x2], $0x80, $0x38;
	[tilespmem:$0x12800] =	vst v63  }
.LBB2_21:
0x318: {  	[hbm4b:s0+s3] =	stream.linear.scatter [tilespmem:s1], [sflag:$0x2], $0x80, $0x38;
	[tilespmem:$0x12800] =	vst v63  }
0x319: {  	s0 =	smov.u32 s26;
	s1 =	smov.u32 s29  }
0x31a: {  	s14 =	sadd.s32 $0x1100, s29;
	s26 =	sshra.s32 s1, $0x2;
	s1 =	sadd.s32 $0x10600, s0  }
0x31b: {  	[hbm4b:s28+s3] =	stream.linear.scatter [tilespmem:s1], [sflag:$0x2], $0x80, $0x38;
	[tilespmem:$0x12800] =	vst v63  }
0x31c: {  	p1 =	sne.s32 s29, $0x7700;
	s29 =	sadd.s32 $0x10, s28;
	s1 =	sadd.s32 $0x10688, s0  }
0x31d: {  	[hbm4b:s29+s3] =	stream.linear.scatter [tilespmem:s1], [sflag:$0x2], $0x80, $0x38;
	[tilespmem:$0x12800] =	vst v63  }
0x31e: {  	s1 =	sadd.s32 $0x10710, s0;
	s29 =	sadd.s32 $0x20, s28  }
0x31f: {  	[hbm4b:s29+s3] =	stream.linear.scatter [tilespmem:s1], [sflag:$0x2], $0x80, $0x38;
	[tilespmem:$0x12800] =	vst v63  }
0x320: {  	s1 =	sadd.s32 $0x10798, s0;
	s29 =	sadd.s32 $0x30, s28  }
0x321: {  	[hbm4b:s29+s3] =	stream.linear.scatter [tilespmem:s1], [sflag:$0x2], $0x80, $0x38;
	[tilespmem:$0x12800] =	vst v63  }
0x322: {  	s1 =	sadd.s32 $0x10820, s0;
	s29 =	sadd.s32 $0x40, s28  }
0x323: {  	[hbm4b:s29+s3] =	stream.linear.scatter [tilespmem:s1], [sflag:$0x2], $0x80, $0x38;
	[tilespmem:$0x12800] =	vst v63  }
0x324: {  	s1 =	sadd.s32 $0x108A8, s0;
	s29 =	sadd.s32 $0x50, s28  }
0x325: {  	[hbm4b:s29+s3] =	stream.linear.scatter [tilespmem:s1], [sflag:$0x2], $0x80, $0x38;
	[tilespmem:$0x12800] =	vst v63  }
.Ltmp12:
0x326: {  	_ = 	snop;
	(pc) =	sbr.rel @p1 .LBB2_21-.Ltmp12, $4  }
0x327: {  	s1 =	sadd.s32 $0x10930, s0;
	s29 =	sadd.s32 $0x60, s28  }
0x328: {  	[hbm4b:s29+s3] =	stream.linear.scatter [tilespmem:s1], [sflag:$0x2], $0x80, $0x38;
	[tilespmem:$0x12800] =	vst v63  }
0x329: {  	s1 =	sadd.s32 $0x109B8, s0  }
0x32a: {  	s0 =	sadd.s32 $0x70, s28;
	s28 =	sadd.s32 $0x1000, s28;
	s29 =	smov.u32 s14  }
0x32b: {  	[hbm4b:s0+s3] =	stream.linear.scatter [tilespmem:s1], [sflag:$0x2], $0x80, $0x38;
	[tilespmem:$0x12800] =	vst v63  }
0x32c: {  	s29 =	sadd.s32 $0x10600, s26  }
0x32d: {  	[hbm4b:s28+s3] =	stream.linear.scatter [tilespmem:s29], [sflag:$0x2], $0x80, $0x38;
	[tilespmem:$0x12800] =	vst v63  }
0x32e: {  	s30 =	sadd.s32 $0x10688, s26;
	s31 =	sadd.s32 $0x10, s28  }
0x32f: {  	[hbm4b:s31+s3] =	stream.linear.scatter [tilespmem:s30], [sflag:$0x2], $0x80, $0x38;
	[tilespmem:$0x12800] =	vst v63  }
0x330: {  	s14 =	sadd.s32 $0x10710, s26;
	s29 =	sadd.s32 $0x20, s28  }
0x331: {  	[hbm4b:s29+s3] =	stream.linear.scatter [tilespmem:s14], [sflag:$0x2], $0x80, $0x38;
	[tilespmem:$0x12800] =	vst v63  }
0x332: {  	s30 =	sadd.s32 $0x10798, s26;
	s31 =	sadd.s32 $0x30, s28  }
0x333: {  	[hbm4b:s31+s3] =	stream.linear.scatter [tilespmem:s30], [sflag:$0x2], $0x80, $0x38;
	[tilespmem:$0x12800] =	vst v63  }
0x334: {  	s14 =	sadd.s32 $0x10820, s26;
	s29 =	sadd.s32 $0x40, s28  }
0x335: {  	[hbm4b:s29+s3] =	stream.linear.scatter [tilespmem:s14], [sflag:$0x2], $0x80, $0x38;
	[tilespmem:$0x12800] =	vst v63  }
0x336: {  	s30 =	sadd.s32 $0x108A8, s26;
	s31 =	sadd.s32 $0x50, s28  }
0x337: {  	[hbm4b:s31+s3] =	stream.linear.scatter [tilespmem:s30], [sflag:$0x2], $0x80, $0x38;
	[tilespmem:$0x12800] =	vst v63  }
.Ltmp13:
0x338: {  	_ = 	snop;
	(pc) =	sbr.rel @p0 .LBB2_24-.Ltmp13, $4  }
0x339: {  	s14 =	sadd.s32 $0x10930, s26;
	s29 =	sadd.s32 $0x60, s28  }
0x33a: {  	[hbm4b:s29+s3] =	stream.linear.scatter [tilespmem:s14], [sflag:$0x2], $0x80, $0x38;
	[tilespmem:$0x12800] =	vst v63  }
0x33b: {  	s30 =	sadd.s32 $0x109B8, s26;
	s31 =	sadd.s32 $0x70, s28  }
0x33c: {  	[hbm4b:s31+s3] =	stream.linear.scatter [tilespmem:s30], [sflag:$0x2], $0x80, $0x38;
	[tilespmem:$0x12800] =	vst v63  }
0x33d: {  	v9 =	vld [tilespmem:$0x1FEB0]  }
0x33e: {  	v12 =	vld [tilespmem:$0x1FEC0]  }
0x33f: {  	v13 =	vld [tilespmem:$0x1FED0]  }
0x340: {  	v16 =	vld [tilespmem:$0x1FEE0]  }
0x341: {  	v20 =	vld [tilespmem:$0x1FEF0]  }
0x342: {  	v22 =	vld [tilespmem:$0x1FF00]  }
0x343: {  	v28 =	vld [tilespmem:$0x1FF20]  }
0x344: {  	v32 =	vld [tilespmem:$0x1FF40]  }
0x345: {  	v4 =	vld [tilespmem:$0x1FF50]  }
.Ltmp14:
0x346: {  	v15 =	vld [tilespmem:$0x1FF60];
	(pc) =	sbr.rel .LBB2_2-.Ltmp14, $4  }
0x347: {  	v19 =	vld [tilespmem:$0x1FF80]  }
0x348: {  	s0 =	sshrl.u32 s25, $0x2;
	v3 =	vld [tilespmem:$0x1FFB0]  }
0x349: {  	s24 =	sadd.s32 $0x1, s24;
	v5 =	vld [tilespmem:$0x1FFC0];
	s0 =	sadd.s32 $0x380, s0  }
0x34a: {  	v23 =	vld [tilespmem:$0x1FFD0];
	[tilespmem:s18], [sflag:$0x1] =	stream.indirect.gather [hbm4b:s4+s12], $0x40, s0, s12, $0xb8  }
.LBB2_25:
0x34b: {  	_ =	sfence.sel $0x180000  }
0x34c: {  	[bflag:$0x0] =	sbarrier.arrive $0xFFFF  }
0x34d: {  	_ =	strace $0x9000004A  }
0x34e: {  	s0 =	stileid.u32;
	[bflag:$0x2] =	sbarrier.arrive $0xFFFF  }
0x34f: {  	p0 =	sne.s32 s0, $0x0;
	s0 =	rddreg [dreg:$0x2]  }
0x350: {  	s0 =	sadd.s32 @!p0 $0x100000, s0  }
0x351: {  	[sflag:s0] =	ssyncadd.tile.s32 @!p0 $0x1;
	_ =	shalt  }
.Lfunc_end2:
_tile_overlayer_lowered:
.L_overlay_start_2:
0x352: {  	(tag) =	ssettag $0x2  }
0x353: {  	s0 =	rddreg [dreg:$0x0];
	s2 =	stileid.u32  }
0x354: {  	s1 =	rddreg [dreg:$0x1];
	p0 =	sne.s32 s2, $0x0  }
0x355: {  	s3 =	rddreg [dreg:$0x2];
	[bflag:$0x3] =	sbarrier.arrive $0xFFFF;
	s2 =	simm.s32 @!p0 $0x1C03  }
0x356: {  	[timem:s3], [sflag:s2] =	dma.local @!p0 [hbm:s0], s1  }
0x357: {  	s0 =	simm.s32 @!p0 $0x3  }
0x358: {  	_ =	swait.ge @!p0 [sflag:s0], s1  }
0x359: {  	s1 =	ssub.s32 @!p0 $0x0, s1;
	[sflag:s0] =	ssyncset.done @!p0 $0x0  }
0x35a: {  	[sflag:s0] =	ssyncadd.s32 @!p0 s1  }
0x35b: {  	[bflag:$0x3] =	sbarrier.arrive $0xFFFF  }
0x35c: {  	_ =	shalt  }

</sc_bundles>
